<compile_context>
chip_gen: v7x
topology: tpu7x:2x2x1
jax: 0.10.2.dev20260603
libtpu: 0.0.44.dev20260713+nightly
codegen_flags: <defaults>
</compile_context>

<pallas_src>
import functools

import jax
import jax.numpy as jnp
from jax import lax
from jax.experimental import pallas as pl
from jax.experimental.pallas import tpu as pltpu
from jax.experimental.pallas import tpu_sc as plsc

N = 10000
D = 128
H = 256
HH = H // 2
E = 320000

NC = 2
NS = 16
CH = 120
NCH = 168
BLK = 8
NBLK = NCH // BLK
NBUF = 3
EPT = NCH * CH
EPAD = EPT * NS

NP = N + 8
INITR = 632
OUTR = 632

_f32 = jnp.float32
_i32 = jnp.int32


def _sc_mesh():
    return plsc.VectorSubcoreMesh(core_axis_name="c", subcore_axis_name="s")


def _agg_body(y_hbm, src_hbm, dst_hbm, out_hbm, sidx, didx, rows0, rows1,
              rows2, acc, sem0, sem1, sem2):
    c = lax.axis_index("c")
    s = lax.axis_index("s")
    ibase = c * NP + jnp.minimum(s * INITR, NP - INITR)
    iacc = jnp.minimum(s * INITR, NP - INITR)
    pltpu.sync_copy(y_hbm.at[pl.ds(ibase, INITR)], acc.at[pl.ds(iacc, INITR)])
    plsc.subcore_barrier()

    rows = (rows0, rows1, rows2)
    sems = (sem0, sem1, sem2)

    def _block(bi, carry):
        pltpu.sync_copy(src_hbm.at[c, s, pl.ds(bi * BLK, BLK)], sidx)
        pltpu.sync_copy(dst_hbm.at[s, pl.ds(bi * BLK, BLK)], didx)
        descs = [None] * BLK
        for j in range(NBUF - 1):
            descs[j] = pltpu.async_copy(y_hbm.at[sidx.at[j]], rows[j % NBUF],
                                        sems[j % NBUF])
        for j in range(BLK):
            descs[j].wait()
            if j + NBUF - 1 < BLK:
                k = j + NBUF - 1
                descs[k] = pltpu.async_copy(y_hbm.at[sidx.at[k]],
                                            rows[k % NBUF], sems[k % NBUF])
            pltpu.sync_copy(rows[j % NBUF], acc.at[didx.at[j]], add=True)
        return carry

    lax.fori_loop(0, NBLK, _block, 0)
    plsc.subcore_barrier()
    obase = jnp.minimum(s * OUTR, N - OUTR)
    pltpu.sync_copy(acc.at[pl.ds(obase, OUTR)],
                    out_hbm.at[pl.ds(c * N + obase, OUTR)])


_agg_call = functools.partial(
    pl.kernel,
    out_type=jax.ShapeDtypeStruct((NC * N, HH), _f32),
    mesh=_sc_mesh(),
    scratch_types=[
        pltpu.VMEM((BLK, CH), _i32),
        pltpu.VMEM((BLK, CH), _i32),
        pltpu.VMEM((CH, HH), _f32),
        pltpu.VMEM((CH, HH), _f32),
        pltpu.VMEM((CH, HH), _f32),
        pltpu.VMEM_SHARED((NP, HH), _f32),
        pltpu.SemaphoreType.DMA,
        pltpu.SemaphoreType.DMA,
        pltpu.SemaphoreType.DMA,
    ],
)(_agg_body)


def _deg_body(y_hbm, dst_hbm, out_hbm, didx, rows, acc):
    c = lax.axis_index("c")
    s = lax.axis_index("s")
    ibase = c * NP + jnp.minimum(s * INITR, NP - INITR)
    iacc = jnp.minimum(s * INITR, NP - INITR)
    pltpu.sync_copy(y_hbm.at[pl.ds(ibase, INITR)], acc.at[pl.ds(iacc, INITR)])
    pltpu.sync_copy(y_hbm.at[pl.ds(0, CH)], rows)
    plsc.subcore_barrier()

    def _block(bi, carry):
        pltpu.sync_copy(dst_hbm.at[s, pl.ds(bi * BLK, BLK)], didx)

        def _chunk(j, carry2):
            pltpu.sync_copy(rows, acc.at[didx.at[j]], add=True)
            return carry2

        lax.fori_loop(0, BLK, _chunk, 0)
        return carry

    lax.fori_loop(0, NBLK, _block, 0)
    plsc.subcore_barrier()
    obase = jnp.minimum(s * OUTR, N - OUTR)
    pltpu.sync_copy(acc.at[pl.ds(obase, OUTR)],
                    out_hbm.at[pl.ds(c * N + obase, OUTR)])


_deg_call = functools.partial(
    pl.kernel,
    out_type=jax.ShapeDtypeStruct((NC * N, HH), _f32),
    mesh=_sc_mesh(),
    scratch_types=[
        pltpu.VMEM((BLK, CH), _i32),
        pltpu.VMEM((CH, HH), _f32),
        pltpu.VMEM_SHARED((NP, HH), _f32),
    ],
)(_deg_body)


def _first_body(x_ref, w_ref, deg_ref, y_ref, dinv_ref):
    dinv = lax.rsqrt(deg_ref[...])
    xw = jnp.dot(x_ref[...], w_ref[...], preferred_element_type=_f32)
    y = xw * dinv
    y_ref[:N, :] = y[:, :HH]
    y_ref[NP:NP + N, :] = y[:, HH:]
    dinv_ref[...] = dinv


_first_call = pl.pallas_call(
    _first_body,
    out_shape=(
        jax.ShapeDtypeStruct((NC * NP, HH), _f32),
        jax.ShapeDtypeStruct((N, 1), _f32),
    ),
)


def _mid_body(a_ref, dinv_ref, b_ref, w_ref, y_ref):
    dinv = dinv_ref[...]
    b = b_ref[...]
    h0 = jnp.maximum(a_ref[:N] * dinv + b[:HH], 0.0)
    h1 = jnp.maximum(a_ref[N:] * dinv + b[HH:], 0.0)
    y = (jnp.dot(h0, w_ref[:HH, :], preferred_element_type=_f32)
         + jnp.dot(h1, w_ref[HH:, :], preferred_element_type=_f32)) * dinv
    y_ref[:N, :] = y[:, :HH]
    y_ref[NP:NP + N, :] = y[:, HH:]


_mid_call = pl.pallas_call(
    _mid_body,
    out_shape=jax.ShapeDtypeStruct((NC * NP, HH), _f32),
)


def _head_body(a_ref, dinv_ref, b_ref, x_ref, fw1_ref, fb1_ref, fw2_ref,
               fb2_ref, iw_ref, ib_ref, mw_ref, mb_ref, is_ref, mc_ref):
    dinv = dinv_ref[...]
    b = b_ref[...]
    h0 = jnp.maximum(a_ref[:N] * dinv + b[:HH], 0.0)
    h1 = jnp.maximum(a_ref[N:] * dinv + b[HH:], 0.0)
    m0 = jnp.mean(h0, axis=0, keepdims=True)
    m1 = jnp.mean(h1, axis=0, keepdims=True)

    xv = x_ref[...]
    col = lambda i: xv[:, i:i + 1]
    ssum = lambda v: jnp.sum(v, axis=0, keepdims=True)
    n_comp = ssum(col(2))
    n_and = ssum(col(3))
    n_or = ssum(col(4))
    comp = col(2) == 1.0
    cnt = ssum(comp.astype(_f32))
    sum_l = ssum(jnp.where(comp, col(0), 0.0))
    sum_m = ssum(jnp.where(comp, col(1), 0.0))
    avg_l = jnp.where(cnt > 0, sum_l / jnp.maximum(cnt, 1.0), 0.0)
    avg_m = jnp.where(cnt > 0, sum_m / jnp.maximum(cnt, 1.0), 0.0)
    t_norm = jnp.full((1, 1), 100.0 / 500.0, _f32)
    t_fac = jnp.full((1, 1), 1.0 + 6.0 * (1.0 - 100.0 / 500.0) ** 1.5, _f32)
    gf = jnp.concatenate(
        [n_comp, n_and, n_or, n_and + n_or, avg_l, avg_m, t_norm, t_fac],
        axis=1)

    emb = jnp.concatenate([m0, m1, gf], axis=1)
    f = jnp.maximum(
        jnp.dot(emb, fw1_ref[...], preferred_element_type=_f32) + fb1_ref[...],
        0.0)
    f = jnp.maximum(
        jnp.dot(f, fw2_ref[...], preferred_element_type=_f32) + fb2_ref[...],
        0.0)
    is_ref[...] = jnp.dot(f, iw_ref[...], preferred_element_type=_f32) + ib_ref[...]
    mc_ref[...] = jnp.dot(f, mw_ref[...], preferred_element_type=_f32) + mb_ref[...]


_head_call = pl.pallas_call(
    _head_body,
    out_shape=(
        jax.ShapeDtypeStruct((1, 6), _f32),
        jax.ShapeDtypeStruct((1, 6), _f32),
    ),
)


def kernel(x, edge_index, W1, b1, W2, b2, W3, b3, fcW1, fcb1, fcW2, fcb2,
           isW, isb, mcW, mcb):
    pad = jnp.full((EPAD - E,), N, _i32)
    srcr = jnp.concatenate([edge_index[0], pad]).reshape(NS, NCH, CH)
    dstr = jnp.concatenate([edge_index[1], pad]).reshape(NS, NCH, CH)
    srcc = jnp.stack([srcr, srcr + NP])

    ones_y = jnp.ones((NC * NP, HH), _f32)
    deg_col = _deg_call(ones_y, dstr)[:N, 0:1]

    y, dinv = _first_call(x, W1, deg_col)
    agg = _agg_call(y, srcc, dstr)
    y = _mid_call(agg, dinv, b1, W2)
    agg = _agg_call(y, srcc, dstr)
    y = _mid_call(agg, dinv, b2, W3)
    agg = _agg_call(y, srcc, dstr)
    return _head_call(agg, dinv, b3, x, fcW1, fcb1, fcW2, fcb2,
                      isW, isb, mcW, mcb)

# --- scband reference (transcript-rebuilt; emitter-appended) ---
"""Pipeline reference for scband-sample-predictor-36318243455434 (READ-ONLY COPY).

The authoritative reference and input builder live on the scoring server;
editing this copy changes nothing except your own understanding.
"""

import jax, jax.numpy as jnp
import numpy as np

N = 10000
E = 320000
D = 128
H = 256
NB = 6  # len(IS_BUCKETS) == len(MC_BUCKETS)


def setup_inputs(seed: int = 0) -> dict:
    key = jax.random.key(seed)
    ks = jax.random.split(key, 20)
    x = jax.random.normal(ks[0], (N, D), dtype=jnp.float32)
    edge_index = jax.random.randint(ks[1], (2, E), 0, N, dtype=jnp.int32)
    def lin(k, fan_in, fan_out):
        return jax.random.normal(k, (fan_in, fan_out), dtype=jnp.float32) / np.sqrt(fan_in)
    W1 = lin(ks[2], D, H); b1 = jnp.zeros((H,), jnp.float32)
    W2 = lin(ks[3], H, H); b2 = jnp.zeros((H,), jnp.float32)
    W3 = lin(ks[4], H, H); b3 = jnp.zeros((H,), jnp.float32)
    fcW1 = lin(ks[5], H + 8, 64); fcb1 = jnp.zeros((64,), jnp.float32)
    fcW2 = lin(ks[6], 64, 32); fcb2 = jnp.zeros((32,), jnp.float32)
    isW = lin(ks[7], 32, NB); isb = jnp.zeros((NB,), jnp.float32)
    mcW = lin(ks[8], 32, NB); mcb = jnp.zeros((NB,), jnp.float32)
    return {"x": x, "edge_index": edge_index, "W1": W1, "b1": b1, "W2": W2, "b2": b2, "W3": W3, "b3": b3, "fcW1": fcW1, "fcb1": fcb1, "fcW2": fcW2, "fcb2": fcb2, "isW": isW, "isb": isb, "mcW": mcW, "mcb": mcb}


def _gcn_conv(x, src, dst, W, b, n_nodes):
    # PyG GCNConv with add_self_loops already applied to (src, dst)
    xw = x @ W
    deg = jnp.zeros((n_nodes,), xw.dtype).at[dst].add(1.0)
    dinv = jnp.where(deg > 0, jax.lax.rsqrt(deg), 0.0)
    norm = dinv[src] * dinv[dst]
    msg = xw[src] * norm[:, None]
    out = jnp.zeros((n_nodes, W.shape[1]), xw.dtype).at[dst].add(msg)
    return out + b


def _global_features(x0, T=100.0, T_max=500.0):
    n_comp = jnp.sum(x0[:, 2])
    n_AND = jnp.sum(x0[:, 3])
    n_OR = jnp.sum(x0[:, 4])
    comp_mask = x0[:, 2] == 1.0
    cnt = jnp.sum(comp_mask.astype(jnp.float32))
    avg_lambda = jnp.where(cnt > 0, jnp.sum(jnp.where(comp_mask, x0[:, 0], 0.0)) / jnp.maximum(cnt, 1.0), 0.0)
    avg_mu = jnp.where(cnt > 0, jnp.sum(jnp.where(comp_mask, x0[:, 1], 0.0)) / jnp.maximum(cnt, 1.0), 0.0)
    depth = n_AND + n_OR
    T_normalized = T / T_max
    T_factor = 1.0 + 6.0 * (1.0 - T_normalized) ** 1.5
    return jnp.stack([n_comp, n_AND, n_OR, depth, avg_lambda, avg_mu, jnp.float32(T_normalized), jnp.float32(T_factor)]).reshape(1, 8)


def reference(x, edge_index, W1, b1, W2, b2, W3, b3, fcW1, fcb1, fcW2, fcb2, isW, isb, mcW, mcb):
    n_nodes = x.shape[0]
    loop = jnp.arange(n_nodes, dtype=edge_index.dtype)
    src = jnp.concatenate([edge_index[0], loop])
    dst = jnp.concatenate([edge_index[1], loop])
    h = jax.nn.relu(_gcn_conv(x, src, dst, W1, b1, n_nodes))
    h = jax.nn.relu(_gcn_conv(h, src, dst, W2, b2, n_nodes))
    h = jax.nn.relu(_gcn_conv(h, src, dst, W3, b3, n_nodes))
    # batch is all-zeros -> global_mean_pool == mean over all nodes
    embedding = jnp.mean(h, axis=0, keepdims=True)
    gf = _global_features(x)
    emb = jnp.concatenate([embedding, gf], axis=1)
    f = jax.nn.relu(emb @ fcW1 + fcb1)  # dropout is identity in eval
    f = jax.nn.relu(f @ fcW2 + fcb2)
    is_logits = f @ isW + isb
    mc_logits = f @ mcW + mcb
    return (is_logits, mc_logits)

if __name__ == "__main__":
    import jax
    _d = setup_inputs()
    print(jax.jit(kernel)(*tuple(_d.values())))

</pallas_src>

<mosaic_0001>
#map = affine_map<(d0, d1) -> (0, 0)>
#map1 = affine_map<(d0, d1) -> (0, 0, 0)>
module attributes {stable_mosaic.version = 14 : i64} {
  func.func @_deg_body(%arg0: i32, %arg1: i32, %arg2: memref<20016x128xf32, #tpu.memory_space<hbm>>, %arg3: memref<16x168x120xi32, #tpu.memory_space<hbm>>, %arg4: memref<20000x128xf32, #tpu.memory_space<hbm>>, %arg5: memref<8x120xi32, #tpu.memory_space<vmem>>, %arg6: memref<120x128xf32, #tpu.memory_space<vmem>>, %arg7: memref<10008x128xf32, #tpu.memory_space<vmem_shared>>) attributes {dimension_semantics = [#tpu.dimension_semantics<core_parallel>, #tpu.dimension_semantics<subcore_parallel>], iteration_bounds = array<i64: 2, 16>, scalar_prefetch = 0 : i64, scratch_operands = 3 : i64, tpu.core_type = #tpu.core_type<sc_vector_subcore>, window_params = [{transform_indices = #map}, {transform_indices = #map1}, {transform_indices = #map}]} {
    %mul3A = arith.constant 10008 : i32
    %mul3A_0 = arith.muli %arg0, %mul3A : i32
    %mul3A_1 = arith.constant 632 : i32
    %mul3A_2 = arith.muli %arg1, %mul3A_1 : i32
    %min3A = arith.constant 9376 : i32
    %min3A_3 = arith.minsi %mul3A_2, %min3A : i32
    %add3A = arith.addi %mul3A_0, %min3A_3 : i32
    %mul3A_4 = arith.constant 632 : i32
    %mul3A_5 = arith.muli %arg1, %mul3A_4 : i32
    %min3A_6 = arith.constant 9376 : i32
    %min3A_7 = arith.minsi %mul3A_5, %min3A_6 : i32
    "tpu.region"() ({
      %run_scoped3A = tpu.sem_alloc : memref<!tpu.dma_semaphore, #tpu.memory_space<semaphore_mem>>
      %dma_start3A = arith.constant 0 : i32
      %dma_start3A_21 = tpu.memref_slice %arg7[%min3A_7, %dma_start3A] : memref<10008x128xf32, #tpu.memory_space<vmem_shared>> -> memref<632x128xf32, #tpu.memory_space<vmem_shared>>
      %dma_start3A_22 = arith.constant 0 : i32
      %dma_start3A_23 = tpu.memref_slice %arg2[%add3A, %dma_start3A_22] : memref<20016x128xf32, #tpu.memory_space<hbm>> -> memref<632x128xf32, #tpu.memory_space<hbm>>
      tpu.enqueue_dma source(%dma_start3A_23 : memref<632x128xf32, #tpu.memory_space<hbm>>) target(%dma_start3A_21 : memref<632x128xf32, #tpu.memory_space<vmem_shared>>) target_semaphore(%run_scoped3A : memref<!tpu.dma_semaphore, #tpu.memory_space<semaphore_mem>>)
      %dma_wait3A = arith.constant 0 : i32
      %dma_wait3A_24 = tpu.memref_slice %arg7[%min3A_7, %dma_wait3A] : memref<10008x128xf32, #tpu.memory_space<vmem_shared>> -> memref<632x128xf32, #tpu.memory_space<vmem_shared>>
      %dma_wait3A_25 = arith.constant 0 : i32
      %dma_wait3A_26 = tpu.memref_slice %arg2[%add3A, %dma_wait3A_25] : memref<20016x128xf32, #tpu.memory_space<hbm>> -> memref<632x128xf32, #tpu.memory_space<hbm>>
      tpu.wait_dma2 semaphore(%run_scoped3A : memref<!tpu.dma_semaphore, #tpu.memory_space<semaphore_mem>>) src(%dma_wait3A_26 : memref<632x128xf32, #tpu.memory_space<hbm>>) dst(%dma_wait3A_24 : memref<632x128xf32, #tpu.memory_space<vmem_shared>>)
      tpu.yield
    }) : () -> ()
    "tpu.region"() ({
      %run_scoped3A = tpu.sem_alloc : memref<!tpu.dma_semaphore, #tpu.memory_space<semaphore_mem>>
      %dma_start3A = arith.constant 0 : i32
      %dma_start3A_21 = arith.constant 0 : i32
      %dma_start3A_22 = tpu.memref_slice %arg2[%dma_start3A, %dma_start3A_21] : memref<20016x128xf32, #tpu.memory_space<hbm>> -> memref<120x128xf32, #tpu.memory_space<hbm>>
      %dma_start3A_23 = arith.constant 0 : i32
      %dma_start3A_24 = arith.constant 0 : i32
      %dma_start3A_25 = tpu.memref_slice %arg2[%dma_start3A_23, %dma_start3A_24] : memref<20016x128xf32, #tpu.memory_space<hbm>> -> memref<120x128xf32, #tpu.memory_space<hbm>>
      tpu.enqueue_dma source(%dma_start3A_25 : memref<120x128xf32, #tpu.memory_space<hbm>>) target(%arg6 : memref<120x128xf32, #tpu.memory_space<vmem>>) target_semaphore(%run_scoped3A : memref<!tpu.dma_semaphore, #tpu.memory_space<semaphore_mem>>)
      %dma_wait3A = arith.constant 0 : i32
      %dma_wait3A_26 = arith.constant 0 : i32
      %dma_wait3A_27 = tpu.memref_slice %arg2[%dma_wait3A, %dma_wait3A_26] : memref<20016x128xf32, #tpu.memory_space<hbm>> -> memref<120x128xf32, #tpu.memory_space<hbm>>
      %dma_wait3A_28 = arith.constant 0 : i32
      %dma_wait3A_29 = arith.constant 0 : i32
      %dma_wait3A_30 = tpu.memref_slice %arg2[%dma_wait3A_28, %dma_wait3A_29] : memref<20016x128xf32, #tpu.memory_space<hbm>> -> memref<120x128xf32, #tpu.memory_space<hbm>>
      tpu.wait_dma2 semaphore(%run_scoped3A : memref<!tpu.dma_semaphore, #tpu.memory_space<semaphore_mem>>) src(%dma_wait3A_30 : memref<120x128xf32, #tpu.memory_space<hbm>>) dst(%arg6 : memref<120x128xf32, #tpu.memory_space<vmem>>)
      tpu.yield
    }) : () -> ()
    %barrier3A = arith.constant 0 : index
    tpu.barrier barrier_id(%barrier3A)
    %scan3A = arith.constant 0 : i32
    %scan3A_8 = arith.constant 0 : i32
    %scan3A_9 = arith.constant 21 : i32
    %scan3A_10 = arith.addi %scan3A_8, %scan3A_9 : i32
    %scan3A_11 = arith.constant 1 : i32
    scf.for %scan3A_21 = %scan3A_8 to %scan3A_10 step %scan3A_11  : i32 {
      %mul3A_22 = arith.constant 8 : i32
      %mul3A_23 = arith.muli %scan3A_21, %mul3A_22 : i32
      "tpu.region"() ({
        %run_scoped3A = tpu.sem_alloc : memref<!tpu.dma_semaphore, #tpu.memory_space<semaphore_mem>>
        %dma_start3A = arith.constant 0 : i32
        %dma_start3A_30 = tpu.memref_slice %arg3[%arg1, %mul3A_23, %dma_start3A] : memref<16x168x120xi32, #tpu.memory_space<hbm>> -> memref<1x8x120xi32, #tpu.memory_space<hbm>>
        %dma_start3A_31 = tpu.memref_squeeze %dma_start3A_30 : memref<1x8x120xi32, #tpu.memory_space<hbm>> -> memref<8x120xi32, #tpu.memory_space<hbm>>
        %dma_start3A_32 = arith.constant 0 : i32
        %dma_start3A_33 = tpu.memref_slice %arg3[%arg1, %mul3A_23, %dma_start3A_32] : memref<16x168x120xi32, #tpu.memory_space<hbm>> -> memref<1x8x120xi32, #tpu.memory_space<hbm>>
        %dma_start3A_34 = tpu.memref_squeeze %dma_start3A_33 : memref<1x8x120xi32, #tpu.memory_space<hbm>> -> memref<8x120xi32, #tpu.memory_space<hbm>>
        tpu.enqueue_dma source(%dma_start3A_34 : memref<8x120xi32, #tpu.memory_space<hbm>>) target(%arg5 : memref<8x120xi32, #tpu.memory_space<vmem>>) target_semaphore(%run_scoped3A : memref<!tpu.dma_semaphore, #tpu.memory_space<semaphore_mem>>)
        %dma_wait3A = arith.constant 0 : i32
        %dma_wait3A_35 = tpu.memref_slice %arg3[%arg1, %mul3A_23, %dma_wait3A] : memref<16x168x120xi32, #tpu.memory_space<hbm>> -> memref<1x8x120xi32, #tpu.memory_space<hbm>>
        %dma_wait3A_36 = tpu.memref_squeeze %dma_wait3A_35 : memref<1x8x120xi32, #tpu.memory_space<hbm>> -> memref<8x120xi32, #tpu.memory_space<hbm>>
        %dma_wait3A_37 = arith.constant 0 : i32
        %dma_wait3A_38 = tpu.memref_slice %arg3[%arg1, %mul3A_23, %dma_wait3A_37] : memref<16x168x120xi32, #tpu.memory_space<hbm>> -> memref<1x8x120xi32, #tpu.memory_space<hbm>>
        %dma_wait3A_39 = tpu.memref_squeeze %dma_wait3A_38 : memref<1x8x120xi32, #tpu.memory_space<hbm>> -> memref<8x120xi32, #tpu.memory_space<hbm>>
        tpu.wait_dma2 semaphore(%run_scoped3A : memref<!tpu.dma_semaphore, #tpu.memory_space<semaphore_mem>>) src(%dma_wait3A_39 : memref<8x120xi32, #tpu.memory_space<hbm>>) dst(%arg5 : memref<8x120xi32, #tpu.memory_space<vmem>>)
        tpu.yield
      }) : () -> ()
      %scan3A_24 = arith.constant 0 : i32
      %scan3A_25 = arith.constant 0 : i32
      %scan3A_26 = arith.constant 8 : i32
      %scan3A_27 = arith.addi %scan3A_25, %scan3A_26 : i32
      %scan3A_28 = arith.constant 1 : i32
      scf.for %scan3A_30 = %scan3A_25 to %scan3A_27 step %scan3A_28  : i32 {
        "tpu.region"() ({
          %run_scoped3A = tpu.sem_alloc : memref<!tpu.dma_semaphore, #tpu.memory_space<semaphore_mem>>
          %dma_start3A = arith.constant 0 : i32
          %dma_start3A_31 = tpu.memref_slice %arg5[%scan3A_30, %dma_start3A] : memref<8x120xi32, #tpu.memory_space<vmem>> -> memref<1x120xi32, #tpu.memory_space<vmem>>
          %dma_start3A_32 = tpu.memref_squeeze %dma_start3A_31 : memref<1x120xi32, #tpu.memory_space<vmem>> -> memref<120xi32, #tpu.memory_space<vmem>>
          %dma_start3A_33 = arith.constant 0 : i32
          %dma_start3A_34 = arith.constant 0 : i32
          %dma_start3A_35 = tpu.memref_slice %arg7[%dma_start3A_33, %dma_start3A_34] : memref<10008x128xf32, #tpu.memory_space<vmem_shared>> -> memref<10008x128xf32, #tpu.memory_space<vmem_shared>>
          tpu.enqueue_indirect_dma source(%arg6 : memref<120x128xf32, #tpu.memory_space<vmem>>) target(%dma_start3A_35 : memref<10008x128xf32, #tpu.memory_space<vmem_shared>>) offsets(%dma_start3A_32 : memref<120xi32, #tpu.memory_space<vmem>>) semaphore(%run_scoped3A : memref<!tpu.dma_semaphore, #tpu.memory_space<semaphore_mem>>) {add = true}
          %dma_wait3A = arith.constant 0 : i32
          %dma_wait3A_36 = tpu.memref_slice %arg5[%scan3A_30, %dma_wait3A] : memref<8x120xi32, #tpu.memory_space<vmem>> -> memref<1x120xi32, #tpu.memory_space<vmem>>
          %dma_wait3A_37 = tpu.memref_squeeze %dma_wait3A_36 : memref<1x120xi32, #tpu.memory_space<vmem>> -> memref<120xi32, #tpu.memory_space<vmem>>
          %dma_wait3A_38 = arith.constant 0 : i32
          %dma_wait3A_39 = arith.constant 0 : i32
          %dma_wait3A_40 = tpu.memref_slice %arg7[%dma_wait3A_38, %dma_wait3A_39] : memref<10008x128xf32, #tpu.memory_space<vmem_shared>> -> memref<10008x128xf32, #tpu.memory_space<vmem_shared>>
          tpu.wait_indirect_dma semaphore(%run_scoped3A : memref<!tpu.dma_semaphore, #tpu.memory_space<semaphore_mem>>) src(%arg6 : memref<120x128xf32, #tpu.memory_space<vmem>>) dst(%dma_wait3A_40 : memref<10008x128xf32, #tpu.memory_space<vmem_shared>>)
          tpu.yield
        }) : () -> ()
      }
      %scan3A_29 = arith.constant 8 : i32
    }
    %scan3A_12 = arith.constant 21 : i32
    %barrier3A_13 = arith.constant 0 : index
    tpu.barrier barrier_id(%barrier3A_13)
    %mul3A_14 = arith.constant 632 : i32
    %mul3A_15 = arith.muli %arg1, %mul3A_14 : i32
    %min3A_16 = arith.constant 9368 : i32
    %min3A_17 = arith.minsi %mul3A_15, %min3A_16 : i32
    %mul3A_18 = arith.constant 10000 : i32
    %mul3A_19 = arith.muli %arg0, %mul3A_18 : i32
    %add3A_20 = arith.addi %mul3A_19, %min3A_17 : i32
    "tpu.region"() ({
      %run_scoped3A = tpu.sem_alloc : memref<!tpu.dma_semaphore, #tpu.memory_space<semaphore_mem>>
      %dma_start3A = arith.constant 0 : i32
      %dma_start3A_21 = tpu.memref_slice %arg4[%add3A_20, %dma_start3A] : memref<20000x128xf32, #tpu.memory_space<hbm>> -> memref<632x128xf32, #tpu.memory_space<hbm>>
      %dma_start3A_22 = arith.constant 0 : i32
      %dma_start3A_23 = tpu.memref_slice %arg7[%min3A_17, %dma_start3A_22] : memref<10008x128xf32, #tpu.memory_space<vmem_shared>> -> memref<632x128xf32, #tpu.memory_space<vmem_shared>>
      tpu.enqueue_dma source(%dma_start3A_23 : memref<632x128xf32, #tpu.memory_space<vmem_shared>>) target(%dma_start3A_21 : memref<632x128xf32, #tpu.memory_space<hbm>>) target_semaphore(%run_scoped3A : memref<!tpu.dma_semaphore, #tpu.memory_space<semaphore_mem>>)
      %dma_wait3A = arith.constant 0 : i32
      %dma_wait3A_24 = tpu.memref_slice %arg4[%add3A_20, %dma_wait3A] : memref<20000x128xf32, #tpu.memory_space<hbm>> -> memref<632x128xf32, #tpu.memory_space<hbm>>
      %dma_wait3A_25 = arith.constant 0 : i32
      %dma_wait3A_26 = tpu.memref_slice %arg7[%min3A_17, %dma_wait3A_25] : memref<10008x128xf32, #tpu.memory_space<vmem_shared>> -> memref<632x128xf32, #tpu.memory_space<vmem_shared>>
      tpu.wait_dma2 semaphore(%run_scoped3A : memref<!tpu.dma_semaphore, #tpu.memory_space<semaphore_mem>>) src(%dma_wait3A_26 : memref<632x128xf32, #tpu.memory_space<vmem_shared>>) dst(%dma_wait3A_24 : memref<632x128xf32, #tpu.memory_space<hbm>>)
      tpu.yield
    }) : () -> ()
    return
  }
}

#map = affine_map<(d0, d1) -> (0, 0)>
#map1 = affine_map<(d0, d1) -> (0, 0, 0, 0)>
#map2 = affine_map<(d0, d1) -> (0, 0, 0)>
module attributes {stable_mosaic.version = 14 : i64} {
  func.func @_agg_body(%arg0: i32, %arg1: i32, %arg2: memref<20016x128xf32, #tpu.memory_space<hbm>>, %arg3: memref<2x16x168x120xi32, #tpu.memory_space<hbm>>, %arg4: memref<16x168x120xi32, #tpu.memory_space<hbm>>, %arg5: memref<20000x128xf32, #tpu.memory_space<hbm>>, %arg6: memref<8x120xi32, #tpu.memory_space<vmem>>, %arg7: memref<8x120xi32, #tpu.memory_space<vmem>>, %arg8: memref<120x128xf32, #tpu.memory_space<vmem>>, %arg9: memref<120x128xf32, #tpu.memory_space<vmem>>, %arg10: memref<120x128xf32, #tpu.memory_space<vmem>>, %arg11: memref<10008x128xf32, #tpu.memory_space<vmem_shared>>, %arg12: memref<!tpu.dma_semaphore, #tpu.memory_space<semaphore_mem>>, %arg13: memref<!tpu.dma_semaphore, #tpu.memory_space<semaphore_mem>>, %arg14: memref<!tpu.dma_semaphore, #tpu.memory_space<semaphore_mem>>) attributes {dimension_semantics = [#tpu.dimension_semantics<core_parallel>, #tpu.dimension_semantics<subcore_parallel>], iteration_bounds = array<i64: 2, 16>, scalar_prefetch = 0 : i64, scratch_operands = 9 : i64, tpu.core_type = #tpu.core_type<sc_vector_subcore>, window_params = [{transform_indices = #map}, {transform_indices = #map1}, {transform_indices = #map2}, {transform_indices = #map}]} {
    %mul3A = arith.constant 10008 : i32
    %mul3A_0 = arith.muli %arg0, %mul3A : i32
    %mul3A_1 = arith.constant 632 : i32
    %mul3A_2 = arith.muli %arg1, %mul3A_1 : i32
    %min3A = arith.constant 9376 : i32
    %min3A_3 = arith.minsi %mul3A_2, %min3A : i32
    %add3A = arith.addi %mul3A_0, %min3A_3 : i32
    %mul3A_4 = arith.constant 632 : i32
    %mul3A_5 = arith.muli %arg1, %mul3A_4 : i32
    %min3A_6 = arith.constant 9376 : i32
    %min3A_7 = arith.minsi %mul3A_5, %min3A_6 : i32
    "tpu.region"() ({
      %run_scoped3A = tpu.sem_alloc : memref<!tpu.dma_semaphore, #tpu.memory_space<semaphore_mem>>
      %dma_start3A = arith.constant 0 : i32
      %dma_start3A_21 = tpu.memref_slice %arg11[%min3A_7, %dma_start3A] : memref<10008x128xf32, #tpu.memory_space<vmem_shared>> -> memref<632x128xf32, #tpu.memory_space<vmem_shared>>
      %dma_start3A_22 = arith.constant 0 : i32
      %dma_start3A_23 = tpu.memref_slice %arg2[%add3A, %dma_start3A_22] : memref<20016x128xf32, #tpu.memory_space<hbm>> -> memref<632x128xf32, #tpu.memory_space<hbm>>
      tpu.enqueue_dma source(%dma_start3A_23 : memref<632x128xf32, #tpu.memory_space<hbm>>) target(%dma_start3A_21 : memref<632x128xf32, #tpu.memory_space<vmem_shared>>) target_semaphore(%run_scoped3A : memref<!tpu.dma_semaphore, #tpu.memory_space<semaphore_mem>>)
      %dma_wait3A = arith.constant 0 : i32
      %dma_wait3A_24 = tpu.memref_slice %arg11[%min3A_7, %dma_wait3A] : memref<10008x128xf32, #tpu.memory_space<vmem_shared>> -> memref<632x128xf32, #tpu.memory_space<vmem_shared>>
      %dma_wait3A_25 = arith.constant 0 : i32
      %dma_wait3A_26 = tpu.memref_slice %arg2[%add3A, %dma_wait3A_25] : memref<20016x128xf32, #tpu.memory_space<hbm>> -> memref<632x128xf32, #tpu.memory_space<hbm>>
      tpu.wait_dma2 semaphore(%run_scoped3A : memref<!tpu.dma_semaphore, #tpu.memory_space<semaphore_mem>>) src(%dma_wait3A_26 : memref<632x128xf32, #tpu.memory_space<hbm>>) dst(%dma_wait3A_24 : memref<632x128xf32, #tpu.memory_space<vmem_shared>>)
      tpu.yield
    }) : () -> ()
    %barrier3A = arith.constant 0 : index
    tpu.barrier barrier_id(%barrier3A)
    %scan3A = arith.constant 0 : i32
    %scan3A_8 = arith.constant 0 : i32
    %scan3A_9 = arith.constant 21 : i32
    %scan3A_10 = arith.addi %scan3A_8, %scan3A_9 : i32
    %scan3A_11 = arith.constant 1 : i32
    scf.for %scan3A_21 = %scan3A_8 to %scan3A_10 step %scan3A_11  : i32 {
      %mul3A_22 = arith.constant 8 : i32
      %mul3A_23 = arith.muli %scan3A_21, %mul3A_22 : i32
      "tpu.region"() ({
        %run_scoped3A_143 = tpu.sem_alloc : memref<!tpu.dma_semaphore, #tpu.memory_space<semaphore_mem>>
        %dma_start3A_144 = arith.constant 0 : i32
        %dma_start3A_145 = tpu.memref_slice %arg3[%arg0, %arg1, %mul3A_23, %dma_start3A_144] : memref<2x16x168x120xi32, #tpu.memory_space<hbm>> -> memref<1x1x8x120xi32, #tpu.memory_space<hbm>>
        %dma_start3A_146 = tpu.memref_squeeze %dma_start3A_145 : memref<1x1x8x120xi32, #tpu.memory_space<hbm>> -> memref<8x120xi32, #tpu.memory_space<hbm>>
        %dma_start3A_147 = arith.constant 0 : i32
        %dma_start3A_148 = tpu.memref_slice %arg3[%arg0, %arg1, %mul3A_23, %dma_start3A_147] : memref<2x16x168x120xi32, #tpu.memory_space<hbm>> -> memref<1x1x8x120xi32, #tpu.memory_space<hbm>>
        %dma_start3A_149 = tpu.memref_squeeze %dma_start3A_148 : memref<1x1x8x120xi32, #tpu.memory_space<hbm>> -> memref<8x120xi32, #tpu.memory_space<hbm>>
        tpu.enqueue_dma source(%dma_start3A_149 : memref<8x120xi32, #tpu.memory_space<hbm>>) target(%arg6 : memref<8x120xi32, #tpu.memory_space<vmem>>) target_semaphore(%run_scoped3A_143 : memref<!tpu.dma_semaphore, #tpu.memory_space<semaphore_mem>>)
        %dma_wait3A_150 = arith.constant 0 : i32
        %dma_wait3A_151 = tpu.memref_slice %arg3[%arg0, %arg1, %mul3A_23, %dma_wait3A_150] : memref<2x16x168x120xi32, #tpu.memory_space<hbm>> -> memref<1x1x8x120xi32, #tpu.memory_space<hbm>>
        %dma_wait3A_152 = tpu.memref_squeeze %dma_wait3A_151 : memref<1x1x8x120xi32, #tpu.memory_space<hbm>> -> memref<8x120xi32, #tpu.memory_space<hbm>>
        %dma_wait3A_153 = arith.constant 0 : i32
        %dma_wait3A_154 = tpu.memref_slice %arg3[%arg0, %arg1, %mul3A_23, %dma_wait3A_153] : memref<2x16x168x120xi32, #tpu.memory_space<hbm>> -> memref<1x1x8x120xi32, #tpu.memory_space<hbm>>
        %dma_wait3A_155 = tpu.memref_squeeze %dma_wait3A_154 : memref<1x1x8x120xi32, #tpu.memory_space<hbm>> -> memref<8x120xi32, #tpu.memory_space<hbm>>
        tpu.wait_dma2 semaphore(%run_scoped3A_143 : memref<!tpu.dma_semaphore, #tpu.memory_space<semaphore_mem>>) src(%dma_wait3A_155 : memref<8x120xi32, #tpu.memory_space<hbm>>) dst(%arg6 : memref<8x120xi32, #tpu.memory_space<vmem>>)
        tpu.yield
      }) : () -> ()
      %mul3A_24 = arith.constant 8 : i32
      %mul3A_25 = arith.muli %scan3A_21, %mul3A_24 : i32
      "tpu.region"() ({
        %run_scoped3A_143 = tpu.sem_alloc : memref<!tpu.dma_semaphore, #tpu.memory_space<semaphore_mem>>
        %dma_start3A_144 = arith.constant 0 : i32
        %dma_start3A_145 = tpu.memref_slice %arg4[%arg1, %mul3A_25, %dma_start3A_144] : memref<16x168x120xi32, #tpu.memory_space<hbm>> -> memref<1x8x120xi32, #tpu.memory_space<hbm>>
        %dma_start3A_146 = tpu.memref_squeeze %dma_start3A_145 : memref<1x8x120xi32, #tpu.memory_space<hbm>> -> memref<8x120xi32, #tpu.memory_space<hbm>>
        %dma_start3A_147 = arith.constant 0 : i32
        %dma_start3A_148 = tpu.memref_slice %arg4[%arg1, %mul3A_25, %dma_start3A_147] : memref<16x168x120xi32, #tpu.memory_space<hbm>> -> memref<1x8x120xi32, #tpu.memory_space<hbm>>
        %dma_start3A_149 = tpu.memref_squeeze %dma_start3A_148 : memref<1x8x120xi32, #tpu.memory_space<hbm>> -> memref<8x120xi32, #tpu.memory_space<hbm>>
        tpu.enqueue_dma source(%dma_start3A_149 : memref<8x120xi32, #tpu.memory_space<hbm>>) target(%arg7 : memref<8x120xi32, #tpu.memory_space<vmem>>) target_semaphore(%run_scoped3A_143 : memref<!tpu.dma_semaphore, #tpu.memory_space<semaphore_mem>>)
        %dma_wait3A_150 = arith.constant 0 : i32
        %dma_wait3A_151 = tpu.memref_slice %arg4[%arg1, %mul3A_25, %dma_wait3A_150] : memref<16x168x120xi32, #tpu.memory_space<hbm>> -> memref<1x8x120xi32, #tpu.memory_space<hbm>>
        %dma_wait3A_152 = tpu.memref_squeeze %dma_wait3A_151 : memref<1x8x120xi32, #tpu.memory_space<hbm>> -> memref<8x120xi32, #tpu.memory_space<hbm>>
        %dma_wait3A_153 = arith.constant 0 : i32
        %dma_wait3A_154 = tpu.memref_slice %arg4[%arg1, %mul3A_25, %dma_wait3A_153] : memref<16x168x120xi32, #tpu.memory_space<hbm>> -> memref<1x8x120xi32, #tpu.memory_space<hbm>>
        %dma_wait3A_155 = tpu.memref_squeeze %dma_wait3A_154 : memref<1x8x120xi32, #tpu.memory_space<hbm>> -> memref<8x120xi32, #tpu.memory_space<hbm>>
        tpu.wait_dma2 semaphore(%run_scoped3A_143 : memref<!tpu.dma_semaphore, #tpu.memory_space<semaphore_mem>>) src(%dma_wait3A_155 : memref<8x120xi32, #tpu.memory_space<hbm>>) dst(%arg7 : memref<8x120xi32, #tpu.memory_space<vmem>>)
        tpu.yield
      }) : () -> ()
      %dma_start3A = arith.constant 0 : i32
      %dma_start3A_26 = arith.constant 0 : i32
      %dma_start3A_27 = tpu.memref_slice %arg6[%dma_start3A, %dma_start3A_26] : memref<8x120xi32, #tpu.memory_space<vmem>> -> memref<1x120xi32, #tpu.memory_space<vmem>>
      %dma_start3A_28 = tpu.memref_squeeze %dma_start3A_27 : memref<1x120xi32, #tpu.memory_space<vmem>> -> memref<120xi32, #tpu.memory_space<vmem>>
      %dma_start3A_29 = arith.constant 0 : i32
      %dma_start3A_30 = arith.constant 0 : i32
      %dma_start3A_31 = tpu.memref_slice %arg2[%dma_start3A_29, %dma_start3A_30] : memref<20016x128xf32, #tpu.memory_space<hbm>> -> memref<20016x128xf32, #tpu.memory_space<hbm>>
      tpu.enqueue_indirect_dma source(%dma_start3A_31 : memref<20016x128xf32, #tpu.memory_space<hbm>>) target(%arg8 : memref<120x128xf32, #tpu.memory_space<vmem>>) offsets(%dma_start3A_28 : memref<120xi32, #tpu.memory_space<vmem>>) semaphore(%arg12 : memref<!tpu.dma_semaphore, #tpu.memory_space<semaphore_mem>>)
      %dma_start3A_32 = arith.constant 1 : i32
      %dma_start3A_33 = arith.constant 0 : i32
      %dma_start3A_34 = tpu.memref_slice %arg6[%dma_start3A_32, %dma_start3A_33] : memref<8x120xi32, #tpu.memory_space<vmem>> -> memref<1x120xi32, #tpu.memory_space<vmem>>
      %dma_start3A_35 = tpu.memref_squeeze %dma_start3A_34 : memref<1x120xi32, #tpu.memory_space<vmem>> -> memref<120xi32, #tpu.memory_space<vmem>>
      %dma_start3A_36 = arith.constant 0 : i32
      %dma_start3A_37 = arith.constant 0 : i32
      %dma_start3A_38 = tpu.memref_slice %arg2[%dma_start3A_36, %dma_start3A_37] : memref<20016x128xf32, #tpu.memory_space<hbm>> -> memref<20016x128xf32, #tpu.memory_space<hbm>>
      tpu.enqueue_indirect_dma source(%dma_start3A_38 : memref<20016x128xf32, #tpu.memory_space<hbm>>) target(%arg9 : memref<120x128xf32, #tpu.memory_space<vmem>>) offsets(%dma_start3A_35 : memref<120xi32, #tpu.memory_space<vmem>>) semaphore(%arg13 : memref<!tpu.dma_semaphore, #tpu.memory_space<semaphore_mem>>)
      %dma_wait3A = arith.constant 0 : i32
      %dma_wait3A_39 = arith.constant 0 : i32
      %dma_wait3A_40 = tpu.memref_slice %arg6[%dma_wait3A, %dma_wait3A_39] : memref<8x120xi32, #tpu.memory_space<vmem>> -> memref<1x120xi32, #tpu.memory_space<vmem>>
      %dma_wait3A_41 = tpu.memref_squeeze %dma_wait3A_40 : memref<1x120xi32, #tpu.memory_space<vmem>> -> memref<120xi32, #tpu.memory_space<vmem>>
      %dma_wait3A_42 = arith.constant 0 : i32
      %dma_wait3A_43 = arith.constant 0 : i32
      %dma_wait3A_44 = tpu.memref_slice %arg2[%dma_wait3A_42, %dma_wait3A_43] : memref<20016x128xf32, #tpu.memory_space<hbm>> -> memref<20016x128xf32, #tpu.memory_space<hbm>>
      tpu.wait_indirect_dma semaphore(%arg12 : memref<!tpu.dma_semaphore, #tpu.memory_space<semaphore_mem>>) src(%dma_wait3A_44 : memref<20016x128xf32, #tpu.memory_space<hbm>>) dst(%arg8 : memref<120x128xf32, #tpu.memory_space<vmem>>)
      %dma_start3A_45 = arith.constant 2 : i32
      %dma_start3A_46 = arith.constant 0 : i32
      %dma_start3A_47 = tpu.memref_slice %arg6[%dma_start3A_45, %dma_start3A_46] : memref<8x120xi32, #tpu.memory_space<vmem>> -> memref<1x120xi32, #tpu.memory_space<vmem>>
      %dma_start3A_48 = tpu.memref_squeeze %dma_start3A_47 : memref<1x120xi32, #tpu.memory_space<vmem>> -> memref<120xi32, #tpu.memory_space<vmem>>
      %dma_start3A_49 = arith.constant 0 : i32
      %dma_start3A_50 = arith.constant 0 : i32
      %dma_start3A_51 = tpu.memref_slice %arg2[%dma_start3A_49, %dma_start3A_50] : memref<20016x128xf32, #tpu.memory_space<hbm>> -> memref<20016x128xf32, #tpu.memory_space<hbm>>
      tpu.enqueue_indirect_dma source(%dma_start3A_51 : memref<20016x128xf32, #tpu.memory_space<hbm>>) target(%arg10 : memref<120x128xf32, #tpu.memory_space<vmem>>) offsets(%dma_start3A_48 : memref<120xi32, #tpu.memory_space<vmem>>) semaphore(%arg14 : memref<!tpu.dma_semaphore, #tpu.memory_space<semaphore_mem>>)
      %run_scoped3A = arith.constant 0 : i32
      "tpu.region"() ({
        %run_scoped3A_143 = tpu.sem_alloc : memref<!tpu.dma_semaphore, #tpu.memory_space<semaphore_mem>>
        %dma_start3A_144 = arith.constant 0 : i32
        %dma_start3A_145 = tpu.memref_slice %arg7[%run_scoped3A, %dma_start3A_144] : memref<8x120xi32, #tpu.memory_space<vmem>> -> memref<1x120xi32, #tpu.memory_space<vmem>>
        %dma_start3A_146 = tpu.memref_squeeze %dma_start3A_145 : memref<1x120xi32, #tpu.memory_space<vmem>> -> memref<120xi32, #tpu.memory_space<vmem>>
        %dma_start3A_147 = arith.constant 0 : i32
        %dma_start3A_148 = arith.constant 0 : i32
        %dma_start3A_149 = tpu.memref_slice %arg11[%dma_start3A_147, %dma_start3A_148] : memref<10008x128xf32, #tpu.memory_space<vmem_shared>> -> memref<10008x128xf32, #tpu.memory_space<vmem_shared>>
        tpu.enqueue_indirect_dma source(%arg8 : memref<120x128xf32, #tpu.memory_space<vmem>>) target(%dma_start3A_149 : memref<10008x128xf32, #tpu.memory_space<vmem_shared>>) offsets(%dma_start3A_146 : memref<120xi32, #tpu.memory_space<vmem>>) semaphore(%run_scoped3A_143 : memref<!tpu.dma_semaphore, #tpu.memory_space<semaphore_mem>>) {add = true}
        %dma_wait3A_150 = arith.constant 0 : i32
        %dma_wait3A_151 = tpu.memref_slice %arg7[%run_scoped3A, %dma_wait3A_150] : memref<8x120xi32, #tpu.memory_space<vmem>> -> memref<1x120xi32, #tpu.memory_space<vmem>>
        %dma_wait3A_152 = tpu.memref_squeeze %dma_wait3A_151 : memref<1x120xi32, #tpu.memory_space<vmem>> -> memref<120xi32, #tpu.memory_space<vmem>>
        %dma_wait3A_153 = arith.constant 0 : i32
        %dma_wait3A_154 = arith.constant 0 : i32
        %dma_wait3A_155 = tpu.memref_slice %arg11[%dma_wait3A_153, %dma_wait3A_154] : memref<10008x128xf32, #tpu.memory_space<vmem_shared>> -> memref<10008x128xf32, #tpu.memory_space<vmem_shared>>
        tpu.wait_indirect_dma semaphore(%run_scoped3A_143 : memref<!tpu.dma_semaphore, #tpu.memory_space<semaphore_mem>>) src(%arg8 : memref<120x128xf32, #tpu.memory_space<vmem>>) dst(%dma_wait3A_155 : memref<10008x128xf32, #tpu.memory_space<vmem_shared>>)
        tpu.yield
      }) : () -> ()
      %dma_wait3A_52 = arith.constant 1 : i32
      %dma_wait3A_53 = arith.constant 0 : i32
      %dma_wait3A_54 = tpu.memref_slice %arg6[%dma_wait3A_52, %dma_wait3A_53] : memref<8x120xi32, #tpu.memory_space<vmem>> -> memref<1x120xi32, #tpu.memory_space<vmem>>
      %dma_wait3A_55 = tpu.memref_squeeze %dma_wait3A_54 : memref<1x120xi32, #tpu.memory_space<vmem>> -> memref<120xi32, #tpu.memory_space<vmem>>
      %dma_wait3A_56 = arith.constant 0 : i32
      %dma_wait3A_57 = arith.constant 0 : i32
      %dma_wait3A_58 = tpu.memref_slice %arg2[%dma_wait3A_56, %dma_wait3A_57] : memref<20016x128xf32, #tpu.memory_space<hbm>> -> memref<20016x128xf32, #tpu.memory_space<hbm>>
      tpu.wait_indirect_dma semaphore(%arg13 : memref<!tpu.dma_semaphore, #tpu.memory_space<semaphore_mem>>) src(%dma_wait3A_58 : memref<20016x128xf32, #tpu.memory_space<hbm>>) dst(%arg9 : memref<120x128xf32, #tpu.memory_space<vmem>>)
      %dma_start3A_59 = arith.constant 3 : i32
      %dma_start3A_60 = arith.constant 0 : i32
      %dma_start3A_61 = tpu.memref_slice %arg6[%dma_start3A_59, %dma_start3A_60] : memref<8x120xi32, #tpu.memory_space<vmem>> -> memref<1x120xi32, #tpu.memory_space<vmem>>
      %dma_start3A_62 = tpu.memref_squeeze %dma_start3A_61 : memref<1x120xi32, #tpu.memory_space<vmem>> -> memref<120xi32, #tpu.memory_space<vmem>>
      %dma_start3A_63 = arith.constant 0 : i32
      %dma_start3A_64 = arith.constant 0 : i32
      %dma_start3A_65 = tpu.memref_slice %arg2[%dma_start3A_63, %dma_start3A_64] : memref<20016x128xf32, #tpu.memory_space<hbm>> -> memref<20016x128xf32, #tpu.memory_space<hbm>>
      tpu.enqueue_indirect_dma source(%dma_start3A_65 : memref<20016x128xf32, #tpu.memory_space<hbm>>) target(%arg8 : memref<120x128xf32, #tpu.memory_space<vmem>>) offsets(%dma_start3A_62 : memref<120xi32, #tpu.memory_space<vmem>>) semaphore(%arg12 : memref<!tpu.dma_semaphore, #tpu.memory_space<semaphore_mem>>)
      %run_scoped3A_66 = arith.constant 1 : i32
      "tpu.region"() ({
        %run_scoped3A_143 = tpu.sem_alloc : memref<!tpu.dma_semaphore, #tpu.memory_space<semaphore_mem>>
        %dma_start3A_144 = arith.constant 0 : i32
        %dma_start3A_145 = tpu.memref_slice %arg7[%run_scoped3A_66, %dma_start3A_144] : memref<8x120xi32, #tpu.memory_space<vmem>> -> memref<1x120xi32, #tpu.memory_space<vmem>>
        %dma_start3A_146 = tpu.memref_squeeze %dma_start3A_145 : memref<1x120xi32, #tpu.memory_space<vmem>> -> memref<120xi32, #tpu.memory_space<vmem>>
        %dma_start3A_147 = arith.constant 0 : i32
        %dma_start3A_148 = arith.constant 0 : i32
        %dma_start3A_149 = tpu.memref_slice %arg11[%dma_start3A_147, %dma_start3A_148] : memref<10008x128xf32, #tpu.memory_space<vmem_shared>> -> memref<10008x128xf32, #tpu.memory_space<vmem_shared>>
        tpu.enqueue_indirect_dma source(%arg9 : memref<120x128xf32, #tpu.memory_space<vmem>>) target(%dma_start3A_149 : memref<10008x128xf32, #tpu.memory_space<vmem_shared>>) offsets(%dma_start3A_146 : memref<120xi32, #tpu.memory_space<vmem>>) semaphore(%run_scoped3A_143 : memref<!tpu.dma_semaphore, #tpu.memory_space<semaphore_mem>>) {add = true}
        %dma_wait3A_150 = arith.constant 0 : i32
        %dma_wait3A_151 = tpu.memref_slice %arg7[%run_scoped3A_66, %dma_wait3A_150] : memref<8x120xi32, #tpu.memory_space<vmem>> -> memref<1x120xi32, #tpu.memory_space<vmem>>
        %dma_wait3A_152 = tpu.memref_squeeze %dma_wait3A_151 : memref<1x120xi32, #tpu.memory_space<vmem>> -> memref<120xi32, #tpu.memory_space<vmem>>
        %dma_wait3A_153 = arith.constant 0 : i32
        %dma_wait3A_154 = arith.constant 0 : i32
        %dma_wait3A_155 = tpu.memref_slice %arg11[%dma_wait3A_153, %dma_wait3A_154] : memref<10008x128xf32, #tpu.memory_space<vmem_shared>> -> memref<10008x128xf32, #tpu.memory_space<vmem_shared>>
        tpu.wait_indirect_dma semaphore(%run_scoped3A_143 : memref<!tpu.dma_semaphore, #tpu.memory_space<semaphore_mem>>) src(%arg9 : memref<120x128xf32, #tpu.memory_space<vmem>>) dst(%dma_wait3A_155 : memref<10008x128xf32, #tpu.memory_space<vmem_shared>>)
        tpu.yield
      }) : () -> ()
      %dma_wait3A_67 = arith.constant 2 : i32
      %dma_wait3A_68 = arith.constant 0 : i32
      %dma_wait3A_69 = tpu.memref_slice %arg6[%dma_wait3A_67, %dma_wait3A_68] : memref<8x120xi32, #tpu.memory_space<vmem>> -> memref<1x120xi32, #tpu.memory_space<vmem>>
      %dma_wait3A_70 = tpu.memref_squeeze %dma_wait3A_69 : memref<1x120xi32, #tpu.memory_space<vmem>> -> memref<120xi32, #tpu.memory_space<vmem>>
      %dma_wait3A_71 = arith.constant 0 : i32
      %dma_wait3A_72 = arith.constant 0 : i32
      %dma_wait3A_73 = tpu.memref_slice %arg2[%dma_wait3A_71, %dma_wait3A_72] : memref<20016x128xf32, #tpu.memory_space<hbm>> -> memref<20016x128xf32, #tpu.memory_space<hbm>>
      tpu.wait_indirect_dma semaphore(%arg14 : memref<!tpu.dma_semaphore, #tpu.memory_space<semaphore_mem>>) src(%dma_wait3A_73 : memref<20016x128xf32, #tpu.memory_space<hbm>>) dst(%arg10 : memref<120x128xf32, #tpu.memory_space<vmem>>)
      %dma_start3A_74 = arith.constant 4 : i32
      %dma_start3A_75 = arith.constant 0 : i32
      %dma_start3A_76 = tpu.memref_slice %arg6[%dma_start3A_74, %dma_start3A_75] : memref<8x120xi32, #tpu.memory_space<vmem>> -> memref<1x120xi32, #tpu.memory_space<vmem>>
      %dma_start3A_77 = tpu.memref_squeeze %dma_start3A_76 : memref<1x120xi32, #tpu.memory_space<vmem>> -> memref<120xi32, #tpu.memory_space<vmem>>
      %dma_start3A_78 = arith.constant 0 : i32
      %dma_start3A_79 = arith.constant 0 : i32
      %dma_start3A_80 = tpu.memref_slice %arg2[%dma_start3A_78, %dma_start3A_79] : memref<20016x128xf32, #tpu.memory_space<hbm>> -> memref<20016x128xf32, #tpu.memory_space<hbm>>
      tpu.enqueue_indirect_dma source(%dma_start3A_80 : memref<20016x128xf32, #tpu.memory_space<hbm>>) target(%arg9 : memref<120x128xf32, #tpu.memory_space<vmem>>) offsets(%dma_start3A_77 : memref<120xi32, #tpu.memory_space<vmem>>) semaphore(%arg13 : memref<!tpu.dma_semaphore, #tpu.memory_space<semaphore_mem>>)
      %run_scoped3A_81 = arith.constant 2 : i32
      "tpu.region"() ({
        %run_scoped3A_143 = tpu.sem_alloc : memref<!tpu.dma_semaphore, #tpu.memory_space<semaphore_mem>>
        %dma_start3A_144 = arith.constant 0 : i32
        %dma_start3A_145 = tpu.memref_slice %arg7[%run_scoped3A_81, %dma_start3A_144] : memref<8x120xi32, #tpu.memory_space<vmem>> -> memref<1x120xi32, #tpu.memory_space<vmem>>
        %dma_start3A_146 = tpu.memref_squeeze %dma_start3A_145 : memref<1x120xi32, #tpu.memory_space<vmem>> -> memref<120xi32, #tpu.memory_space<vmem>>
        %dma_start3A_147 = arith.constant 0 : i32
        %dma_start3A_148 = arith.constant 0 : i32
        %dma_start3A_149 = tpu.memref_slice %arg11[%dma_start3A_147, %dma_start3A_148] : memref<10008x128xf32, #tpu.memory_space<vmem_shared>> -> memref<10008x128xf32, #tpu.memory_space<vmem_shared>>
        tpu.enqueue_indirect_dma source(%arg10 : memref<120x128xf32, #tpu.memory_space<vmem>>) target(%dma_start3A_149 : memref<10008x128xf32, #tpu.memory_space<vmem_shared>>) offsets(%dma_start3A_146 : memref<120xi32, #tpu.memory_space<vmem>>) semaphore(%run_scoped3A_143 : memref<!tpu.dma_semaphore, #tpu.memory_space<semaphore_mem>>) {add = true}
        %dma_wait3A_150 = arith.constant 0 : i32
        %dma_wait3A_151 = tpu.memref_slice %arg7[%run_scoped3A_81, %dma_wait3A_150] : memref<8x120xi32, #tpu.memory_space<vmem>> -> memref<1x120xi32, #tpu.memory_space<vmem>>
        %dma_wait3A_152 = tpu.memref_squeeze %dma_wait3A_151 : memref<1x120xi32, #tpu.memory_space<vmem>> -> memref<120xi32, #tpu.memory_space<vmem>>
        %dma_wait3A_153 = arith.constant 0 : i32
        %dma_wait3A_154 = arith.constant 0 : i32
        %dma_wait3A_155 = tpu.memref_slice %arg11[%dma_wait3A_153, %dma_wait3A_154] : memref<10008x128xf32, #tpu.memory_space<vmem_shared>> -> memref<10008x128xf32, #tpu.memory_space<vmem_shared>>
        tpu.wait_indirect_dma semaphore(%run_scoped3A_143 : memref<!tpu.dma_semaphore, #tpu.memory_space<semaphore_mem>>) src(%arg10 : memref<120x128xf32, #tpu.memory_space<vmem>>) dst(%dma_wait3A_155 : memref<10008x128xf32, #tpu.memory_space<vmem_shared>>)
        tpu.yield
      }) : () -> ()
      %dma_wait3A_82 = arith.constant 3 : i32
      %dma_wait3A_83 = arith.constant 0 : i32
      %dma_wait3A_84 = tpu.memref_slice %arg6[%dma_wait3A_82, %dma_wait3A_83] : memref<8x120xi32, #tpu.memory_space<vmem>> -> memref<1x120xi32, #tpu.memory_space<vmem>>
      %dma_wait3A_85 = tpu.memref_squeeze %dma_wait3A_84 : memref<1x120xi32, #tpu.memory_space<vmem>> -> memref<120xi32, #tpu.memory_space<vmem>>
      %dma_wait3A_86 = arith.constant 0 : i32
      %dma_wait3A_87 = arith.constant 0 : i32
      %dma_wait3A_88 = tpu.memref_slice %arg2[%dma_wait3A_86, %dma_wait3A_87] : memref<20016x128xf32, #tpu.memory_space<hbm>> -> memref<20016x128xf32, #tpu.memory_space<hbm>>
      tpu.wait_indirect_dma semaphore(%arg12 : memref<!tpu.dma_semaphore, #tpu.memory_space<semaphore_mem>>) src(%dma_wait3A_88 : memref<20016x128xf32, #tpu.memory_space<hbm>>) dst(%arg8 : memref<120x128xf32, #tpu.memory_space<vmem>>)
      %dma_start3A_89 = arith.constant 5 : i32
      %dma_start3A_90 = arith.constant 0 : i32
      %dma_start3A_91 = tpu.memref_slice %arg6[%dma_start3A_89, %dma_start3A_90] : memref<8x120xi32, #tpu.memory_space<vmem>> -> memref<1x120xi32, #tpu.memory_space<vmem>>
      %dma_start3A_92 = tpu.memref_squeeze %dma_start3A_91 : memref<1x120xi32, #tpu.memory_space<vmem>> -> memref<120xi32, #tpu.memory_space<vmem>>
      %dma_start3A_93 = arith.constant 0 : i32
      %dma_start3A_94 = arith.constant 0 : i32
      %dma_start3A_95 = tpu.memref_slice %arg2[%dma_start3A_93, %dma_start3A_94] : memref<20016x128xf32, #tpu.memory_space<hbm>> -> memref<20016x128xf32, #tpu.memory_space<hbm>>
      tpu.enqueue_indirect_dma source(%dma_start3A_95 : memref<20016x128xf32, #tpu.memory_space<hbm>>) target(%arg10 : memref<120x128xf32, #tpu.memory_space<vmem>>) offsets(%dma_start3A_92 : memref<120xi32, #tpu.memory_space<vmem>>) semaphore(%arg14 : memref<!tpu.dma_semaphore, #tpu.memory_space<semaphore_mem>>)
      %run_scoped3A_96 = arith.constant 3 : i32
      "tpu.region"() ({
        %run_scoped3A_143 = tpu.sem_alloc : memref<!tpu.dma_semaphore, #tpu.memory_space<semaphore_mem>>
        %dma_start3A_144 = arith.constant 0 : i32
        %dma_start3A_145 = tpu.memref_slice %arg7[%run_scoped3A_96, %dma_start3A_144] : memref<8x120xi32, #tpu.memory_space<vmem>> -> memref<1x120xi32, #tpu.memory_space<vmem>>
        %dma_start3A_146 = tpu.memref_squeeze %dma_start3A_145 : memref<1x120xi32, #tpu.memory_space<vmem>> -> memref<120xi32, #tpu.memory_space<vmem>>
        %dma_start3A_147 = arith.constant 0 : i32
        %dma_start3A_148 = arith.constant 0 : i32
        %dma_start3A_149 = tpu.memref_slice %arg11[%dma_start3A_147, %dma_start3A_148] : memref<10008x128xf32, #tpu.memory_space<vmem_shared>> -> memref<10008x128xf32, #tpu.memory_space<vmem_shared>>
        tpu.enqueue_indirect_dma source(%arg8 : memref<120x128xf32, #tpu.memory_space<vmem>>) target(%dma_start3A_149 : memref<10008x128xf32, #tpu.memory_space<vmem_shared>>) offsets(%dma_start3A_146 : memref<120xi32, #tpu.memory_space<vmem>>) semaphore(%run_scoped3A_143 : memref<!tpu.dma_semaphore, #tpu.memory_space<semaphore_mem>>) {add = true}
        %dma_wait3A_150 = arith.constant 0 : i32
        %dma_wait3A_151 = tpu.memref_slice %arg7[%run_scoped3A_96, %dma_wait3A_150] : memref<8x120xi32, #tpu.memory_space<vmem>> -> memref<1x120xi32, #tpu.memory_space<vmem>>
        %dma_wait3A_152 = tpu.memref_squeeze %dma_wait3A_151 : memref<1x120xi32, #tpu.memory_space<vmem>> -> memref<120xi32, #tpu.memory_space<vmem>>
        %dma_wait3A_153 = arith.constant 0 : i32
        %dma_wait3A_154 = arith.constant 0 : i32
        %dma_wait3A_155 = tpu.memref_slice %arg11[%dma_wait3A_153, %dma_wait3A_154] : memref<10008x128xf32, #tpu.memory_space<vmem_shared>> -> memref<10008x128xf32, #tpu.memory_space<vmem_shared>>
        tpu.wait_indirect_dma semaphore(%run_scoped3A_143 : memref<!tpu.dma_semaphore, #tpu.memory_space<semaphore_mem>>) src(%arg8 : memref<120x128xf32, #tpu.memory_space<vmem>>) dst(%dma_wait3A_155 : memref<10008x128xf32, #tpu.memory_space<vmem_shared>>)
        tpu.yield
      }) : () -> ()
      %dma_wait3A_97 = arith.constant 4 : i32
      %dma_wait3A_98 = arith.constant 0 : i32
      %dma_wait3A_99 = tpu.memref_slice %arg6[%dma_wait3A_97, %dma_wait3A_98] : memref<8x120xi32, #tpu.memory_space<vmem>> -> memref<1x120xi32, #tpu.memory_space<vmem>>
      %dma_wait3A_100 = tpu.memref_squeeze %dma_wait3A_99 : memref<1x120xi32, #tpu.memory_space<vmem>> -> memref<120xi32, #tpu.memory_space<vmem>>
      %dma_wait3A_101 = arith.constant 0 : i32
      %dma_wait3A_102 = arith.constant 0 : i32
      %dma_wait3A_103 = tpu.memref_slice %arg2[%dma_wait3A_101, %dma_wait3A_102] : memref<20016x128xf32, #tpu.memory_space<hbm>> -> memref<20016x128xf32, #tpu.memory_space<hbm>>
      tpu.wait_indirect_dma semaphore(%arg13 : memref<!tpu.dma_semaphore, #tpu.memory_space<semaphore_mem>>) src(%dma_wait3A_103 : memref<20016x128xf32, #tpu.memory_space<hbm>>) dst(%arg9 : memref<120x128xf32, #tpu.memory_space<vmem>>)
      %dma_start3A_104 = arith.constant 6 : i32
      %dma_start3A_105 = arith.constant 0 : i32
      %dma_start3A_106 = tpu.memref_slice %arg6[%dma_start3A_104, %dma_start3A_105] : memref<8x120xi32, #tpu.memory_space<vmem>> -> memref<1x120xi32, #tpu.memory_space<vmem>>
      %dma_start3A_107 = tpu.memref_squeeze %dma_start3A_106 : memref<1x120xi32, #tpu.memory_space<vmem>> -> memref<120xi32, #tpu.memory_space<vmem>>
      %dma_start3A_108 = arith.constant 0 : i32
      %dma_start3A_109 = arith.constant 0 : i32
      %dma_start3A_110 = tpu.memref_slice %arg2[%dma_start3A_108, %dma_start3A_109] : memref<20016x128xf32, #tpu.memory_space<hbm>> -> memref<20016x128xf32, #tpu.memory_space<hbm>>
      tpu.enqueue_indirect_dma source(%dma_start3A_110 : memref<20016x128xf32, #tpu.memory_space<hbm>>) target(%arg8 : memref<120x128xf32, #tpu.memory_space<vmem>>) offsets(%dma_start3A_107 : memref<120xi32, #tpu.memory_space<vmem>>) semaphore(%arg12 : memref<!tpu.dma_semaphore, #tpu.memory_space<semaphore_mem>>)
      %run_scoped3A_111 = arith.constant 4 : i32
      "tpu.region"() ({
        %run_scoped3A_143 = tpu.sem_alloc : memref<!tpu.dma_semaphore, #tpu.memory_space<semaphore_mem>>
        %dma_start3A_144 = arith.constant 0 : i32
        %dma_start3A_145 = tpu.memref_slice %arg7[%run_scoped3A_111, %dma_start3A_144] : memref<8x120xi32, #tpu.memory_space<vmem>> -> memref<1x120xi32, #tpu.memory_space<vmem>>
        %dma_start3A_146 = tpu.memref_squeeze %dma_start3A_145 : memref<1x120xi32, #tpu.memory_space<vmem>> -> memref<120xi32, #tpu.memory_space<vmem>>
        %dma_start3A_147 = arith.constant 0 : i32
        %dma_start3A_148 = arith.constant 0 : i32
        %dma_start3A_149 = tpu.memref_slice %arg11[%dma_start3A_147, %dma_start3A_148] : memref<10008x128xf32, #tpu.memory_space<vmem_shared>> -> memref<10008x128xf32, #tpu.memory_space<vmem_shared>>
        tpu.enqueue_indirect_dma source(%arg9 : memref<120x128xf32, #tpu.memory_space<vmem>>) target(%dma_start3A_149 : memref<10008x128xf32, #tpu.memory_space<vmem_shared>>) offsets(%dma_start3A_146 : memref<120xi32, #tpu.memory_space<vmem>>) semaphore(%run_scoped3A_143 : memref<!tpu.dma_semaphore, #tpu.memory_space<semaphore_mem>>) {add = true}
        %dma_wait3A_150 = arith.constant 0 : i32
        %dma_wait3A_151 = tpu.memref_slice %arg7[%run_scoped3A_111, %dma_wait3A_150] : memref<8x120xi32, #tpu.memory_space<vmem>> -> memref<1x120xi32, #tpu.memory_space<vmem>>
        %dma_wait3A_152 = tpu.memref_squeeze %dma_wait3A_151 : memref<1x120xi32, #tpu.memory_space<vmem>> -> memref<120xi32, #tpu.memory_space<vmem>>
        %dma_wait3A_153 = arith.constant 0 : i32
        %dma_wait3A_154 = arith.constant 0 : i32
        %dma_wait3A_155 = tpu.memref_slice %arg11[%dma_wait3A_153, %dma_wait3A_154] : memref<10008x128xf32, #tpu.memory_space<vmem_shared>> -> memref<10008x128xf32, #tpu.memory_space<vmem_shared>>
        tpu.wait_indirect_dma semaphore(%run_scoped3A_143 : memref<!tpu.dma_semaphore, #tpu.memory_space<semaphore_mem>>) src(%arg9 : memref<120x128xf32, #tpu.memory_space<vmem>>) dst(%dma_wait3A_155 : memref<10008x128xf32, #tpu.memory_space<vmem_shared>>)
        tpu.yield
      }) : () -> ()
      %dma_wait3A_112 = arith.constant 5 : i32
      %dma_wait3A_113 = arith.constant 0 : i32
      %dma_wait3A_114 = tpu.memref_slice %arg6[%dma_wait3A_112, %dma_wait3A_113] : memref<8x120xi32, #tpu.memory_space<vmem>> -> memref<1x120xi32, #tpu.memory_space<vmem>>
      %dma_wait3A_115 = tpu.memref_squeeze %dma_wait3A_114 : memref<1x120xi32, #tpu.memory_space<vmem>> -> memref<120xi32, #tpu.memory_space<vmem>>
      %dma_wait3A_116 = arith.constant 0 : i32
      %dma_wait3A_117 = arith.constant 0 : i32
      %dma_wait3A_118 = tpu.memref_slice %arg2[%dma_wait3A_116, %dma_wait3A_117] : memref<20016x128xf32, #tpu.memory_space<hbm>> -> memref<20016x128xf32, #tpu.memory_space<hbm>>
      tpu.wait_indirect_dma semaphore(%arg14 : memref<!tpu.dma_semaphore, #tpu.memory_space<semaphore_mem>>) src(%dma_wait3A_118 : memref<20016x128xf32, #tpu.memory_space<hbm>>) dst(%arg10 : memref<120x128xf32, #tpu.memory_space<vmem>>)
      %dma_start3A_119 = arith.constant 7 : i32
      %dma_start3A_120 = arith.constant 0 : i32
      %dma_start3A_121 = tpu.memref_slice %arg6[%dma_start3A_119, %dma_start3A_120] : memref<8x120xi32, #tpu.memory_space<vmem>> -> memref<1x120xi32, #tpu.memory_space<vmem>>
      %dma_start3A_122 = tpu.memref_squeeze %dma_start3A_121 : memref<1x120xi32, #tpu.memory_space<vmem>> -> memref<120xi32, #tpu.memory_space<vmem>>
      %dma_start3A_123 = arith.constant 0 : i32
      %dma_start3A_124 = arith.constant 0 : i32
      %dma_start3A_125 = tpu.memref_slice %arg2[%dma_start3A_123, %dma_start3A_124] : memref<20016x128xf32, #tpu.memory_space<hbm>> -> memref<20016x128xf32, #tpu.memory_space<hbm>>
      tpu.enqueue_indirect_dma source(%dma_start3A_125 : memref<20016x128xf32, #tpu.memory_space<hbm>>) target(%arg9 : memref<120x128xf32, #tpu.memory_space<vmem>>) offsets(%dma_start3A_122 : memref<120xi32, #tpu.memory_space<vmem>>) semaphore(%arg13 : memref<!tpu.dma_semaphore, #tpu.memory_space<semaphore_mem>>)
      %run_scoped3A_126 = arith.constant 5 : i32
      "tpu.region"() ({
        %run_scoped3A_143 = tpu.sem_alloc : memref<!tpu.dma_semaphore, #tpu.memory_space<semaphore_mem>>
        %dma_start3A_144 = arith.constant 0 : i32
        %dma_start3A_145 = tpu.memref_slice %arg7[%run_scoped3A_126, %dma_start3A_144] : memref<8x120xi32, #tpu.memory_space<vmem>> -> memref<1x120xi32, #tpu.memory_space<vmem>>
        %dma_start3A_146 = tpu.memref_squeeze %dma_start3A_145 : memref<1x120xi32, #tpu.memory_space<vmem>> -> memref<120xi32, #tpu.memory_space<vmem>>
        %dma_start3A_147 = arith.constant 0 : i32
        %dma_start3A_148 = arith.constant 0 : i32
        %dma_start3A_149 = tpu.memref_slice %arg11[%dma_start3A_147, %dma_start3A_148] : memref<10008x128xf32, #tpu.memory_space<vmem_shared>> -> memref<10008x128xf32, #tpu.memory_space<vmem_shared>>
        tpu.enqueue_indirect_dma source(%arg10 : memref<120x128xf32, #tpu.memory_space<vmem>>) target(%dma_start3A_149 : memref<10008x128xf32, #tpu.memory_space<vmem_shared>>) offsets(%dma_start3A_146 : memref<120xi32, #tpu.memory_space<vmem>>) semaphore(%run_scoped3A_143 : memref<!tpu.dma_semaphore, #tpu.memory_space<semaphore_mem>>) {add = true}
        %dma_wait3A_150 = arith.constant 0 : i32
        %dma_wait3A_151 = tpu.memref_slice %arg7[%run_scoped3A_126, %dma_wait3A_150] : memref<8x120xi32, #tpu.memory_space<vmem>> -> memref<1x120xi32, #tpu.memory_space<vmem>>
        %dma_wait3A_152 = tpu.memref_squeeze %dma_wait3A_151 : memref<1x120xi32, #tpu.memory_space<vmem>> -> memref<120xi32, #tpu.memory_space<vmem>>
        %dma_wait3A_153 = arith.constant 0 : i32
        %dma_wait3A_154 = arith.constant 0 : i32
        %dma_wait3A_155 = tpu.memref_slice %arg11[%dma_wait3A_153, %dma_wait3A_154] : memref<10008x128xf32, #tpu.memory_space<vmem_shared>> -> memref<10008x128xf32, #tpu.memory_space<vmem_shared>>
        tpu.wait_indirect_dma semaphore(%run_scoped3A_143 : memref<!tpu.dma_semaphore, #tpu.memory_space<semaphore_mem>>) src(%arg10 : memref<120x128xf32, #tpu.memory_space<vmem>>) dst(%dma_wait3A_155 : memref<10008x128xf32, #tpu.memory_space<vmem_shared>>)
        tpu.yield
      }) : () -> ()
      %dma_wait3A_127 = arith.constant 6 : i32
      %dma_wait3A_128 = arith.constant 0 : i32
      %dma_wait3A_129 = tpu.memref_slice %arg6[%dma_wait3A_127, %dma_wait3A_128] : memref<8x120xi32, #tpu.memory_space<vmem>> -> memref<1x120xi32, #tpu.memory_space<vmem>>
      %dma_wait3A_130 = tpu.memref_squeeze %dma_wait3A_129 : memref<1x120xi32, #tpu.memory_space<vmem>> -> memref<120xi32, #tpu.memory_space<vmem>>
      %dma_wait3A_131 = arith.constant 0 : i32
      %dma_wait3A_132 = arith.constant 0 : i32
      %dma_wait3A_133 = tpu.memref_slice %arg2[%dma_wait3A_131, %dma_wait3A_132] : memref<20016x128xf32, #tpu.memory_space<hbm>> -> memref<20016x128xf32, #tpu.memory_space<hbm>>
      tpu.wait_indirect_dma semaphore(%arg12 : memref<!tpu.dma_semaphore, #tpu.memory_space<semaphore_mem>>) src(%dma_wait3A_133 : memref<20016x128xf32, #tpu.memory_space<hbm>>) dst(%arg8 : memref<120x128xf32, #tpu.memory_space<vmem>>)
      %run_scoped3A_134 = arith.constant 6 : i32
      "tpu.region"() ({
        %run_scoped3A_143 = tpu.sem_alloc : memref<!tpu.dma_semaphore, #tpu.memory_space<semaphore_mem>>
        %dma_start3A_144 = arith.constant 0 : i32
        %dma_start3A_145 = tpu.memref_slice %arg7[%run_scoped3A_134, %dma_start3A_144] : memref<8x120xi32, #tpu.memory_space<vmem>> -> memref<1x120xi32, #tpu.memory_space<vmem>>
        %dma_start3A_146 = tpu.memref_squeeze %dma_start3A_145 : memref<1x120xi32, #tpu.memory_space<vmem>> -> memref<120xi32, #tpu.memory_space<vmem>>
        %dma_start3A_147 = arith.constant 0 : i32
        %dma_start3A_148 = arith.constant 0 : i32
        %dma_start3A_149 = tpu.memref_slice %arg11[%dma_start3A_147, %dma_start3A_148] : memref<10008x128xf32, #tpu.memory_space<vmem_shared>> -> memref<10008x128xf32, #tpu.memory_space<vmem_shared>>
        tpu.enqueue_indirect_dma source(%arg8 : memref<120x128xf32, #tpu.memory_space<vmem>>) target(%dma_start3A_149 : memref<10008x128xf32, #tpu.memory_space<vmem_shared>>) offsets(%dma_start3A_146 : memref<120xi32, #tpu.memory_space<vmem>>) semaphore(%run_scoped3A_143 : memref<!tpu.dma_semaphore, #tpu.memory_space<semaphore_mem>>) {add = true}
        %dma_wait3A_150 = arith.constant 0 : i32
        %dma_wait3A_151 = tpu.memref_slice %arg7[%run_scoped3A_134, %dma_wait3A_150] : memref<8x120xi32, #tpu.memory_space<vmem>> -> memref<1x120xi32, #tpu.memory_space<vmem>>
        %dma_wait3A_152 = tpu.memref_squeeze %dma_wait3A_151 : memref<1x120xi32, #tpu.memory_space<vmem>> -> memref<120xi32, #tpu.memory_space<vmem>>
        %dma_wait3A_153 = arith.constant 0 : i32
        %dma_wait3A_154 = arith.constant 0 : i32
        %dma_wait3A_155 = tpu.memref_slice %arg11[%dma_wait3A_153, %dma_wait3A_154] : memref<10008x128xf32, #tpu.memory_space<vmem_shared>> -> memref<10008x128xf32, #tpu.memory_space<vmem_shared>>
        tpu.wait_indirect_dma semaphore(%run_scoped3A_143 : memref<!tpu.dma_semaphore, #tpu.memory_space<semaphore_mem>>) src(%arg8 : memref<120x128xf32, #tpu.memory_space<vmem>>) dst(%dma_wait3A_155 : memref<10008x128xf32, #tpu.memory_space<vmem_shared>>)
        tpu.yield
      }) : () -> ()
      %dma_wait3A_135 = arith.constant 7 : i32
      %dma_wait3A_136 = arith.constant 0 : i32
      %dma_wait3A_137 = tpu.memref_slice %arg6[%dma_wait3A_135, %dma_wait3A_136] : memref<8x120xi32, #tpu.memory_space<vmem>> -> memref<1x120xi32, #tpu.memory_space<vmem>>
      %dma_wait3A_138 = tpu.memref_squeeze %dma_wait3A_137 : memref<1x120xi32, #tpu.memory_space<vmem>> -> memref<120xi32, #tpu.memory_space<vmem>>
      %dma_wait3A_139 = arith.constant 0 : i32
      %dma_wait3A_140 = arith.constant 0 : i32
      %dma_wait3A_141 = tpu.memref_slice %arg2[%dma_wait3A_139, %dma_wait3A_140] : memref<20016x128xf32, #tpu.memory_space<hbm>> -> memref<20016x128xf32, #tpu.memory_space<hbm>>
      tpu.wait_indirect_dma semaphore(%arg13 : memref<!tpu.dma_semaphore, #tpu.memory_space<semaphore_mem>>) src(%dma_wait3A_141 : memref<20016x128xf32, #tpu.memory_space<hbm>>) dst(%arg9 : memref<120x128xf32, #tpu.memory_space<vmem>>)
      %run_scoped3A_142 = arith.constant 7 : i32
      "tpu.region"() ({
        %run_scoped3A_143 = tpu.sem_alloc : memref<!tpu.dma_semaphore, #tpu.memory_space<semaphore_mem>>
        %dma_start3A_144 = arith.constant 0 : i32
        %dma_start3A_145 = tpu.memref_slice %arg7[%run_scoped3A_142, %dma_start3A_144] : memref<8x120xi32, #tpu.memory_space<vmem>> -> memref<1x120xi32, #tpu.memory_space<vmem>>
        %dma_start3A_146 = tpu.memref_squeeze %dma_start3A_145 : memref<1x120xi32, #tpu.memory_space<vmem>> -> memref<120xi32, #tpu.memory_space<vmem>>
        %dma_start3A_147 = arith.constant 0 : i32
        %dma_start3A_148 = arith.constant 0 : i32
        %dma_start3A_149 = tpu.memref_slice %arg11[%dma_start3A_147, %dma_start3A_148] : memref<10008x128xf32, #tpu.memory_space<vmem_shared>> -> memref<10008x128xf32, #tpu.memory_space<vmem_shared>>
        tpu.enqueue_indirect_dma source(%arg9 : memref<120x128xf32, #tpu.memory_space<vmem>>) target(%dma_start3A_149 : memref<10008x128xf32, #tpu.memory_space<vmem_shared>>) offsets(%dma_start3A_146 : memref<120xi32, #tpu.memory_space<vmem>>) semaphore(%run_scoped3A_143 : memref<!tpu.dma_semaphore, #tpu.memory_space<semaphore_mem>>) {add = true}
        %dma_wait3A_150 = arith.constant 0 : i32
        %dma_wait3A_151 = tpu.memref_slice %arg7[%run_scoped3A_142, %dma_wait3A_150] : memref<8x120xi32, #tpu.memory_space<vmem>> -> memref<1x120xi32, #tpu.memory_space<vmem>>
        %dma_wait3A_152 = tpu.memref_squeeze %dma_wait3A_151 : memref<1x120xi32, #tpu.memory_space<vmem>> -> memref<120xi32, #tpu.memory_space<vmem>>
        %dma_wait3A_153 = arith.constant 0 : i32
        %dma_wait3A_154 = arith.constant 0 : i32
        %dma_wait3A_155 = tpu.memref_slice %arg11[%dma_wait3A_153, %dma_wait3A_154] : memref<10008x128xf32, #tpu.memory_space<vmem_shared>> -> memref<10008x128xf32, #tpu.memory_space<vmem_shared>>
        tpu.wait_indirect_dma semaphore(%run_scoped3A_143 : memref<!tpu.dma_semaphore, #tpu.memory_space<semaphore_mem>>) src(%arg9 : memref<120x128xf32, #tpu.memory_space<vmem>>) dst(%dma_wait3A_155 : memref<10008x128xf32, #tpu.memory_space<vmem_shared>>)
        tpu.yield
      }) : () -> ()
    }
    %scan3A_12 = arith.constant 21 : i32
    %barrier3A_13 = arith.constant 0 : index
    tpu.barrier barrier_id(%barrier3A_13)
    %mul3A_14 = arith.constant 632 : i32
    %mul3A_15 = arith.muli %arg1, %mul3A_14 : i32
    %min3A_16 = arith.constant 9368 : i32
    %min3A_17 = arith.minsi %mul3A_15, %min3A_16 : i32
    %mul3A_18 = arith.constant 10000 : i32
    %mul3A_19 = arith.muli %arg0, %mul3A_18 : i32
    %add3A_20 = arith.addi %mul3A_19, %min3A_17 : i32
    "tpu.region"() ({
      %run_scoped3A = tpu.sem_alloc : memref<!tpu.dma_semaphore, #tpu.memory_space<semaphore_mem>>
      %dma_start3A = arith.constant 0 : i32
      %dma_start3A_21 = tpu.memref_slice %arg5[%add3A_20, %dma_start3A] : memref<20000x128xf32, #tpu.memory_space<hbm>> -> memref<632x128xf32, #tpu.memory_space<hbm>>
      %dma_start3A_22 = arith.constant 0 : i32
      %dma_start3A_23 = tpu.memref_slice %arg11[%min3A_17, %dma_start3A_22] : memref<10008x128xf32, #tpu.memory_space<vmem_shared>> -> memref<632x128xf32, #tpu.memory_space<vmem_shared>>
      tpu.enqueue_dma source(%dma_start3A_23 : memref<632x128xf32, #tpu.memory_space<vmem_shared>>) target(%dma_start3A_21 : memref<632x128xf32, #tpu.memory_space<hbm>>) target_semaphore(%run_scoped3A : memref<!tpu.dma_semaphore, #tpu.memory_space<semaphore_mem>>)
      %dma_wait3A = arith.constant 0 : i32
      %dma_wait3A_24 = tpu.memref_slice %arg5[%add3A_20, %dma_wait3A] : memref<20000x128xf32, #tpu.memory_space<hbm>> -> memref<632x128xf32, #tpu.memory_space<hbm>>
      %dma_wait3A_25 = arith.constant 0 : i32
      %dma_wait3A_26 = tpu.memref_slice %arg11[%min3A_17, %dma_wait3A_25] : memref<10008x128xf32, #tpu.memory_space<vmem_shared>> -> memref<632x128xf32, #tpu.memory_space<vmem_shared>>
      tpu.wait_dma2 semaphore(%run_scoped3A : memref<!tpu.dma_semaphore, #tpu.memory_space<semaphore_mem>>) src(%dma_wait3A_26 : memref<632x128xf32, #tpu.memory_space<vmem_shared>>) dst(%dma_wait3A_24 : memref<632x128xf32, #tpu.memory_space<hbm>>)
      tpu.yield
    }) : () -> ()
    return
  }
}

#map = affine_map<(d0, d1) -> (0, 0)>
#map1 = affine_map<(d0, d1) -> (0, 0, 0, 0)>
#map2 = affine_map<(d0, d1) -> (0, 0, 0)>
module attributes {stable_mosaic.version = 14 : i64} {
  func.func @_agg_body(%arg0: i32, %arg1: i32, %arg2: memref<20016x128xf32, #tpu.memory_space<hbm>>, %arg3: memref<2x16x168x120xi32, #tpu.memory_space<hbm>>, %arg4: memref<16x168x120xi32, #tpu.memory_space<hbm>>, %arg5: memref<20000x128xf32, #tpu.memory_space<hbm>>, %arg6: memref<8x120xi32, #tpu.memory_space<vmem>>, %arg7: memref<8x120xi32, #tpu.memory_space<vmem>>, %arg8: memref<120x128xf32, #tpu.memory_space<vmem>>, %arg9: memref<120x128xf32, #tpu.memory_space<vmem>>, %arg10: memref<120x128xf32, #tpu.memory_space<vmem>>, %arg11: memref<10008x128xf32, #tpu.memory_space<vmem_shared>>, %arg12: memref<!tpu.dma_semaphore, #tpu.memory_space<semaphore_mem>>, %arg13: memref<!tpu.dma_semaphore, #tpu.memory_space<semaphore_mem>>, %arg14: memref<!tpu.dma_semaphore, #tpu.memory_space<semaphore_mem>>) attributes {dimension_semantics = [#tpu.dimension_semantics<core_parallel>, #tpu.dimension_semantics<subcore_parallel>], iteration_bounds = array<i64: 2, 16>, scalar_prefetch = 0 : i64, scratch_operands = 9 : i64, tpu.core_type = #tpu.core_type<sc_vector_subcore>, window_params = [{transform_indices = #map}, {transform_indices = #map1}, {transform_indices = #map2}, {transform_indices = #map}]} {
    %mul3A = arith.constant 10008 : i32
    %mul3A_0 = arith.muli %arg0, %mul3A : i32
    %mul3A_1 = arith.constant 632 : i32
    %mul3A_2 = arith.muli %arg1, %mul3A_1 : i32
    %min3A = arith.constant 9376 : i32
    %min3A_3 = arith.minsi %mul3A_2, %min3A : i32
    %add3A = arith.addi %mul3A_0, %min3A_3 : i32
    %mul3A_4 = arith.constant 632 : i32
    %mul3A_5 = arith.muli %arg1, %mul3A_4 : i32
    %min3A_6 = arith.constant 9376 : i32
    %min3A_7 = arith.minsi %mul3A_5, %min3A_6 : i32
    "tpu.region"() ({
      %run_scoped3A = tpu.sem_alloc : memref<!tpu.dma_semaphore, #tpu.memory_space<semaphore_mem>>
      %dma_start3A = arith.constant 0 : i32
      %dma_start3A_21 = tpu.memref_slice %arg11[%min3A_7, %dma_start3A] : memref<10008x128xf32, #tpu.memory_space<vmem_shared>> -> memref<632x128xf32, #tpu.memory_space<vmem_shared>>
      %dma_start3A_22 = arith.constant 0 : i32
      %dma_start3A_23 = tpu.memref_slice %arg2[%add3A, %dma_start3A_22] : memref<20016x128xf32, #tpu.memory_space<hbm>> -> memref<632x128xf32, #tpu.memory_space<hbm>>
      tpu.enqueue_dma source(%dma_start3A_23 : memref<632x128xf32, #tpu.memory_space<hbm>>) target(%dma_start3A_21 : memref<632x128xf32, #tpu.memory_space<vmem_shared>>) target_semaphore(%run_scoped3A : memref<!tpu.dma_semaphore, #tpu.memory_space<semaphore_mem>>)
      %dma_wait3A = arith.constant 0 : i32
      %dma_wait3A_24 = tpu.memref_slice %arg11[%min3A_7, %dma_wait3A] : memref<10008x128xf32, #tpu.memory_space<vmem_shared>> -> memref<632x128xf32, #tpu.memory_space<vmem_shared>>
      %dma_wait3A_25 = arith.constant 0 : i32
      %dma_wait3A_26 = tpu.memref_slice %arg2[%add3A, %dma_wait3A_25] : memref<20016x128xf32, #tpu.memory_space<hbm>> -> memref<632x128xf32, #tpu.memory_space<hbm>>
      tpu.wait_dma2 semaphore(%run_scoped3A : memref<!tpu.dma_semaphore, #tpu.memory_space<semaphore_mem>>) src(%dma_wait3A_26 : memref<632x128xf32, #tpu.memory_space<hbm>>) dst(%dma_wait3A_24 : memref<632x128xf32, #tpu.memory_space<vmem_shared>>)
      tpu.yield
    }) : () -> ()
    %barrier3A = arith.constant 0 : index
    tpu.barrier barrier_id(%barrier3A)
    %scan3A = arith.constant 0 : i32
    %scan3A_8 = arith.constant 0 : i32
    %scan3A_9 = arith.constant 21 : i32
    %scan3A_10 = arith.addi %scan3A_8, %scan3A_9 : i32
    %scan3A_11 = arith.constant 1 : i32
    scf.for %scan3A_21 = %scan3A_8 to %scan3A_10 step %scan3A_11  : i32 {
      %mul3A_22 = arith.constant 8 : i32
      %mul3A_23 = arith.muli %scan3A_21, %mul3A_22 : i32
      "tpu.region"() ({
        %run_scoped3A_143 = tpu.sem_alloc : memref<!tpu.dma_semaphore, #tpu.memory_space<semaphore_mem>>
        %dma_start3A_144 = arith.constant 0 : i32
        %dma_start3A_145 = tpu.memref_slice %arg3[%arg0, %arg1, %mul3A_23, %dma_start3A_144] : memref<2x16x168x120xi32, #tpu.memory_space<hbm>> -> memref<1x1x8x120xi32, #tpu.memory_space<hbm>>
        %dma_start3A_146 = tpu.memref_squeeze %dma_start3A_145 : memref<1x1x8x120xi32, #tpu.memory_space<hbm>> -> memref<8x120xi32, #tpu.memory_space<hbm>>
        %dma_start3A_147 = arith.constant 0 : i32
        %dma_start3A_148 = tpu.memref_slice %arg3[%arg0, %arg1, %mul3A_23, %dma_start3A_147] : memref<2x16x168x120xi32, #tpu.memory_space<hbm>> -> memref<1x1x8x120xi32, #tpu.memory_space<hbm>>
        %dma_start3A_149 = tpu.memref_squeeze %dma_start3A_148 : memref<1x1x8x120xi32, #tpu.memory_space<hbm>> -> memref<8x120xi32, #tpu.memory_space<hbm>>
        tpu.enqueue_dma source(%dma_start3A_149 : memref<8x120xi32, #tpu.memory_space<hbm>>) target(%arg6 : memref<8x120xi32, #tpu.memory_space<vmem>>) target_semaphore(%run_scoped3A_143 : memref<!tpu.dma_semaphore, #tpu.memory_space<semaphore_mem>>)
        %dma_wait3A_150 = arith.constant 0 : i32
        %dma_wait3A_151 = tpu.memref_slice %arg3[%arg0, %arg1, %mul3A_23, %dma_wait3A_150] : memref<2x16x168x120xi32, #tpu.memory_space<hbm>> -> memref<1x1x8x120xi32, #tpu.memory_space<hbm>>
        %dma_wait3A_152 = tpu.memref_squeeze %dma_wait3A_151 : memref<1x1x8x120xi32, #tpu.memory_space<hbm>> -> memref<8x120xi32, #tpu.memory_space<hbm>>
        %dma_wait3A_153 = arith.constant 0 : i32
        %dma_wait3A_154 = tpu.memref_slice %arg3[%arg0, %arg1, %mul3A_23, %dma_wait3A_153] : memref<2x16x168x120xi32, #tpu.memory_space<hbm>> -> memref<1x1x8x120xi32, #tpu.memory_space<hbm>>
        %dma_wait3A_155 = tpu.memref_squeeze %dma_wait3A_154 : memref<1x1x8x120xi32, #tpu.memory_space<hbm>> -> memref<8x120xi32, #tpu.memory_space<hbm>>
        tpu.wait_dma2 semaphore(%run_scoped3A_143 : memref<!tpu.dma_semaphore, #tpu.memory_space<semaphore_mem>>) src(%dma_wait3A_155 : memref<8x120xi32, #tpu.memory_space<hbm>>) dst(%arg6 : memref<8x120xi32, #tpu.memory_space<vmem>>)
        tpu.yield
      }) : () -> ()
      %mul3A_24 = arith.constant 8 : i32
      %mul3A_25 = arith.muli %scan3A_21, %mul3A_24 : i32
      "tpu.region"() ({
        %run_scoped3A_143 = tpu.sem_alloc : memref<!tpu.dma_semaphore, #tpu.memory_space<semaphore_mem>>
        %dma_start3A_144 = arith.constant 0 : i32
        %dma_start3A_145 = tpu.memref_slice %arg4[%arg1, %mul3A_25, %dma_start3A_144] : memref<16x168x120xi32, #tpu.memory_space<hbm>> -> memref<1x8x120xi32, #tpu.memory_space<hbm>>
        %dma_start3A_146 = tpu.memref_squeeze %dma_start3A_145 : memref<1x8x120xi32, #tpu.memory_space<hbm>> -> memref<8x120xi32, #tpu.memory_space<hbm>>
        %dma_start3A_147 = arith.constant 0 : i32
        %dma_start3A_148 = tpu.memref_slice %arg4[%arg1, %mul3A_25, %dma_start3A_147] : memref<16x168x120xi32, #tpu.memory_space<hbm>> -> memref<1x8x120xi32, #tpu.memory_space<hbm>>
        %dma_start3A_149 = tpu.memref_squeeze %dma_start3A_148 : memref<1x8x120xi32, #tpu.memory_space<hbm>> -> memref<8x120xi32, #tpu.memory_space<hbm>>
        tpu.enqueue_dma source(%dma_start3A_149 : memref<8x120xi32, #tpu.memory_space<hbm>>) target(%arg7 : memref<8x120xi32, #tpu.memory_space<vmem>>) target_semaphore(%run_scoped3A_143 : memref<!tpu.dma_semaphore, #tpu.memory_space<semaphore_mem>>)
        %dma_wait3A_150 = arith.constant 0 : i32
        %dma_wait3A_151 = tpu.memref_slice %arg4[%arg1, %mul3A_25, %dma_wait3A_150] : memref<16x168x120xi32, #tpu.memory_space<hbm>> -> memref<1x8x120xi32, #tpu.memory_space<hbm>>
        %dma_wait3A_152 = tpu.memref_squeeze %dma_wait3A_151 : memref<1x8x120xi32, #tpu.memory_space<hbm>> -> memref<8x120xi32, #tpu.memory_space<hbm>>
        %dma_wait3A_153 = arith.constant 0 : i32
        %dma_wait3A_154 = tpu.memref_slice %arg4[%arg1, %mul3A_25, %dma_wait3A_153] : memref<16x168x120xi32, #tpu.memory_space<hbm>> -> memref<1x8x120xi32, #tpu.memory_space<hbm>>
        %dma_wait3A_155 = tpu.memref_squeeze %dma_wait3A_154 : memref<1x8x120xi32, #tpu.memory_space<hbm>> -> memref<8x120xi32, #tpu.memory_space<hbm>>
        tpu.wait_dma2 semaphore(%run_scoped3A_143 : memref<!tpu.dma_semaphore, #tpu.memory_space<semaphore_mem>>) src(%dma_wait3A_155 : memref<8x120xi32, #tpu.memory_space<hbm>>) dst(%arg7 : memref<8x120xi32, #tpu.memory_space<vmem>>)
        tpu.yield
      }) : () -> ()
      %dma_start3A = arith.constant 0 : i32
      %dma_start3A_26 = arith.constant 0 : i32
      %dma_start3A_27 = tpu.memref_slice %arg6[%dma_start3A, %dma_start3A_26] : memref<8x120xi32, #tpu.memory_space<vmem>> -> memref<1x120xi32, #tpu.memory_space<vmem>>
      %dma_start3A_28 = tpu.memref_squeeze %dma_start3A_27 : memref<1x120xi32, #tpu.memory_space<vmem>> -> memref<120xi32, #tpu.memory_space<vmem>>
      %dma_start3A_29 = arith.constant 0 : i32
      %dma_start3A_30 = arith.constant 0 : i32
      %dma_start3A_31 = tpu.memref_slice %arg2[%dma_start3A_29, %dma_start3A_30] : memref<20016x128xf32, #tpu.memory_space<hbm>> -> memref<20016x128xf32, #tpu.memory_space<hbm>>
      tpu.enqueue_indirect_dma source(%dma_start3A_31 : memref<20016x128xf32, #tpu.memory_space<hbm>>) target(%arg8 : memref<120x128xf32, #tpu.memory_space<vmem>>) offsets(%dma_start3A_28 : memref<120xi32, #tpu.memory_space<vmem>>) semaphore(%arg12 : memref<!tpu.dma_semaphore, #tpu.memory_space<semaphore_mem>>)
      %dma_start3A_32 = arith.constant 1 : i32
      %dma_start3A_33 = arith.constant 0 : i32
      %dma_start3A_34 = tpu.memref_slice %arg6[%dma_start3A_32, %dma_start3A_33] : memref<8x120xi32, #tpu.memory_space<vmem>> -> memref<1x120xi32, #tpu.memory_space<vmem>>
      %dma_start3A_35 = tpu.memref_squeeze %dma_start3A_34 : memref<1x120xi32, #tpu.memory_space<vmem>> -> memref<120xi32, #tpu.memory_space<vmem>>
      %dma_start3A_36 = arith.constant 0 : i32
      %dma_start3A_37 = arith.constant 0 : i32
      %dma_start3A_38 = tpu.memref_slice %arg2[%dma_start3A_36, %dma_start3A_37] : memref<20016x128xf32, #tpu.memory_space<hbm>> -> memref<20016x128xf32, #tpu.memory_space<hbm>>
      tpu.enqueue_indirect_dma source(%dma_start3A_38 : memref<20016x128xf32, #tpu.memory_space<hbm>>) target(%arg9 : memref<120x128xf32, #tpu.memory_space<vmem>>) offsets(%dma_start3A_35 : memref<120xi32, #tpu.memory_space<vmem>>) semaphore(%arg13 : memref<!tpu.dma_semaphore, #tpu.memory_space<semaphore_mem>>)
      %dma_wait3A = arith.constant 0 : i32
      %dma_wait3A_39 = arith.constant 0 : i32
      %dma_wait3A_40 = tpu.memref_slice %arg6[%dma_wait3A, %dma_wait3A_39] : memref<8x120xi32, #tpu.memory_space<vmem>> -> memref<1x120xi32, #tpu.memory_space<vmem>>
      %dma_wait3A_41 = tpu.memref_squeeze %dma_wait3A_40 : memref<1x120xi32, #tpu.memory_space<vmem>> -> memref<120xi32, #tpu.memory_space<vmem>>
      %dma_wait3A_42 = arith.constant 0 : i32
      %dma_wait3A_43 = arith.constant 0 : i32
      %dma_wait3A_44 = tpu.memref_slice %arg2[%dma_wait3A_42, %dma_wait3A_43] : memref<20016x128xf32, #tpu.memory_space<hbm>> -> memref<20016x128xf32, #tpu.memory_space<hbm>>
      tpu.wait_indirect_dma semaphore(%arg12 : memref<!tpu.dma_semaphore, #tpu.memory_space<semaphore_mem>>) src(%dma_wait3A_44 : memref<20016x128xf32, #tpu.memory_space<hbm>>) dst(%arg8 : memref<120x128xf32, #tpu.memory_space<vmem>>)
      %dma_start3A_45 = arith.constant 2 : i32
      %dma_start3A_46 = arith.constant 0 : i32
      %dma_start3A_47 = tpu.memref_slice %arg6[%dma_start3A_45, %dma_start3A_46] : memref<8x120xi32, #tpu.memory_space<vmem>> -> memref<1x120xi32, #tpu.memory_space<vmem>>
      %dma_start3A_48 = tpu.memref_squeeze %dma_start3A_47 : memref<1x120xi32, #tpu.memory_space<vmem>> -> memref<120xi32, #tpu.memory_space<vmem>>
      %dma_start3A_49 = arith.constant 0 : i32
      %dma_start3A_50 = arith.constant 0 : i32
      %dma_start3A_51 = tpu.memref_slice %arg2[%dma_start3A_49, %dma_start3A_50] : memref<20016x128xf32, #tpu.memory_space<hbm>> -> memref<20016x128xf32, #tpu.memory_space<hbm>>
      tpu.enqueue_indirect_dma source(%dma_start3A_51 : memref<20016x128xf32, #tpu.memory_space<hbm>>) target(%arg10 : memref<120x128xf32, #tpu.memory_space<vmem>>) offsets(%dma_start3A_48 : memref<120xi32, #tpu.memory_space<vmem>>) semaphore(%arg14 : memref<!tpu.dma_semaphore, #tpu.memory_space<semaphore_mem>>)
      %run_scoped3A = arith.constant 0 : i32
      "tpu.region"() ({
        %run_scoped3A_143 = tpu.sem_alloc : memref<!tpu.dma_semaphore, #tpu.memory_space<semaphore_mem>>
        %dma_start3A_144 = arith.constant 0 : i32
        %dma_start3A_145 = tpu.memref_slice %arg7[%run_scoped3A, %dma_start3A_144] : memref<8x120xi32, #tpu.memory_space<vmem>> -> memref<1x120xi32, #tpu.memory_space<vmem>>
        %dma_start3A_146 = tpu.memref_squeeze %dma_start3A_145 : memref<1x120xi32, #tpu.memory_space<vmem>> -> memref<120xi32, #tpu.memory_space<vmem>>
        %dma_start3A_147 = arith.constant 0 : i32
        %dma_start3A_148 = arith.constant 0 : i32
        %dma_start3A_149 = tpu.memref_slice %arg11[%dma_start3A_147, %dma_start3A_148] : memref<10008x128xf32, #tpu.memory_space<vmem_shared>> -> memref<10008x128xf32, #tpu.memory_space<vmem_shared>>
        tpu.enqueue_indirect_dma source(%arg8 : memref<120x128xf32, #tpu.memory_space<vmem>>) target(%dma_start3A_149 : memref<10008x128xf32, #tpu.memory_space<vmem_shared>>) offsets(%dma_start3A_146 : memref<120xi32, #tpu.memory_space<vmem>>) semaphore(%run_scoped3A_143 : memref<!tpu.dma_semaphore, #tpu.memory_space<semaphore_mem>>) {add = true}
        %dma_wait3A_150 = arith.constant 0 : i32
        %dma_wait3A_151 = tpu.memref_slice %arg7[%run_scoped3A, %dma_wait3A_150] : memref<8x120xi32, #tpu.memory_space<vmem>> -> memref<1x120xi32, #tpu.memory_space<vmem>>
        %dma_wait3A_152 = tpu.memref_squeeze %dma_wait3A_151 : memref<1x120xi32, #tpu.memory_space<vmem>> -> memref<120xi32, #tpu.memory_space<vmem>>
        %dma_wait3A_153 = arith.constant 0 : i32
        %dma_wait3A_154 = arith.constant 0 : i32
        %dma_wait3A_155 = tpu.memref_slice %arg11[%dma_wait3A_153, %dma_wait3A_154] : memref<10008x128xf32, #tpu.memory_space<vmem_shared>> -> memref<10008x128xf32, #tpu.memory_space<vmem_shared>>
        tpu.wait_indirect_dma semaphore(%run_scoped3A_143 : memref<!tpu.dma_semaphore, #tpu.memory_space<semaphore_mem>>) src(%arg8 : memref<120x128xf32, #tpu.memory_space<vmem>>) dst(%dma_wait3A_155 : memref<10008x128xf32, #tpu.memory_space<vmem_shared>>)
        tpu.yield
      }) : () -> ()
      %dma_wait3A_52 = arith.constant 1 : i32
      %dma_wait3A_53 = arith.constant 0 : i32
      %dma_wait3A_54 = tpu.memref_slice %arg6[%dma_wait3A_52, %dma_wait3A_53] : memref<8x120xi32, #tpu.memory_space<vmem>> -> memref<1x120xi32, #tpu.memory_space<vmem>>
      %dma_wait3A_55 = tpu.memref_squeeze %dma_wait3A_54 : memref<1x120xi32, #tpu.memory_space<vmem>> -> memref<120xi32, #tpu.memory_space<vmem>>
      %dma_wait3A_56 = arith.constant 0 : i32
      %dma_wait3A_57 = arith.constant 0 : i32
      %dma_wait3A_58 = tpu.memref_slice %arg2[%dma_wait3A_56, %dma_wait3A_57] : memref<20016x128xf32, #tpu.memory_space<hbm>> -> memref<20016x128xf32, #tpu.memory_space<hbm>>
      tpu.wait_indirect_dma semaphore(%arg13 : memref<!tpu.dma_semaphore, #tpu.memory_space<semaphore_mem>>) src(%dma_wait3A_58 : memref<20016x128xf32, #tpu.memory_space<hbm>>) dst(%arg9 : memref<120x128xf32, #tpu.memory_space<vmem>>)
      %dma_start3A_59 = arith.constant 3 : i32
      %dma_start3A_60 = arith.constant 0 : i32
      %dma_start3A_61 = tpu.memref_slice %arg6[%dma_start3A_59, %dma_start3A_60] : memref<8x120xi32, #tpu.memory_space<vmem>> -> memref<1x120xi32, #tpu.memory_space<vmem>>
      %dma_start3A_62 = tpu.memref_squeeze %dma_start3A_61 : memref<1x120xi32, #tpu.memory_space<vmem>> -> memref<120xi32, #tpu.memory_space<vmem>>
      %dma_start3A_63 = arith.constant 0 : i32
      %dma_start3A_64 = arith.constant 0 : i32
      %dma_start3A_65 = tpu.memref_slice %arg2[%dma_start3A_63, %dma_start3A_64] : memref<20016x128xf32, #tpu.memory_space<hbm>> -> memref<20016x128xf32, #tpu.memory_space<hbm>>
      tpu.enqueue_indirect_dma source(%dma_start3A_65 : memref<20016x128xf32, #tpu.memory_space<hbm>>) target(%arg8 : memref<120x128xf32, #tpu.memory_space<vmem>>) offsets(%dma_start3A_62 : memref<120xi32, #tpu.memory_space<vmem>>) semaphore(%arg12 : memref<!tpu.dma_semaphore, #tpu.memory_space<semaphore_mem>>)
      %run_scoped3A_66 = arith.constant 1 : i32
      "tpu.region"() ({
        %run_scoped3A_143 = tpu.sem_alloc : memref<!tpu.dma_semaphore, #tpu.memory_space<semaphore_mem>>
        %dma_start3A_144 = arith.constant 0 : i32
        %dma_start3A_145 = tpu.memref_slice %arg7[%run_scoped3A_66, %dma_start3A_144] : memref<8x120xi32, #tpu.memory_space<vmem>> -> memref<1x120xi32, #tpu.memory_space<vmem>>
        %dma_start3A_146 = tpu.memref_squeeze %dma_start3A_145 : memref<1x120xi32, #tpu.memory_space<vmem>> -> memref<120xi32, #tpu.memory_space<vmem>>
        %dma_start3A_147 = arith.constant 0 : i32
        %dma_start3A_148 = arith.constant 0 : i32
        %dma_start3A_149 = tpu.memref_slice %arg11[%dma_start3A_147, %dma_start3A_148] : memref<10008x128xf32, #tpu.memory_space<vmem_shared>> -> memref<10008x128xf32, #tpu.memory_space<vmem_shared>>
        tpu.enqueue_indirect_dma source(%arg9 : memref<120x128xf32, #tpu.memory_space<vmem>>) target(%dma_start3A_149 : memref<10008x128xf32, #tpu.memory_space<vmem_shared>>) offsets(%dma_start3A_146 : memref<120xi32, #tpu.memory_space<vmem>>) semaphore(%run_scoped3A_143 : memref<!tpu.dma_semaphore, #tpu.memory_space<semaphore_mem>>) {add = true}
        %dma_wait3A_150 = arith.constant 0 : i32
        %dma_wait3A_151 = tpu.memref_slice %arg7[%run_scoped3A_66, %dma_wait3A_150] : memref<8x120xi32, #tpu.memory_space<vmem>> -> memref<1x120xi32, #tpu.memory_space<vmem>>
        %dma_wait3A_152 = tpu.memref_squeeze %dma_wait3A_151 : memref<1x120xi32, #tpu.memory_space<vmem>> -> memref<120xi32, #tpu.memory_space<vmem>>
        %dma_wait3A_153 = arith.constant 0 : i32
        %dma_wait3A_154 = arith.constant 0 : i32
        %dma_wait3A_155 = tpu.memref_slice %arg11[%dma_wait3A_153, %dma_wait3A_154] : memref<10008x128xf32, #tpu.memory_space<vmem_shared>> -> memref<10008x128xf32, #tpu.memory_space<vmem_shared>>
        tpu.wait_indirect_dma semaphore(%run_scoped3A_143 : memref<!tpu.dma_semaphore, #tpu.memory_space<semaphore_mem>>) src(%arg9 : memref<120x128xf32, #tpu.memory_space<vmem>>) dst(%dma_wait3A_155 : memref<10008x128xf32, #tpu.memory_space<vmem_shared>>)
        tpu.yield
      }) : () -> ()
      %dma_wait3A_67 = arith.constant 2 : i32
      %dma_wait3A_68 = arith.constant 0 : i32
      %dma_wait3A_69 = tpu.memref_slice %arg6[%dma_wait3A_67, %dma_wait3A_68] : memref<8x120xi32, #tpu.memory_space<vmem>> -> memref<1x120xi32, #tpu.memory_space<vmem>>
      %dma_wait3A_70 = tpu.memref_squeeze %dma_wait3A_69 : memref<1x120xi32, #tpu.memory_space<vmem>> -> memref<120xi32, #tpu.memory_space<vmem>>
      %dma_wait3A_71 = arith.constant 0 : i32
      %dma_wait3A_72 = arith.constant 0 : i32
      %dma_wait3A_73 = tpu.memref_slice %arg2[%dma_wait3A_71, %dma_wait3A_72] : memref<20016x128xf32, #tpu.memory_space<hbm>> -> memref<20016x128xf32, #tpu.memory_space<hbm>>
      tpu.wait_indirect_dma semaphore(%arg14 : memref<!tpu.dma_semaphore, #tpu.memory_space<semaphore_mem>>) src(%dma_wait3A_73 : memref<20016x128xf32, #tpu.memory_space<hbm>>) dst(%arg10 : memref<120x128xf32, #tpu.memory_space<vmem>>)
      %dma_start3A_74 = arith.constant 4 : i32
      %dma_start3A_75 = arith.constant 0 : i32
      %dma_start3A_76 = tpu.memref_slice %arg6[%dma_start3A_74, %dma_start3A_75] : memref<8x120xi32, #tpu.memory_space<vmem>> -> memref<1x120xi32, #tpu.memory_space<vmem>>
      %dma_start3A_77 = tpu.memref_squeeze %dma_start3A_76 : memref<1x120xi32, #tpu.memory_space<vmem>> -> memref<120xi32, #tpu.memory_space<vmem>>
      %dma_start3A_78 = arith.constant 0 : i32
      %dma_start3A_79 = arith.constant 0 : i32
      %dma_start3A_80 = tpu.memref_slice %arg2[%dma_start3A_78, %dma_start3A_79] : memref<20016x128xf32, #tpu.memory_space<hbm>> -> memref<20016x128xf32, #tpu.memory_space<hbm>>
      tpu.enqueue_indirect_dma source(%dma_start3A_80 : memref<20016x128xf32, #tpu.memory_space<hbm>>) target(%arg9 : memref<120x128xf32, #tpu.memory_space<vmem>>) offsets(%dma_start3A_77 : memref<120xi32, #tpu.memory_space<vmem>>) semaphore(%arg13 : memref<!tpu.dma_semaphore, #tpu.memory_space<semaphore_mem>>)
      %run_scoped3A_81 = arith.constant 2 : i32
      "tpu.region"() ({
        %run_scoped3A_143 = tpu.sem_alloc : memref<!tpu.dma_semaphore, #tpu.memory_space<semaphore_mem>>
        %dma_start3A_144 = arith.constant 0 : i32
        %dma_start3A_145 = tpu.memref_slice %arg7[%run_scoped3A_81, %dma_start3A_144] : memref<8x120xi32, #tpu.memory_space<vmem>> -> memref<1x120xi32, #tpu.memory_space<vmem>>
        %dma_start3A_146 = tpu.memref_squeeze %dma_start3A_145 : memref<1x120xi32, #tpu.memory_space<vmem>> -> memref<120xi32, #tpu.memory_space<vmem>>
        %dma_start3A_147 = arith.constant 0 : i32
        %dma_start3A_148 = arith.constant 0 : i32
        %dma_start3A_149 = tpu.memref_slice %arg11[%dma_start3A_147, %dma_start3A_148] : memref<10008x128xf32, #tpu.memory_space<vmem_shared>> -> memref<10008x128xf32, #tpu.memory_space<vmem_shared>>
        tpu.enqueue_indirect_dma source(%arg10 : memref<120x128xf32, #tpu.memory_space<vmem>>) target(%dma_start3A_149 : memref<10008x128xf32, #tpu.memory_space<vmem_shared>>) offsets(%dma_start3A_146 : memref<120xi32, #tpu.memory_space<vmem>>) semaphore(%run_scoped3A_143 : memref<!tpu.dma_semaphore, #tpu.memory_space<semaphore_mem>>) {add = true}
        %dma_wait3A_150 = arith.constant 0 : i32
        %dma_wait3A_151 = tpu.memref_slice %arg7[%run_scoped3A_81, %dma_wait3A_150] : memref<8x120xi32, #tpu.memory_space<vmem>> -> memref<1x120xi32, #tpu.memory_space<vmem>>
        %dma_wait3A_152 = tpu.memref_squeeze %dma_wait3A_151 : memref<1x120xi32, #tpu.memory_space<vmem>> -> memref<120xi32, #tpu.memory_space<vmem>>
        %dma_wait3A_153 = arith.constant 0 : i32
        %dma_wait3A_154 = arith.constant 0 : i32
        %dma_wait3A_155 = tpu.memref_slice %arg11[%dma_wait3A_153, %dma_wait3A_154] : memref<10008x128xf32, #tpu.memory_space<vmem_shared>> -> memref<10008x128xf32, #tpu.memory_space<vmem_shared>>
        tpu.wait_indirect_dma semaphore(%run_scoped3A_143 : memref<!tpu.dma_semaphore, #tpu.memory_space<semaphore_mem>>) src(%arg10 : memref<120x128xf32, #tpu.memory_space<vmem>>) dst(%dma_wait3A_155 : memref<10008x128xf32, #tpu.memory_space<vmem_shared>>)
        tpu.yield
      }) : () -> ()
      %dma_wait3A_82 = arith.constant 3 : i32
      %dma_wait3A_83 = arith.constant 0 : i32
      %dma_wait3A_84 = tpu.memref_slice %arg6[%dma_wait3A_82, %dma_wait3A_83] : memref<8x120xi32, #tpu.memory_space<vmem>> -> memref<1x120xi32, #tpu.memory_space<vmem>>
      %dma_wait3A_85 = tpu.memref_squeeze %dma_wait3A_84 : memref<1x120xi32, #tpu.memory_space<vmem>> -> memref<120xi32, #tpu.memory_space<vmem>>
      %dma_wait3A_86 = arith.constant 0 : i32
      %dma_wait3A_87 = arith.constant 0 : i32
      %dma_wait3A_88 = tpu.memref_slice %arg2[%dma_wait3A_86, %dma_wait3A_87] : memref<20016x128xf32, #tpu.memory_space<hbm>> -> memref<20016x128xf32, #tpu.memory_space<hbm>>
      tpu.wait_indirect_dma semaphore(%arg12 : memref<!tpu.dma_semaphore, #tpu.memory_space<semaphore_mem>>) src(%dma_wait3A_88 : memref<20016x128xf32, #tpu.memory_space<hbm>>) dst(%arg8 : memref<120x128xf32, #tpu.memory_space<vmem>>)
      %dma_start3A_89 = arith.constant 5 : i32
      %dma_start3A_90 = arith.constant 0 : i32
      %dma_start3A_91 = tpu.memref_slice %arg6[%dma_start3A_89, %dma_start3A_90] : memref<8x120xi32, #tpu.memory_space<vmem>> -> memref<1x120xi32, #tpu.memory_space<vmem>>
      %dma_start3A_92 = tpu.memref_squeeze %dma_start3A_91 : memref<1x120xi32, #tpu.memory_space<vmem>> -> memref<120xi32, #tpu.memory_space<vmem>>
      %dma_start3A_93 = arith.constant 0 : i32
      %dma_start3A_94 = arith.constant 0 : i32
      %dma_start3A_95 = tpu.memref_slice %arg2[%dma_start3A_93, %dma_start3A_94] : memref<20016x128xf32, #tpu.memory_space<hbm>> -> memref<20016x128xf32, #tpu.memory_space<hbm>>
      tpu.enqueue_indirect_dma source(%dma_start3A_95 : memref<20016x128xf32, #tpu.memory_space<hbm>>) target(%arg10 : memref<120x128xf32, #tpu.memory_space<vmem>>) offsets(%dma_start3A_92 : memref<120xi32, #tpu.memory_space<vmem>>) semaphore(%arg14 : memref<!tpu.dma_semaphore, #tpu.memory_space<semaphore_mem>>)
      %run_scoped3A_96 = arith.constant 3 : i32
      "tpu.region"() ({
        %run_scoped3A_143 = tpu.sem_alloc : memref<!tpu.dma_semaphore, #tpu.memory_space<semaphore_mem>>
        %dma_start3A_144 = arith.constant 0 : i32
        %dma_start3A_145 = tpu.memref_slice %arg7[%run_scoped3A_96, %dma_start3A_144] : memref<8x120xi32, #tpu.memory_space<vmem>> -> memref<1x120xi32, #tpu.memory_space<vmem>>
        %dma_start3A_146 = tpu.memref_squeeze %dma_start3A_145 : memref<1x120xi32, #tpu.memory_space<vmem>> -> memref<120xi32, #tpu.memory_space<vmem>>
        %dma_start3A_147 = arith.constant 0 : i32
        %dma_start3A_148 = arith.constant 0 : i32
        %dma_start3A_149 = tpu.memref_slice %arg11[%dma_start3A_147, %dma_start3A_148] : memref<10008x128xf32, #tpu.memory_space<vmem_shared>> -> memref<10008x128xf32, #tpu.memory_space<vmem_shared>>
        tpu.enqueue_indirect_dma source(%arg8 : memref<120x128xf32, #tpu.memory_space<vmem>>) target(%dma_start3A_149 : memref<10008x128xf32, #tpu.memory_space<vmem_shared>>) offsets(%dma_start3A_146 : memref<120xi32, #tpu.memory_space<vmem>>) semaphore(%run_scoped3A_143 : memref<!tpu.dma_semaphore, #tpu.memory_space<semaphore_mem>>) {add = true}
        %dma_wait3A_150 = arith.constant 0 : i32
        %dma_wait3A_151 = tpu.memref_slice %arg7[%run_scoped3A_96, %dma_wait3A_150] : memref<8x120xi32, #tpu.memory_space<vmem>> -> memref<1x120xi32, #tpu.memory_space<vmem>>
        %dma_wait3A_152 = tpu.memref_squeeze %dma_wait3A_151 : memref<1x120xi32, #tpu.memory_space<vmem>> -> memref<120xi32, #tpu.memory_space<vmem>>
        %dma_wait3A_153 = arith.constant 0 : i32
        %dma_wait3A_154 = arith.constant 0 : i32
        %dma_wait3A_155 = tpu.memref_slice %arg11[%dma_wait3A_153, %dma_wait3A_154] : memref<10008x128xf32, #tpu.memory_space<vmem_shared>> -> memref<10008x128xf32, #tpu.memory_space<vmem_shared>>
        tpu.wait_indirect_dma semaphore(%run_scoped3A_143 : memref<!tpu.dma_semaphore, #tpu.memory_space<semaphore_mem>>) src(%arg8 : memref<120x128xf32, #tpu.memory_space<vmem>>) dst(%dma_wait3A_155 : memref<10008x128xf32, #tpu.memory_space<vmem_shared>>)
        tpu.yield
      }) : () -> ()
      %dma_wait3A_97 = arith.constant 4 : i32
      %dma_wait3A_98 = arith.constant 0 : i32
      %dma_wait3A_99 = tpu.memref_slice %arg6[%dma_wait3A_97, %dma_wait3A_98] : memref<8x120xi32, #tpu.memory_space<vmem>> -> memref<1x120xi32, #tpu.memory_space<vmem>>
      %dma_wait3A_100 = tpu.memref_squeeze %dma_wait3A_99 : memref<1x120xi32, #tpu.memory_space<vmem>> -> memref<120xi32, #tpu.memory_space<vmem>>
      %dma_wait3A_101 = arith.constant 0 : i32
      %dma_wait3A_102 = arith.constant 0 : i32
      %dma_wait3A_103 = tpu.memref_slice %arg2[%dma_wait3A_101, %dma_wait3A_102] : memref<20016x128xf32, #tpu.memory_space<hbm>> -> memref<20016x128xf32, #tpu.memory_space<hbm>>
      tpu.wait_indirect_dma semaphore(%arg13 : memref<!tpu.dma_semaphore, #tpu.memory_space<semaphore_mem>>) src(%dma_wait3A_103 : memref<20016x128xf32, #tpu.memory_space<hbm>>) dst(%arg9 : memref<120x128xf32, #tpu.memory_space<vmem>>)
      %dma_start3A_104 = arith.constant 6 : i32
      %dma_start3A_105 = arith.constant 0 : i32
      %dma_start3A_106 = tpu.memref_slice %arg6[%dma_start3A_104, %dma_start3A_105] : memref<8x120xi32, #tpu.memory_space<vmem>> -> memref<1x120xi32, #tpu.memory_space<vmem>>
      %dma_start3A_107 = tpu.memref_squeeze %dma_start3A_106 : memref<1x120xi32, #tpu.memory_space<vmem>> -> memref<120xi32, #tpu.memory_space<vmem>>
      %dma_start3A_108 = arith.constant 0 : i32
      %dma_start3A_109 = arith.constant 0 : i32
      %dma_start3A_110 = tpu.memref_slice %arg2[%dma_start3A_108, %dma_start3A_109] : memref<20016x128xf32, #tpu.memory_space<hbm>> -> memref<20016x128xf32, #tpu.memory_space<hbm>>
      tpu.enqueue_indirect_dma source(%dma_start3A_110 : memref<20016x128xf32, #tpu.memory_space<hbm>>) target(%arg8 : memref<120x128xf32, #tpu.memory_space<vmem>>) offsets(%dma_start3A_107 : memref<120xi32, #tpu.memory_space<vmem>>) semaphore(%arg12 : memref<!tpu.dma_semaphore, #tpu.memory_space<semaphore_mem>>)
      %run_scoped3A_111 = arith.constant 4 : i32
      "tpu.region"() ({
        %run_scoped3A_143 = tpu.sem_alloc : memref<!tpu.dma_semaphore, #tpu.memory_space<semaphore_mem>>
        %dma_start3A_144 = arith.constant 0 : i32
        %dma_start3A_145 = tpu.memref_slice %arg7[%run_scoped3A_111, %dma_start3A_144] : memref<8x120xi32, #tpu.memory_space<vmem>> -> memref<1x120xi32, #tpu.memory_space<vmem>>
        %dma_start3A_146 = tpu.memref_squeeze %dma_start3A_145 : memref<1x120xi32, #tpu.memory_space<vmem>> -> memref<120xi32, #tpu.memory_space<vmem>>
        %dma_start3A_147 = arith.constant 0 : i32
        %dma_start3A_148 = arith.constant 0 : i32
        %dma_start3A_149 = tpu.memref_slice %arg11[%dma_start3A_147, %dma_start3A_148] : memref<10008x128xf32, #tpu.memory_space<vmem_shared>> -> memref<10008x128xf32, #tpu.memory_space<vmem_shared>>
        tpu.enqueue_indirect_dma source(%arg9 : memref<120x128xf32, #tpu.memory_space<vmem>>) target(%dma_start3A_149 : memref<10008x128xf32, #tpu.memory_space<vmem_shared>>) offsets(%dma_start3A_146 : memref<120xi32, #tpu.memory_space<vmem>>) semaphore(%run_scoped3A_143 : memref<!tpu.dma_semaphore, #tpu.memory_space<semaphore_mem>>) {add = true}
        %dma_wait3A_150 = arith.constant 0 : i32
        %dma_wait3A_151 = tpu.memref_slice %arg7[%run_scoped3A_111, %dma_wait3A_150] : memref<8x120xi32, #tpu.memory_space<vmem>> -> memref<1x120xi32, #tpu.memory_space<vmem>>
        %dma_wait3A_152 = tpu.memref_squeeze %dma_wait3A_151 : memref<1x120xi32, #tpu.memory_space<vmem>> -> memref<120xi32, #tpu.memory_space<vmem>>
        %dma_wait3A_153 = arith.constant 0 : i32
        %dma_wait3A_154 = arith.constant 0 : i32
        %dma_wait3A_155 = tpu.memref_slice %arg11[%dma_wait3A_153, %dma_wait3A_154] : memref<10008x128xf32, #tpu.memory_space<vmem_shared>> -> memref<10008x128xf32, #tpu.memory_space<vmem_shared>>
        tpu.wait_indirect_dma semaphore(%run_scoped3A_143 : memref<!tpu.dma_semaphore, #tpu.memory_space<semaphore_mem>>) src(%arg9 : memref<120x128xf32, #tpu.memory_space<vmem>>) dst(%dma_wait3A_155 : memref<10008x128xf32, #tpu.memory_space<vmem_shared>>)
        tpu.yield
      }) : () -> ()
      %dma_wait3A_112 = arith.constant 5 : i32
      %dma_wait3A_113 = arith.constant 0 : i32
      %dma_wait3A_114 = tpu.memref_slice %arg6[%dma_wait3A_112, %dma_wait3A_113] : memref<8x120xi32, #tpu.memory_space<vmem>> -> memref<1x120xi32, #tpu.memory_space<vmem>>
      %dma_wait3A_115 = tpu.memref_squeeze %dma_wait3A_114 : memref<1x120xi32, #tpu.memory_space<vmem>> -> memref<120xi32, #tpu.memory_space<vmem>>
      %dma_wait3A_116 = arith.constant 0 : i32
      %dma_wait3A_117 = arith.constant 0 : i32
      %dma_wait3A_118 = tpu.memref_slice %arg2[%dma_wait3A_116, %dma_wait3A_117] : memref<20016x128xf32, #tpu.memory_space<hbm>> -> memref<20016x128xf32, #tpu.memory_space<hbm>>
      tpu.wait_indirect_dma semaphore(%arg14 : memref<!tpu.dma_semaphore, #tpu.memory_space<semaphore_mem>>) src(%dma_wait3A_118 : memref<20016x128xf32, #tpu.memory_space<hbm>>) dst(%arg10 : memref<120x128xf32, #tpu.memory_space<vmem>>)
      %dma_start3A_119 = arith.constant 7 : i32
      %dma_start3A_120 = arith.constant 0 : i32
      %dma_start3A_121 = tpu.memref_slice %arg6[%dma_start3A_119, %dma_start3A_120] : memref<8x120xi32, #tpu.memory_space<vmem>> -> memref<1x120xi32, #tpu.memory_space<vmem>>
      %dma_start3A_122 = tpu.memref_squeeze %dma_start3A_121 : memref<1x120xi32, #tpu.memory_space<vmem>> -> memref<120xi32, #tpu.memory_space<vmem>>
      %dma_start3A_123 = arith.constant 0 : i32
      %dma_start3A_124 = arith.constant 0 : i32
      %dma_start3A_125 = tpu.memref_slice %arg2[%dma_start3A_123, %dma_start3A_124] : memref<20016x128xf32, #tpu.memory_space<hbm>> -> memref<20016x128xf32, #tpu.memory_space<hbm>>
      tpu.enqueue_indirect_dma source(%dma_start3A_125 : memref<20016x128xf32, #tpu.memory_space<hbm>>) target(%arg9 : memref<120x128xf32, #tpu.memory_space<vmem>>) offsets(%dma_start3A_122 : memref<120xi32, #tpu.memory_space<vmem>>) semaphore(%arg13 : memref<!tpu.dma_semaphore, #tpu.memory_space<semaphore_mem>>)
      %run_scoped3A_126 = arith.constant 5 : i32
      "tpu.region"() ({
        %run_scoped3A_143 = tpu.sem_alloc : memref<!tpu.dma_semaphore, #tpu.memory_space<semaphore_mem>>
        %dma_start3A_144 = arith.constant 0 : i32
        %dma_start3A_145 = tpu.memref_slice %arg7[%run_scoped3A_126, %dma_start3A_144] : memref<8x120xi32, #tpu.memory_space<vmem>> -> memref<1x120xi32, #tpu.memory_space<vmem>>
        %dma_start3A_146 = tpu.memref_squeeze %dma_start3A_145 : memref<1x120xi32, #tpu.memory_space<vmem>> -> memref<120xi32, #tpu.memory_space<vmem>>
        %dma_start3A_147 = arith.constant 0 : i32
        %dma_start3A_148 = arith.constant 0 : i32
        %dma_start3A_149 = tpu.memref_slice %arg11[%dma_start3A_147, %dma_start3A_148] : memref<10008x128xf32, #tpu.memory_space<vmem_shared>> -> memref<10008x128xf32, #tpu.memory_space<vmem_shared>>
        tpu.enqueue_indirect_dma source(%arg10 : memref<120x128xf32, #tpu.memory_space<vmem>>) target(%dma_start3A_149 : memref<10008x128xf32, #tpu.memory_space<vmem_shared>>) offsets(%dma_start3A_146 : memref<120xi32, #tpu.memory_space<vmem>>) semaphore(%run_scoped3A_143 : memref<!tpu.dma_semaphore, #tpu.memory_space<semaphore_mem>>) {add = true}
        %dma_wait3A_150 = arith.constant 0 : i32
        %dma_wait3A_151 = tpu.memref_slice %arg7[%run_scoped3A_126, %dma_wait3A_150] : memref<8x120xi32, #tpu.memory_space<vmem>> -> memref<1x120xi32, #tpu.memory_space<vmem>>
        %dma_wait3A_152 = tpu.memref_squeeze %dma_wait3A_151 : memref<1x120xi32, #tpu.memory_space<vmem>> -> memref<120xi32, #tpu.memory_space<vmem>>
        %dma_wait3A_153 = arith.constant 0 : i32
        %dma_wait3A_154 = arith.constant 0 : i32
        %dma_wait3A_155 = tpu.memref_slice %arg11[%dma_wait3A_153, %dma_wait3A_154] : memref<10008x128xf32, #tpu.memory_space<vmem_shared>> -> memref<10008x128xf32, #tpu.memory_space<vmem_shared>>
        tpu.wait_indirect_dma semaphore(%run_scoped3A_143 : memref<!tpu.dma_semaphore, #tpu.memory_space<semaphore_mem>>) src(%arg10 : memref<120x128xf32, #tpu.memory_space<vmem>>) dst(%dma_wait3A_155 : memref<10008x128xf32, #tpu.memory_space<vmem_shared>>)
        tpu.yield
      }) : () -> ()
      %dma_wait3A_127 = arith.constant 6 : i32
      %dma_wait3A_128 = arith.constant 0 : i32
      %dma_wait3A_129 = tpu.memref_slice %arg6[%dma_wait3A_127, %dma_wait3A_128] : memref<8x120xi32, #tpu.memory_space<vmem>> -> memref<1x120xi32, #tpu.memory_space<vmem>>
      %dma_wait3A_130 = tpu.memref_squeeze %dma_wait3A_129 : memref<1x120xi32, #tpu.memory_space<vmem>> -> memref<120xi32, #tpu.memory_space<vmem>>
      %dma_wait3A_131 = arith.constant 0 : i32
      %dma_wait3A_132 = arith.constant 0 : i32
      %dma_wait3A_133 = tpu.memref_slice %arg2[%dma_wait3A_131, %dma_wait3A_132] : memref<20016x128xf32, #tpu.memory_space<hbm>> -> memref<20016x128xf32, #tpu.memory_space<hbm>>
      tpu.wait_indirect_dma semaphore(%arg12 : memref<!tpu.dma_semaphore, #tpu.memory_space<semaphore_mem>>) src(%dma_wait3A_133 : memref<20016x128xf32, #tpu.memory_space<hbm>>) dst(%arg8 : memref<120x128xf32, #tpu.memory_space<vmem>>)
      %run_scoped3A_134 = arith.constant 6 : i32
      "tpu.region"() ({
        %run_scoped3A_143 = tpu.sem_alloc : memref<!tpu.dma_semaphore, #tpu.memory_space<semaphore_mem>>
        %dma_start3A_144 = arith.constant 0 : i32
        %dma_start3A_145 = tpu.memref_slice %arg7[%run_scoped3A_134, %dma_start3A_144] : memref<8x120xi32, #tpu.memory_space<vmem>> -> memref<1x120xi32, #tpu.memory_space<vmem>>
        %dma_start3A_146 = tpu.memref_squeeze %dma_start3A_145 : memref<1x120xi32, #tpu.memory_space<vmem>> -> memref<120xi32, #tpu.memory_space<vmem>>
        %dma_start3A_147 = arith.constant 0 : i32
        %dma_start3A_148 = arith.constant 0 : i32
        %dma_start3A_149 = tpu.memref_slice %arg11[%dma_start3A_147, %dma_start3A_148] : memref<10008x128xf32, #tpu.memory_space<vmem_shared>> -> memref<10008x128xf32, #tpu.memory_space<vmem_shared>>
        tpu.enqueue_indirect_dma source(%arg8 : memref<120x128xf32, #tpu.memory_space<vmem>>) target(%dma_start3A_149 : memref<10008x128xf32, #tpu.memory_space<vmem_shared>>) offsets(%dma_start3A_146 : memref<120xi32, #tpu.memory_space<vmem>>) semaphore(%run_scoped3A_143 : memref<!tpu.dma_semaphore, #tpu.memory_space<semaphore_mem>>) {add = true}
        %dma_wait3A_150 = arith.constant 0 : i32
        %dma_wait3A_151 = tpu.memref_slice %arg7[%run_scoped3A_134, %dma_wait3A_150] : memref<8x120xi32, #tpu.memory_space<vmem>> -> memref<1x120xi32, #tpu.memory_space<vmem>>
        %dma_wait3A_152 = tpu.memref_squeeze %dma_wait3A_151 : memref<1x120xi32, #tpu.memory_space<vmem>> -> memref<120xi32, #tpu.memory_space<vmem>>
        %dma_wait3A_153 = arith.constant 0 : i32
        %dma_wait3A_154 = arith.constant 0 : i32
        %dma_wait3A_155 = tpu.memref_slice %arg11[%dma_wait3A_153, %dma_wait3A_154] : memref<10008x128xf32, #tpu.memory_space<vmem_shared>> -> memref<10008x128xf32, #tpu.memory_space<vmem_shared>>
        tpu.wait_indirect_dma semaphore(%run_scoped3A_143 : memref<!tpu.dma_semaphore, #tpu.memory_space<semaphore_mem>>) src(%arg8 : memref<120x128xf32, #tpu.memory_space<vmem>>) dst(%dma_wait3A_155 : memref<10008x128xf32, #tpu.memory_space<vmem_shared>>)
        tpu.yield
      }) : () -> ()
      %dma_wait3A_135 = arith.constant 7 : i32
      %dma_wait3A_136 = arith.constant 0 : i32
      %dma_wait3A_137 = tpu.memref_slice %arg6[%dma_wait3A_135, %dma_wait3A_136] : memref<8x120xi32, #tpu.memory_space<vmem>> -> memref<1x120xi32, #tpu.memory_space<vmem>>
      %dma_wait3A_138 = tpu.memref_squeeze %dma_wait3A_137 : memref<1x120xi32, #tpu.memory_space<vmem>> -> memref<120xi32, #tpu.memory_space<vmem>>
      %dma_wait3A_139 = arith.constant 0 : i32
      %dma_wait3A_140 = arith.constant 0 : i32
      %dma_wait3A_141 = tpu.memref_slice %arg2[%dma_wait3A_139, %dma_wait3A_140] : memref<20016x128xf32, #tpu.memory_space<hbm>> -> memref<20016x128xf32, #tpu.memory_space<hbm>>
      tpu.wait_indirect_dma semaphore(%arg13 : memref<!tpu.dma_semaphore, #tpu.memory_space<semaphore_mem>>) src(%dma_wait3A_141 : memref<20016x128xf32, #tpu.memory_space<hbm>>) dst(%arg9 : memref<120x128xf32, #tpu.memory_space<vmem>>)
      %run_scoped3A_142 = arith.constant 7 : i32
      "tpu.region"() ({
        %run_scoped3A_143 = tpu.sem_alloc : memref<!tpu.dma_semaphore, #tpu.memory_space<semaphore_mem>>
        %dma_start3A_144 = arith.constant 0 : i32
        %dma_start3A_145 = tpu.memref_slice %arg7[%run_scoped3A_142, %dma_start3A_144] : memref<8x120xi32, #tpu.memory_space<vmem>> -> memref<1x120xi32, #tpu.memory_space<vmem>>
        %dma_start3A_146 = tpu.memref_squeeze %dma_start3A_145 : memref<1x120xi32, #tpu.memory_space<vmem>> -> memref<120xi32, #tpu.memory_space<vmem>>
        %dma_start3A_147 = arith.constant 0 : i32
        %dma_start3A_148 = arith.constant 0 : i32
        %dma_start3A_149 = tpu.memref_slice %arg11[%dma_start3A_147, %dma_start3A_148] : memref<10008x128xf32, #tpu.memory_space<vmem_shared>> -> memref<10008x128xf32, #tpu.memory_space<vmem_shared>>
        tpu.enqueue_indirect_dma source(%arg9 : memref<120x128xf32, #tpu.memory_space<vmem>>) target(%dma_start3A_149 : memref<10008x128xf32, #tpu.memory_space<vmem_shared>>) offsets(%dma_start3A_146 : memref<120xi32, #tpu.memory_space<vmem>>) semaphore(%run_scoped3A_143 : memref<!tpu.dma_semaphore, #tpu.memory_space<semaphore_mem>>) {add = true}
        %dma_wait3A_150 = arith.constant 0 : i32
        %dma_wait3A_151 = tpu.memref_slice %arg7[%run_scoped3A_142, %dma_wait3A_150] : memref<8x120xi32, #tpu.memory_space<vmem>> -> memref<1x120xi32, #tpu.memory_space<vmem>>
        %dma_wait3A_152 = tpu.memref_squeeze %dma_wait3A_151 : memref<1x120xi32, #tpu.memory_space<vmem>> -> memref<120xi32, #tpu.memory_space<vmem>>
        %dma_wait3A_153 = arith.constant 0 : i32
        %dma_wait3A_154 = arith.constant 0 : i32
        %dma_wait3A_155 = tpu.memref_slice %arg11[%dma_wait3A_153, %dma_wait3A_154] : memref<10008x128xf32, #tpu.memory_space<vmem_shared>> -> memref<10008x128xf32, #tpu.memory_space<vmem_shared>>
        tpu.wait_indirect_dma semaphore(%run_scoped3A_143 : memref<!tpu.dma_semaphore, #tpu.memory_space<semaphore_mem>>) src(%arg9 : memref<120x128xf32, #tpu.memory_space<vmem>>) dst(%dma_wait3A_155 : memref<10008x128xf32, #tpu.memory_space<vmem_shared>>)
        tpu.yield
      }) : () -> ()
    }
    %scan3A_12 = arith.constant 21 : i32
    %barrier3A_13 = arith.constant 0 : index
    tpu.barrier barrier_id(%barrier3A_13)
    %mul3A_14 = arith.constant 632 : i32
    %mul3A_15 = arith.muli %arg1, %mul3A_14 : i32
    %min3A_16 = arith.constant 9368 : i32
    %min3A_17 = arith.minsi %mul3A_15, %min3A_16 : i32
    %mul3A_18 = arith.constant 10000 : i32
    %mul3A_19 = arith.muli %arg0, %mul3A_18 : i32
    %add3A_20 = arith.addi %mul3A_19, %min3A_17 : i32
    "tpu.region"() ({
      %run_scoped3A = tpu.sem_alloc : memref<!tpu.dma_semaphore, #tpu.memory_space<semaphore_mem>>
      %dma_start3A = arith.constant 0 : i32
      %dma_start3A_21 = tpu.memref_slice %arg5[%add3A_20, %dma_start3A] : memref<20000x128xf32, #tpu.memory_space<hbm>> -> memref<632x128xf32, #tpu.memory_space<hbm>>
      %dma_start3A_22 = arith.constant 0 : i32
      %dma_start3A_23 = tpu.memref_slice %arg11[%min3A_17, %dma_start3A_22] : memref<10008x128xf32, #tpu.memory_space<vmem_shared>> -> memref<632x128xf32, #tpu.memory_space<vmem_shared>>
      tpu.enqueue_dma source(%dma_start3A_23 : memref<632x128xf32, #tpu.memory_space<vmem_shared>>) target(%dma_start3A_21 : memref<632x128xf32, #tpu.memory_space<hbm>>) target_semaphore(%run_scoped3A : memref<!tpu.dma_semaphore, #tpu.memory_space<semaphore_mem>>)
      %dma_wait3A = arith.constant 0 : i32
      %dma_wait3A_24 = tpu.memref_slice %arg5[%add3A_20, %dma_wait3A] : memref<20000x128xf32, #tpu.memory_space<hbm>> -> memref<632x128xf32, #tpu.memory_space<hbm>>
      %dma_wait3A_25 = arith.constant 0 : i32
      %dma_wait3A_26 = tpu.memref_slice %arg11[%min3A_17, %dma_wait3A_25] : memref<10008x128xf32, #tpu.memory_space<vmem_shared>> -> memref<632x128xf32, #tpu.memory_space<vmem_shared>>
      tpu.wait_dma2 semaphore(%run_scoped3A : memref<!tpu.dma_semaphore, #tpu.memory_space<semaphore_mem>>) src(%dma_wait3A_26 : memref<632x128xf32, #tpu.memory_space<vmem_shared>>) dst(%dma_wait3A_24 : memref<632x128xf32, #tpu.memory_space<hbm>>)
      tpu.yield
    }) : () -> ()
    return
  }
}

#map = affine_map<(d0, d1) -> (0, 0)>
#map1 = affine_map<(d0, d1) -> (0, 0, 0, 0)>
#map2 = affine_map<(d0, d1) -> (0, 0, 0)>
module attributes {stable_mosaic.version = 14 : i64} {
  func.func @_agg_body(%arg0: i32, %arg1: i32, %arg2: memref<20016x128xf32, #tpu.memory_space<hbm>>, %arg3: memref<2x16x168x120xi32, #tpu.memory_space<hbm>>, %arg4: memref<16x168x120xi32, #tpu.memory_space<hbm>>, %arg5: memref<20000x128xf32, #tpu.memory_space<hbm>>, %arg6: memref<8x120xi32, #tpu.memory_space<vmem>>, %arg7: memref<8x120xi32, #tpu.memory_space<vmem>>, %arg8: memref<120x128xf32, #tpu.memory_space<vmem>>, %arg9: memref<120x128xf32, #tpu.memory_space<vmem>>, %arg10: memref<120x128xf32, #tpu.memory_space<vmem>>, %arg11: memref<10008x128xf32, #tpu.memory_space<vmem_shared>>, %arg12: memref<!tpu.dma_semaphore, #tpu.memory_space<semaphore_mem>>, %arg13: memref<!tpu.dma_semaphore, #tpu.memory_space<semaphore_mem>>, %arg14: memref<!tpu.dma_semaphore, #tpu.memory_space<semaphore_mem>>) attributes {dimension_semantics = [#tpu.dimension_semantics<core_parallel>, #tpu.dimension_semantics<subcore_parallel>], iteration_bounds = array<i64: 2, 16>, scalar_prefetch = 0 : i64, scratch_operands = 9 : i64, tpu.core_type = #tpu.core_type<sc_vector_subcore>, window_params = [{transform_indices = #map}, {transform_indices = #map1}, {transform_indices = #map2}, {transform_indices = #map}]} {
    %mul3A = arith.constant 10008 : i32
    %mul3A_0 = arith.muli %arg0, %mul3A : i32
    %mul3A_1 = arith.constant 632 : i32
    %mul3A_2 = arith.muli %arg1, %mul3A_1 : i32
    %min3A = arith.constant 9376 : i32
    %min3A_3 = arith.minsi %mul3A_2, %min3A : i32
    %add3A = arith.addi %mul3A_0, %min3A_3 : i32
    %mul3A_4 = arith.constant 632 : i32
    %mul3A_5 = arith.muli %arg1, %mul3A_4 : i32
    %min3A_6 = arith.constant 9376 : i32
    %min3A_7 = arith.minsi %mul3A_5, %min3A_6 : i32
    "tpu.region"() ({
      %run_scoped3A = tpu.sem_alloc : memref<!tpu.dma_semaphore, #tpu.memory_space<semaphore_mem>>
      %dma_start3A = arith.constant 0 : i32
      %dma_start3A_21 = tpu.memref_slice %arg11[%min3A_7, %dma_start3A] : memref<10008x128xf32, #tpu.memory_space<vmem_shared>> -> memref<632x128xf32, #tpu.memory_space<vmem_shared>>
      %dma_start3A_22 = arith.constant 0 : i32
      %dma_start3A_23 = tpu.memref_slice %arg2[%add3A, %dma_start3A_22] : memref<20016x128xf32, #tpu.memory_space<hbm>> -> memref<632x128xf32, #tpu.memory_space<hbm>>
      tpu.enqueue_dma source(%dma_start3A_23 : memref<632x128xf32, #tpu.memory_space<hbm>>) target(%dma_start3A_21 : memref<632x128xf32, #tpu.memory_space<vmem_shared>>) target_semaphore(%run_scoped3A : memref<!tpu.dma_semaphore, #tpu.memory_space<semaphore_mem>>)
      %dma_wait3A = arith.constant 0 : i32
      %dma_wait3A_24 = tpu.memref_slice %arg11[%min3A_7, %dma_wait3A] : memref<10008x128xf32, #tpu.memory_space<vmem_shared>> -> memref<632x128xf32, #tpu.memory_space<vmem_shared>>
      %dma_wait3A_25 = arith.constant 0 : i32
      %dma_wait3A_26 = tpu.memref_slice %arg2[%add3A, %dma_wait3A_25] : memref<20016x128xf32, #tpu.memory_space<hbm>> -> memref<632x128xf32, #tpu.memory_space<hbm>>
      tpu.wait_dma2 semaphore(%run_scoped3A : memref<!tpu.dma_semaphore, #tpu.memory_space<semaphore_mem>>) src(%dma_wait3A_26 : memref<632x128xf32, #tpu.memory_space<hbm>>) dst(%dma_wait3A_24 : memref<632x128xf32, #tpu.memory_space<vmem_shared>>)
      tpu.yield
    }) : () -> ()
    %barrier3A = arith.constant 0 : index
    tpu.barrier barrier_id(%barrier3A)
    %scan3A = arith.constant 0 : i32
    %scan3A_8 = arith.constant 0 : i32
    %scan3A_9 = arith.constant 21 : i32
    %scan3A_10 = arith.addi %scan3A_8, %scan3A_9 : i32
    %scan3A_11 = arith.constant 1 : i32
    scf.for %scan3A_21 = %scan3A_8 to %scan3A_10 step %scan3A_11  : i32 {
      %mul3A_22 = arith.constant 8 : i32
      %mul3A_23 = arith.muli %scan3A_21, %mul3A_22 : i32
      "tpu.region"() ({
        %run_scoped3A_143 = tpu.sem_alloc : memref<!tpu.dma_semaphore, #tpu.memory_space<semaphore_mem>>
        %dma_start3A_144 = arith.constant 0 : i32
        %dma_start3A_145 = tpu.memref_slice %arg3[%arg0, %arg1, %mul3A_23, %dma_start3A_144] : memref<2x16x168x120xi32, #tpu.memory_space<hbm>> -> memref<1x1x8x120xi32, #tpu.memory_space<hbm>>
        %dma_start3A_146 = tpu.memref_squeeze %dma_start3A_145 : memref<1x1x8x120xi32, #tpu.memory_space<hbm>> -> memref<8x120xi32, #tpu.memory_space<hbm>>
        %dma_start3A_147 = arith.constant 0 : i32
        %dma_start3A_148 = tpu.memref_slice %arg3[%arg0, %arg1, %mul3A_23, %dma_start3A_147] : memref<2x16x168x120xi32, #tpu.memory_space<hbm>> -> memref<1x1x8x120xi32, #tpu.memory_space<hbm>>
        %dma_start3A_149 = tpu.memref_squeeze %dma_start3A_148 : memref<1x1x8x120xi32, #tpu.memory_space<hbm>> -> memref<8x120xi32, #tpu.memory_space<hbm>>
        tpu.enqueue_dma source(%dma_start3A_149 : memref<8x120xi32, #tpu.memory_space<hbm>>) target(%arg6 : memref<8x120xi32, #tpu.memory_space<vmem>>) target_semaphore(%run_scoped3A_143 : memref<!tpu.dma_semaphore, #tpu.memory_space<semaphore_mem>>)
        %dma_wait3A_150 = arith.constant 0 : i32
        %dma_wait3A_151 = tpu.memref_slice %arg3[%arg0, %arg1, %mul3A_23, %dma_wait3A_150] : memref<2x16x168x120xi32, #tpu.memory_space<hbm>> -> memref<1x1x8x120xi32, #tpu.memory_space<hbm>>
        %dma_wait3A_152 = tpu.memref_squeeze %dma_wait3A_151 : memref<1x1x8x120xi32, #tpu.memory_space<hbm>> -> memref<8x120xi32, #tpu.memory_space<hbm>>
        %dma_wait3A_153 = arith.constant 0 : i32
        %dma_wait3A_154 = tpu.memref_slice %arg3[%arg0, %arg1, %mul3A_23, %dma_wait3A_153] : memref<2x16x168x120xi32, #tpu.memory_space<hbm>> -> memref<1x1x8x120xi32, #tpu.memory_space<hbm>>
        %dma_wait3A_155 = tpu.memref_squeeze %dma_wait3A_154 : memref<1x1x8x120xi32, #tpu.memory_space<hbm>> -> memref<8x120xi32, #tpu.memory_space<hbm>>
        tpu.wait_dma2 semaphore(%run_scoped3A_143 : memref<!tpu.dma_semaphore, #tpu.memory_space<semaphore_mem>>) src(%dma_wait3A_155 : memref<8x120xi32, #tpu.memory_space<hbm>>) dst(%arg6 : memref<8x120xi32, #tpu.memory_space<vmem>>)
        tpu.yield
      }) : () -> ()
      %mul3A_24 = arith.constant 8 : i32
      %mul3A_25 = arith.muli %scan3A_21, %mul3A_24 : i32
      "tpu.region"() ({
        %run_scoped3A_143 = tpu.sem_alloc : memref<!tpu.dma_semaphore, #tpu.memory_space<semaphore_mem>>
        %dma_start3A_144 = arith.constant 0 : i32
        %dma_start3A_145 = tpu.memref_slice %arg4[%arg1, %mul3A_25, %dma_start3A_144] : memref<16x168x120xi32, #tpu.memory_space<hbm>> -> memref<1x8x120xi32, #tpu.memory_space<hbm>>
        %dma_start3A_146 = tpu.memref_squeeze %dma_start3A_145 : memref<1x8x120xi32, #tpu.memory_space<hbm>> -> memref<8x120xi32, #tpu.memory_space<hbm>>
        %dma_start3A_147 = arith.constant 0 : i32
        %dma_start3A_148 = tpu.memref_slice %arg4[%arg1, %mul3A_25, %dma_start3A_147] : memref<16x168x120xi32, #tpu.memory_space<hbm>> -> memref<1x8x120xi32, #tpu.memory_space<hbm>>
        %dma_start3A_149 = tpu.memref_squeeze %dma_start3A_148 : memref<1x8x120xi32, #tpu.memory_space<hbm>> -> memref<8x120xi32, #tpu.memory_space<hbm>>
        tpu.enqueue_dma source(%dma_start3A_149 : memref<8x120xi32, #tpu.memory_space<hbm>>) target(%arg7 : memref<8x120xi32, #tpu.memory_space<vmem>>) target_semaphore(%run_scoped3A_143 : memref<!tpu.dma_semaphore, #tpu.memory_space<semaphore_mem>>)
        %dma_wait3A_150 = arith.constant 0 : i32
        %dma_wait3A_151 = tpu.memref_slice %arg4[%arg1, %mul3A_25, %dma_wait3A_150] : memref<16x168x120xi32, #tpu.memory_space<hbm>> -> memref<1x8x120xi32, #tpu.memory_space<hbm>>
        %dma_wait3A_152 = tpu.memref_squeeze %dma_wait3A_151 : memref<1x8x120xi32, #tpu.memory_space<hbm>> -> memref<8x120xi32, #tpu.memory_space<hbm>>
        %dma_wait3A_153 = arith.constant 0 : i32
        %dma_wait3A_154 = tpu.memref_slice %arg4[%arg1, %mul3A_25, %dma_wait3A_153] : memref<16x168x120xi32, #tpu.memory_space<hbm>> -> memref<1x8x120xi32, #tpu.memory_space<hbm>>
        %dma_wait3A_155 = tpu.memref_squeeze %dma_wait3A_154 : memref<1x8x120xi32, #tpu.memory_space<hbm>> -> memref<8x120xi32, #tpu.memory_space<hbm>>
        tpu.wait_dma2 semaphore(%run_scoped3A_143 : memref<!tpu.dma_semaphore, #tpu.memory_space<semaphore_mem>>) src(%dma_wait3A_155 : memref<8x120xi32, #tpu.memory_space<hbm>>) dst(%arg7 : memref<8x120xi32, #tpu.memory_space<vmem>>)
        tpu.yield
      }) : () -> ()
      %dma_start3A = arith.constant 0 : i32
      %dma_start3A_26 = arith.constant 0 : i32
      %dma_start3A_27 = tpu.memref_slice %arg6[%dma_start3A, %dma_start3A_26] : memref<8x120xi32, #tpu.memory_space<vmem>> -> memref<1x120xi32, #tpu.memory_space<vmem>>
      %dma_start3A_28 = tpu.memref_squeeze %dma_start3A_27 : memref<1x120xi32, #tpu.memory_space<vmem>> -> memref<120xi32, #tpu.memory_space<vmem>>
      %dma_start3A_29 = arith.constant 0 : i32
      %dma_start3A_30 = arith.constant 0 : i32
      %dma_start3A_31 = tpu.memref_slice %arg2[%dma_start3A_29, %dma_start3A_30] : memref<20016x128xf32, #tpu.memory_space<hbm>> -> memref<20016x128xf32, #tpu.memory_space<hbm>>
      tpu.enqueue_indirect_dma source(%dma_start3A_31 : memref<20016x128xf32, #tpu.memory_space<hbm>>) target(%arg8 : memref<120x128xf32, #tpu.memory_space<vmem>>) offsets(%dma_start3A_28 : memref<120xi32, #tpu.memory_space<vmem>>) semaphore(%arg12 : memref<!tpu.dma_semaphore, #tpu.memory_space<semaphore_mem>>)
      %dma_start3A_32 = arith.constant 1 : i32
      %dma_start3A_33 = arith.constant 0 : i32
      %dma_start3A_34 = tpu.memref_slice %arg6[%dma_start3A_32, %dma_start3A_33] : memref<8x120xi32, #tpu.memory_space<vmem>> -> memref<1x120xi32, #tpu.memory_space<vmem>>
      %dma_start3A_35 = tpu.memref_squeeze %dma_start3A_34 : memref<1x120xi32, #tpu.memory_space<vmem>> -> memref<120xi32, #tpu.memory_space<vmem>>
      %dma_start3A_36 = arith.constant 0 : i32
      %dma_start3A_37 = arith.constant 0 : i32
      %dma_start3A_38 = tpu.memref_slice %arg2[%dma_start3A_36, %dma_start3A_37] : memref<20016x128xf32, #tpu.memory_space<hbm>> -> memref<20016x128xf32, #tpu.memory_space<hbm>>
      tpu.enqueue_indirect_dma source(%dma_start3A_38 : memref<20016x128xf32, #tpu.memory_space<hbm>>) target(%arg9 : memref<120x128xf32, #tpu.memory_space<vmem>>) offsets(%dma_start3A_35 : memref<120xi32, #tpu.memory_space<vmem>>) semaphore(%arg13 : memref<!tpu.dma_semaphore, #tpu.memory_space<semaphore_mem>>)
      %dma_wait3A = arith.constant 0 : i32
      %dma_wait3A_39 = arith.constant 0 : i32
      %dma_wait3A_40 = tpu.memref_slice %arg6[%dma_wait3A, %dma_wait3A_39] : memref<8x120xi32, #tpu.memory_space<vmem>> -> memref<1x120xi32, #tpu.memory_space<vmem>>
      %dma_wait3A_41 = tpu.memref_squeeze %dma_wait3A_40 : memref<1x120xi32, #tpu.memory_space<vmem>> -> memref<120xi32, #tpu.memory_space<vmem>>
      %dma_wait3A_42 = arith.constant 0 : i32
      %dma_wait3A_43 = arith.constant 0 : i32
      %dma_wait3A_44 = tpu.memref_slice %arg2[%dma_wait3A_42, %dma_wait3A_43] : memref<20016x128xf32, #tpu.memory_space<hbm>> -> memref<20016x128xf32, #tpu.memory_space<hbm>>
      tpu.wait_indirect_dma semaphore(%arg12 : memref<!tpu.dma_semaphore, #tpu.memory_space<semaphore_mem>>) src(%dma_wait3A_44 : memref<20016x128xf32, #tpu.memory_space<hbm>>) dst(%arg8 : memref<120x128xf32, #tpu.memory_space<vmem>>)
      %dma_start3A_45 = arith.constant 2 : i32
      %dma_start3A_46 = arith.constant 0 : i32
      %dma_start3A_47 = tpu.memref_slice %arg6[%dma_start3A_45, %dma_start3A_46] : memref<8x120xi32, #tpu.memory_space<vmem>> -> memref<1x120xi32, #tpu.memory_space<vmem>>
      %dma_start3A_48 = tpu.memref_squeeze %dma_start3A_47 : memref<1x120xi32, #tpu.memory_space<vmem>> -> memref<120xi32, #tpu.memory_space<vmem>>
      %dma_start3A_49 = arith.constant 0 : i32
      %dma_start3A_50 = arith.constant 0 : i32
      %dma_start3A_51 = tpu.memref_slice %arg2[%dma_start3A_49, %dma_start3A_50] : memref<20016x128xf32, #tpu.memory_space<hbm>> -> memref<20016x128xf32, #tpu.memory_space<hbm>>
      tpu.enqueue_indirect_dma source(%dma_start3A_51 : memref<20016x128xf32, #tpu.memory_space<hbm>>) target(%arg10 : memref<120x128xf32, #tpu.memory_space<vmem>>) offsets(%dma_start3A_48 : memref<120xi32, #tpu.memory_space<vmem>>) semaphore(%arg14 : memref<!tpu.dma_semaphore, #tpu.memory_space<semaphore_mem>>)
      %run_scoped3A = arith.constant 0 : i32
      "tpu.region"() ({
        %run_scoped3A_143 = tpu.sem_alloc : memref<!tpu.dma_semaphore, #tpu.memory_space<semaphore_mem>>
        %dma_start3A_144 = arith.constant 0 : i32
        %dma_start3A_145 = tpu.memref_slice %arg7[%run_scoped3A, %dma_start3A_144] : memref<8x120xi32, #tpu.memory_space<vmem>> -> memref<1x120xi32, #tpu.memory_space<vmem>>
        %dma_start3A_146 = tpu.memref_squeeze %dma_start3A_145 : memref<1x120xi32, #tpu.memory_space<vmem>> -> memref<120xi32, #tpu.memory_space<vmem>>
        %dma_start3A_147 = arith.constant 0 : i32
        %dma_start3A_148 = arith.constant 0 : i32
        %dma_start3A_149 = tpu.memref_slice %arg11[%dma_start3A_147, %dma_start3A_148] : memref<10008x128xf32, #tpu.memory_space<vmem_shared>> -> memref<10008x128xf32, #tpu.memory_space<vmem_shared>>
        tpu.enqueue_indirect_dma source(%arg8 : memref<120x128xf32, #tpu.memory_space<vmem>>) target(%dma_start3A_149 : memref<10008x128xf32, #tpu.memory_space<vmem_shared>>) offsets(%dma_start3A_146 : memref<120xi32, #tpu.memory_space<vmem>>) semaphore(%run_scoped3A_143 : memref<!tpu.dma_semaphore, #tpu.memory_space<semaphore_mem>>) {add = true}
        %dma_wait3A_150 = arith.constant 0 : i32
        %dma_wait3A_151 = tpu.memref_slice %arg7[%run_scoped3A, %dma_wait3A_150] : memref<8x120xi32, #tpu.memory_space<vmem>> -> memref<1x120xi32, #tpu.memory_space<vmem>>
        %dma_wait3A_152 = tpu.memref_squeeze %dma_wait3A_151 : memref<1x120xi32, #tpu.memory_space<vmem>> -> memref<120xi32, #tpu.memory_space<vmem>>
        %dma_wait3A_153 = arith.constant 0 : i32
        %dma_wait3A_154 = arith.constant 0 : i32
        %dma_wait3A_155 = tpu.memref_slice %arg11[%dma_wait3A_153, %dma_wait3A_154] : memref<10008x128xf32, #tpu.memory_space<vmem_shared>> -> memref<10008x128xf32, #tpu.memory_space<vmem_shared>>
        tpu.wait_indirect_dma semaphore(%run_scoped3A_143 : memref<!tpu.dma_semaphore, #tpu.memory_space<semaphore_mem>>) src(%arg8 : memref<120x128xf32, #tpu.memory_space<vmem>>) dst(%dma_wait3A_155 : memref<10008x128xf32, #tpu.memory_space<vmem_shared>>)
        tpu.yield
      }) : () -> ()
      %dma_wait3A_52 = arith.constant 1 : i32
      %dma_wait3A_53 = arith.constant 0 : i32
      %dma_wait3A_54 = tpu.memref_slice %arg6[%dma_wait3A_52, %dma_wait3A_53] : memref<8x120xi32, #tpu.memory_space<vmem>> -> memref<1x120xi32, #tpu.memory_space<vmem>>
      %dma_wait3A_55 = tpu.memref_squeeze %dma_wait3A_54 : memref<1x120xi32, #tpu.memory_space<vmem>> -> memref<120xi32, #tpu.memory_space<vmem>>
      %dma_wait3A_56 = arith.constant 0 : i32
      %dma_wait3A_57 = arith.constant 0 : i32
      %dma_wait3A_58 = tpu.memref_slice %arg2[%dma_wait3A_56, %dma_wait3A_57] : memref<20016x128xf32, #tpu.memory_space<hbm>> -> memref<20016x128xf32, #tpu.memory_space<hbm>>
      tpu.wait_indirect_dma semaphore(%arg13 : memref<!tpu.dma_semaphore, #tpu.memory_space<semaphore_mem>>) src(%dma_wait3A_58 : memref<20016x128xf32, #tpu.memory_space<hbm>>) dst(%arg9 : memref<120x128xf32, #tpu.memory_space<vmem>>)
      %dma_start3A_59 = arith.constant 3 : i32
      %dma_start3A_60 = arith.constant 0 : i32
      %dma_start3A_61 = tpu.memref_slice %arg6[%dma_start3A_59, %dma_start3A_60] : memref<8x120xi32, #tpu.memory_space<vmem>> -> memref<1x120xi32, #tpu.memory_space<vmem>>
      %dma_start3A_62 = tpu.memref_squeeze %dma_start3A_61 : memref<1x120xi32, #tpu.memory_space<vmem>> -> memref<120xi32, #tpu.memory_space<vmem>>
      %dma_start3A_63 = arith.constant 0 : i32
      %dma_start3A_64 = arith.constant 0 : i32
      %dma_start3A_65 = tpu.memref_slice %arg2[%dma_start3A_63, %dma_start3A_64] : memref<20016x128xf32, #tpu.memory_space<hbm>> -> memref<20016x128xf32, #tpu.memory_space<hbm>>
      tpu.enqueue_indirect_dma source(%dma_start3A_65 : memref<20016x128xf32, #tpu.memory_space<hbm>>) target(%arg8 : memref<120x128xf32, #tpu.memory_space<vmem>>) offsets(%dma_start3A_62 : memref<120xi32, #tpu.memory_space<vmem>>) semaphore(%arg12 : memref<!tpu.dma_semaphore, #tpu.memory_space<semaphore_mem>>)
      %run_scoped3A_66 = arith.constant 1 : i32
      "tpu.region"() ({
        %run_scoped3A_143 = tpu.sem_alloc : memref<!tpu.dma_semaphore, #tpu.memory_space<semaphore_mem>>
        %dma_start3A_144 = arith.constant 0 : i32
        %dma_start3A_145 = tpu.memref_slice %arg7[%run_scoped3A_66, %dma_start3A_144] : memref<8x120xi32, #tpu.memory_space<vmem>> -> memref<1x120xi32, #tpu.memory_space<vmem>>
        %dma_start3A_146 = tpu.memref_squeeze %dma_start3A_145 : memref<1x120xi32, #tpu.memory_space<vmem>> -> memref<120xi32, #tpu.memory_space<vmem>>
        %dma_start3A_147 = arith.constant 0 : i32
        %dma_start3A_148 = arith.constant 0 : i32
        %dma_start3A_149 = tpu.memref_slice %arg11[%dma_start3A_147, %dma_start3A_148] : memref<10008x128xf32, #tpu.memory_space<vmem_shared>> -> memref<10008x128xf32, #tpu.memory_space<vmem_shared>>
        tpu.enqueue_indirect_dma source(%arg9 : memref<120x128xf32, #tpu.memory_space<vmem>>) target(%dma_start3A_149 : memref<10008x128xf32, #tpu.memory_space<vmem_shared>>) offsets(%dma_start3A_146 : memref<120xi32, #tpu.memory_space<vmem>>) semaphore(%run_scoped3A_143 : memref<!tpu.dma_semaphore, #tpu.memory_space<semaphore_mem>>) {add = true}
        %dma_wait3A_150 = arith.constant 0 : i32
        %dma_wait3A_151 = tpu.memref_slice %arg7[%run_scoped3A_66, %dma_wait3A_150] : memref<8x120xi32, #tpu.memory_space<vmem>> -> memref<1x120xi32, #tpu.memory_space<vmem>>
        %dma_wait3A_152 = tpu.memref_squeeze %dma_wait3A_151 : memref<1x120xi32, #tpu.memory_space<vmem>> -> memref<120xi32, #tpu.memory_space<vmem>>
        %dma_wait3A_153 = arith.constant 0 : i32
        %dma_wait3A_154 = arith.constant 0 : i32
        %dma_wait3A_155 = tpu.memref_slice %arg11[%dma_wait3A_153, %dma_wait3A_154] : memref<10008x128xf32, #tpu.memory_space<vmem_shared>> -> memref<10008x128xf32, #tpu.memory_space<vmem_shared>>
        tpu.wait_indirect_dma semaphore(%run_scoped3A_143 : memref<!tpu.dma_semaphore, #tpu.memory_space<semaphore_mem>>) src(%arg9 : memref<120x128xf32, #tpu.memory_space<vmem>>) dst(%dma_wait3A_155 : memref<10008x128xf32, #tpu.memory_space<vmem_shared>>)
        tpu.yield
      }) : () -> ()
      %dma_wait3A_67 = arith.constant 2 : i32
      %dma_wait3A_68 = arith.constant 0 : i32
      %dma_wait3A_69 = tpu.memref_slice %arg6[%dma_wait3A_67, %dma_wait3A_68] : memref<8x120xi32, #tpu.memory_space<vmem>> -> memref<1x120xi32, #tpu.memory_space<vmem>>
      %dma_wait3A_70 = tpu.memref_squeeze %dma_wait3A_69 : memref<1x120xi32, #tpu.memory_space<vmem>> -> memref<120xi32, #tpu.memory_space<vmem>>
      %dma_wait3A_71 = arith.constant 0 : i32
      %dma_wait3A_72 = arith.constant 0 : i32
      %dma_wait3A_73 = tpu.memref_slice %arg2[%dma_wait3A_71, %dma_wait3A_72] : memref<20016x128xf32, #tpu.memory_space<hbm>> -> memref<20016x128xf32, #tpu.memory_space<hbm>>
      tpu.wait_indirect_dma semaphore(%arg14 : memref<!tpu.dma_semaphore, #tpu.memory_space<semaphore_mem>>) src(%dma_wait3A_73 : memref<20016x128xf32, #tpu.memory_space<hbm>>) dst(%arg10 : memref<120x128xf32, #tpu.memory_space<vmem>>)
      %dma_start3A_74 = arith.constant 4 : i32
      %dma_start3A_75 = arith.constant 0 : i32
      %dma_start3A_76 = tpu.memref_slice %arg6[%dma_start3A_74, %dma_start3A_75] : memref<8x120xi32, #tpu.memory_space<vmem>> -> memref<1x120xi32, #tpu.memory_space<vmem>>
      %dma_start3A_77 = tpu.memref_squeeze %dma_start3A_76 : memref<1x120xi32, #tpu.memory_space<vmem>> -> memref<120xi32, #tpu.memory_space<vmem>>
      %dma_start3A_78 = arith.constant 0 : i32
      %dma_start3A_79 = arith.constant 0 : i32
      %dma_start3A_80 = tpu.memref_slice %arg2[%dma_start3A_78, %dma_start3A_79] : memref<20016x128xf32, #tpu.memory_space<hbm>> -> memref<20016x128xf32, #tpu.memory_space<hbm>>
      tpu.enqueue_indirect_dma source(%dma_start3A_80 : memref<20016x128xf32, #tpu.memory_space<hbm>>) target(%arg9 : memref<120x128xf32, #tpu.memory_space<vmem>>) offsets(%dma_start3A_77 : memref<120xi32, #tpu.memory_space<vmem>>) semaphore(%arg13 : memref<!tpu.dma_semaphore, #tpu.memory_space<semaphore_mem>>)
      %run_scoped3A_81 = arith.constant 2 : i32
      "tpu.region"() ({
        %run_scoped3A_143 = tpu.sem_alloc : memref<!tpu.dma_semaphore, #tpu.memory_space<semaphore_mem>>
        %dma_start3A_144 = arith.constant 0 : i32
        %dma_start3A_145 = tpu.memref_slice %arg7[%run_scoped3A_81, %dma_start3A_144] : memref<8x120xi32, #tpu.memory_space<vmem>> -> memref<1x120xi32, #tpu.memory_space<vmem>>
        %dma_start3A_146 = tpu.memref_squeeze %dma_start3A_145 : memref<1x120xi32, #tpu.memory_space<vmem>> -> memref<120xi32, #tpu.memory_space<vmem>>
        %dma_start3A_147 = arith.constant 0 : i32
        %dma_start3A_148 = arith.constant 0 : i32
        %dma_start3A_149 = tpu.memref_slice %arg11[%dma_start3A_147, %dma_start3A_148] : memref<10008x128xf32, #tpu.memory_space<vmem_shared>> -> memref<10008x128xf32, #tpu.memory_space<vmem_shared>>
        tpu.enqueue_indirect_dma source(%arg10 : memref<120x128xf32, #tpu.memory_space<vmem>>) target(%dma_start3A_149 : memref<10008x128xf32, #tpu.memory_space<vmem_shared>>) offsets(%dma_start3A_146 : memref<120xi32, #tpu.memory_space<vmem>>) semaphore(%run_scoped3A_143 : memref<!tpu.dma_semaphore, #tpu.memory_space<semaphore_mem>>) {add = true}
        %dma_wait3A_150 = arith.constant 0 : i32
        %dma_wait3A_151 = tpu.memref_slice %arg7[%run_scoped3A_81, %dma_wait3A_150] : memref<8x120xi32, #tpu.memory_space<vmem>> -> memref<1x120xi32, #tpu.memory_space<vmem>>
        %dma_wait3A_152 = tpu.memref_squeeze %dma_wait3A_151 : memref<1x120xi32, #tpu.memory_space<vmem>> -> memref<120xi32, #tpu.memory_space<vmem>>
        %dma_wait3A_153 = arith.constant 0 : i32
        %dma_wait3A_154 = arith.constant 0 : i32
        %dma_wait3A_155 = tpu.memref_slice %arg11[%dma_wait3A_153, %dma_wait3A_154] : memref<10008x128xf32, #tpu.memory_space<vmem_shared>> -> memref<10008x128xf32, #tpu.memory_space<vmem_shared>>
        tpu.wait_indirect_dma semaphore(%run_scoped3A_143 : memref<!tpu.dma_semaphore, #tpu.memory_space<semaphore_mem>>) src(%arg10 : memref<120x128xf32, #tpu.memory_space<vmem>>) dst(%dma_wait3A_155 : memref<10008x128xf32, #tpu.memory_space<vmem_shared>>)
        tpu.yield
      }) : () -> ()
      %dma_wait3A_82 = arith.constant 3 : i32
      %dma_wait3A_83 = arith.constant 0 : i32
      %dma_wait3A_84 = tpu.memref_slice %arg6[%dma_wait3A_82, %dma_wait3A_83] : memref<8x120xi32, #tpu.memory_space<vmem>> -> memref<1x120xi32, #tpu.memory_space<vmem>>
      %dma_wait3A_85 = tpu.memref_squeeze %dma_wait3A_84 : memref<1x120xi32, #tpu.memory_space<vmem>> -> memref<120xi32, #tpu.memory_space<vmem>>
      %dma_wait3A_86 = arith.constant 0 : i32
      %dma_wait3A_87 = arith.constant 0 : i32
      %dma_wait3A_88 = tpu.memref_slice %arg2[%dma_wait3A_86, %dma_wait3A_87] : memref<20016x128xf32, #tpu.memory_space<hbm>> -> memref<20016x128xf32, #tpu.memory_space<hbm>>
      tpu.wait_indirect_dma semaphore(%arg12 : memref<!tpu.dma_semaphore, #tpu.memory_space<semaphore_mem>>) src(%dma_wait3A_88 : memref<20016x128xf32, #tpu.memory_space<hbm>>) dst(%arg8 : memref<120x128xf32, #tpu.memory_space<vmem>>)
      %dma_start3A_89 = arith.constant 5 : i32
      %dma_start3A_90 = arith.constant 0 : i32
      %dma_start3A_91 = tpu.memref_slice %arg6[%dma_start3A_89, %dma_start3A_90] : memref<8x120xi32, #tpu.memory_space<vmem>> -> memref<1x120xi32, #tpu.memory_space<vmem>>
      %dma_start3A_92 = tpu.memref_squeeze %dma_start3A_91 : memref<1x120xi32, #tpu.memory_space<vmem>> -> memref<120xi32, #tpu.memory_space<vmem>>
      %dma_start3A_93 = arith.constant 0 : i32
      %dma_start3A_94 = arith.constant 0 : i32
      %dma_start3A_95 = tpu.memref_slice %arg2[%dma_start3A_93, %dma_start3A_94] : memref<20016x128xf32, #tpu.memory_space<hbm>> -> memref<20016x128xf32, #tpu.memory_space<hbm>>
      tpu.enqueue_indirect_dma source(%dma_start3A_95 : memref<20016x128xf32, #tpu.memory_space<hbm>>) target(%arg10 : memref<120x128xf32, #tpu.memory_space<vmem>>) offsets(%dma_start3A_92 : memref<120xi32, #tpu.memory_space<vmem>>) semaphore(%arg14 : memref<!tpu.dma_semaphore, #tpu.memory_space<semaphore_mem>>)
      %run_scoped3A_96 = arith.constant 3 : i32
      "tpu.region"() ({
        %run_scoped3A_143 = tpu.sem_alloc : memref<!tpu.dma_semaphore, #tpu.memory_space<semaphore_mem>>
        %dma_start3A_144 = arith.constant 0 : i32
        %dma_start3A_145 = tpu.memref_slice %arg7[%run_scoped3A_96, %dma_start3A_144] : memref<8x120xi32, #tpu.memory_space<vmem>> -> memref<1x120xi32, #tpu.memory_space<vmem>>
        %dma_start3A_146 = tpu.memref_squeeze %dma_start3A_145 : memref<1x120xi32, #tpu.memory_space<vmem>> -> memref<120xi32, #tpu.memory_space<vmem>>
        %dma_start3A_147 = arith.constant 0 : i32
        %dma_start3A_148 = arith.constant 0 : i32
        %dma_start3A_149 = tpu.memref_slice %arg11[%dma_start3A_147, %dma_start3A_148] : memref<10008x128xf32, #tpu.memory_space<vmem_shared>> -> memref<10008x128xf32, #tpu.memory_space<vmem_shared>>
        tpu.enqueue_indirect_dma source(%arg8 : memref<120x128xf32, #tpu.memory_space<vmem>>) target(%dma_start3A_149 : memref<10008x128xf32, #tpu.memory_space<vmem_shared>>) offsets(%dma_start3A_146 : memref<120xi32, #tpu.memory_space<vmem>>) semaphore(%run_scoped3A_143 : memref<!tpu.dma_semaphore, #tpu.memory_space<semaphore_mem>>) {add = true}
        %dma_wait3A_150 = arith.constant 0 : i32
        %dma_wait3A_151 = tpu.memref_slice %arg7[%run_scoped3A_96, %dma_wait3A_150] : memref<8x120xi32, #tpu.memory_space<vmem>> -> memref<1x120xi32, #tpu.memory_space<vmem>>
        %dma_wait3A_152 = tpu.memref_squeeze %dma_wait3A_151 : memref<1x120xi32, #tpu.memory_space<vmem>> -> memref<120xi32, #tpu.memory_space<vmem>>
        %dma_wait3A_153 = arith.constant 0 : i32
        %dma_wait3A_154 = arith.constant 0 : i32
        %dma_wait3A_155 = tpu.memref_slice %arg11[%dma_wait3A_153, %dma_wait3A_154] : memref<10008x128xf32, #tpu.memory_space<vmem_shared>> -> memref<10008x128xf32, #tpu.memory_space<vmem_shared>>
        tpu.wait_indirect_dma semaphore(%run_scoped3A_143 : memref<!tpu.dma_semaphore, #tpu.memory_space<semaphore_mem>>) src(%arg8 : memref<120x128xf32, #tpu.memory_space<vmem>>) dst(%dma_wait3A_155 : memref<10008x128xf32, #tpu.memory_space<vmem_shared>>)
        tpu.yield
      }) : () -> ()
      %dma_wait3A_97 = arith.constant 4 : i32
      %dma_wait3A_98 = arith.constant 0 : i32
      %dma_wait3A_99 = tpu.memref_slice %arg6[%dma_wait3A_97, %dma_wait3A_98] : memref<8x120xi32, #tpu.memory_space<vmem>> -> memref<1x120xi32, #tpu.memory_space<vmem>>
      %dma_wait3A_100 = tpu.memref_squeeze %dma_wait3A_99 : memref<1x120xi32, #tpu.memory_space<vmem>> -> memref<120xi32, #tpu.memory_space<vmem>>
      %dma_wait3A_101 = arith.constant 0 : i32
      %dma_wait3A_102 = arith.constant 0 : i32
      %dma_wait3A_103 = tpu.memref_slice %arg2[%dma_wait3A_101, %dma_wait3A_102] : memref<20016x128xf32, #tpu.memory_space<hbm>> -> memref<20016x128xf32, #tpu.memory_space<hbm>>
      tpu.wait_indirect_dma semaphore(%arg13 : memref<!tpu.dma_semaphore, #tpu.memory_space<semaphore_mem>>) src(%dma_wait3A_103 : memref<20016x128xf32, #tpu.memory_space<hbm>>) dst(%arg9 : memref<120x128xf32, #tpu.memory_space<vmem>>)
      %dma_start3A_104 = arith.constant 6 : i32
      %dma_start3A_105 = arith.constant 0 : i32
      %dma_start3A_106 = tpu.memref_slice %arg6[%dma_start3A_104, %dma_start3A_105] : memref<8x120xi32, #tpu.memory_space<vmem>> -> memref<1x120xi32, #tpu.memory_space<vmem>>
      %dma_start3A_107 = tpu.memref_squeeze %dma_start3A_106 : memref<1x120xi32, #tpu.memory_space<vmem>> -> memref<120xi32, #tpu.memory_space<vmem>>
      %dma_start3A_108 = arith.constant 0 : i32
      %dma_start3A_109 = arith.constant 0 : i32
      %dma_start3A_110 = tpu.memref_slice %arg2[%dma_start3A_108, %dma_start3A_109] : memref<20016x128xf32, #tpu.memory_space<hbm>> -> memref<20016x128xf32, #tpu.memory_space<hbm>>
      tpu.enqueue_indirect_dma source(%dma_start3A_110 : memref<20016x128xf32, #tpu.memory_space<hbm>>) target(%arg8 : memref<120x128xf32, #tpu.memory_space<vmem>>) offsets(%dma_start3A_107 : memref<120xi32, #tpu.memory_space<vmem>>) semaphore(%arg12 : memref<!tpu.dma_semaphore, #tpu.memory_space<semaphore_mem>>)
      %run_scoped3A_111 = arith.constant 4 : i32
      "tpu.region"() ({
        %run_scoped3A_143 = tpu.sem_alloc : memref<!tpu.dma_semaphore, #tpu.memory_space<semaphore_mem>>
        %dma_start3A_144 = arith.constant 0 : i32
        %dma_start3A_145 = tpu.memref_slice %arg7[%run_scoped3A_111, %dma_start3A_144] : memref<8x120xi32, #tpu.memory_space<vmem>> -> memref<1x120xi32, #tpu.memory_space<vmem>>
        %dma_start3A_146 = tpu.memref_squeeze %dma_start3A_145 : memref<1x120xi32, #tpu.memory_space<vmem>> -> memref<120xi32, #tpu.memory_space<vmem>>
        %dma_start3A_147 = arith.constant 0 : i32
        %dma_start3A_148 = arith.constant 0 : i32
        %dma_start3A_149 = tpu.memref_slice %arg11[%dma_start3A_147, %dma_start3A_148] : memref<10008x128xf32, #tpu.memory_space<vmem_shared>> -> memref<10008x128xf32, #tpu.memory_space<vmem_shared>>
        tpu.enqueue_indirect_dma source(%arg9 : memref<120x128xf32, #tpu.memory_space<vmem>>) target(%dma_start3A_149 : memref<10008x128xf32, #tpu.memory_space<vmem_shared>>) offsets(%dma_start3A_146 : memref<120xi32, #tpu.memory_space<vmem>>) semaphore(%run_scoped3A_143 : memref<!tpu.dma_semaphore, #tpu.memory_space<semaphore_mem>>) {add = true}
        %dma_wait3A_150 = arith.constant 0 : i32
        %dma_wait3A_151 = tpu.memref_slice %arg7[%run_scoped3A_111, %dma_wait3A_150] : memref<8x120xi32, #tpu.memory_space<vmem>> -> memref<1x120xi32, #tpu.memory_space<vmem>>
        %dma_wait3A_152 = tpu.memref_squeeze %dma_wait3A_151 : memref<1x120xi32, #tpu.memory_space<vmem>> -> memref<120xi32, #tpu.memory_space<vmem>>
        %dma_wait3A_153 = arith.constant 0 : i32
        %dma_wait3A_154 = arith.constant 0 : i32
        %dma_wait3A_155 = tpu.memref_slice %arg11[%dma_wait3A_153, %dma_wait3A_154] : memref<10008x128xf32, #tpu.memory_space<vmem_shared>> -> memref<10008x128xf32, #tpu.memory_space<vmem_shared>>
        tpu.wait_indirect_dma semaphore(%run_scoped3A_143 : memref<!tpu.dma_semaphore, #tpu.memory_space<semaphore_mem>>) src(%arg9 : memref<120x128xf32, #tpu.memory_space<vmem>>) dst(%dma_wait3A_155 : memref<10008x128xf32, #tpu.memory_space<vmem_shared>>)
        tpu.yield
      }) : () -> ()
      %dma_wait3A_112 = arith.constant 5 : i32
      %dma_wait3A_113 = arith.constant 0 : i32
      %dma_wait3A_114 = tpu.memref_slice %arg6[%dma_wait3A_112, %dma_wait3A_113] : memref<8x120xi32, #tpu.memory_space<vmem>> -> memref<1x120xi32, #tpu.memory_space<vmem>>
      %dma_wait3A_115 = tpu.memref_squeeze %dma_wait3A_114 : memref<1x120xi32, #tpu.memory_space<vmem>> -> memref<120xi32, #tpu.memory_space<vmem>>
      %dma_wait3A_116 = arith.constant 0 : i32
      %dma_wait3A_117 = arith.constant 0 : i32
      %dma_wait3A_118 = tpu.memref_slice %arg2[%dma_wait3A_116, %dma_wait3A_117] : memref<20016x128xf32, #tpu.memory_space<hbm>> -> memref<20016x128xf32, #tpu.memory_space<hbm>>
      tpu.wait_indirect_dma semaphore(%arg14 : memref<!tpu.dma_semaphore, #tpu.memory_space<semaphore_mem>>) src(%dma_wait3A_118 : memref<20016x128xf32, #tpu.memory_space<hbm>>) dst(%arg10 : memref<120x128xf32, #tpu.memory_space<vmem>>)
      %dma_start3A_119 = arith.constant 7 : i32
      %dma_start3A_120 = arith.constant 0 : i32
      %dma_start3A_121 = tpu.memref_slice %arg6[%dma_start3A_119, %dma_start3A_120] : memref<8x120xi32, #tpu.memory_space<vmem>> -> memref<1x120xi32, #tpu.memory_space<vmem>>
      %dma_start3A_122 = tpu.memref_squeeze %dma_start3A_121 : memref<1x120xi32, #tpu.memory_space<vmem>> -> memref<120xi32, #tpu.memory_space<vmem>>
      %dma_start3A_123 = arith.constant 0 : i32
      %dma_start3A_124 = arith.constant 0 : i32
      %dma_start3A_125 = tpu.memref_slice %arg2[%dma_start3A_123, %dma_start3A_124] : memref<20016x128xf32, #tpu.memory_space<hbm>> -> memref<20016x128xf32, #tpu.memory_space<hbm>>
      tpu.enqueue_indirect_dma source(%dma_start3A_125 : memref<20016x128xf32, #tpu.memory_space<hbm>>) target(%arg9 : memref<120x128xf32, #tpu.memory_space<vmem>>) offsets(%dma_start3A_122 : memref<120xi32, #tpu.memory_space<vmem>>) semaphore(%arg13 : memref<!tpu.dma_semaphore, #tpu.memory_space<semaphore_mem>>)
      %run_scoped3A_126 = arith.constant 5 : i32
      "tpu.region"() ({
        %run_scoped3A_143 = tpu.sem_alloc : memref<!tpu.dma_semaphore, #tpu.memory_space<semaphore_mem>>
        %dma_start3A_144 = arith.constant 0 : i32
        %dma_start3A_145 = tpu.memref_slice %arg7[%run_scoped3A_126, %dma_start3A_144] : memref<8x120xi32, #tpu.memory_space<vmem>> -> memref<1x120xi32, #tpu.memory_space<vmem>>
        %dma_start3A_146 = tpu.memref_squeeze %dma_start3A_145 : memref<1x120xi32, #tpu.memory_space<vmem>> -> memref<120xi32, #tpu.memory_space<vmem>>
        %dma_start3A_147 = arith.constant 0 : i32
        %dma_start3A_148 = arith.constant 0 : i32
        %dma_start3A_149 = tpu.memref_slice %arg11[%dma_start3A_147, %dma_start3A_148] : memref<10008x128xf32, #tpu.memory_space<vmem_shared>> -> memref<10008x128xf32, #tpu.memory_space<vmem_shared>>
        tpu.enqueue_indirect_dma source(%arg10 : memref<120x128xf32, #tpu.memory_space<vmem>>) target(%dma_start3A_149 : memref<10008x128xf32, #tpu.memory_space<vmem_shared>>) offsets(%dma_start3A_146 : memref<120xi32, #tpu.memory_space<vmem>>) semaphore(%run_scoped3A_143 : memref<!tpu.dma_semaphore, #tpu.memory_space<semaphore_mem>>) {add = true}
        %dma_wait3A_150 = arith.constant 0 : i32
        %dma_wait3A_151 = tpu.memref_slice %arg7[%run_scoped3A_126, %dma_wait3A_150] : memref<8x120xi32, #tpu.memory_space<vmem>> -> memref<1x120xi32, #tpu.memory_space<vmem>>
        %dma_wait3A_152 = tpu.memref_squeeze %dma_wait3A_151 : memref<1x120xi32, #tpu.memory_space<vmem>> -> memref<120xi32, #tpu.memory_space<vmem>>
        %dma_wait3A_153 = arith.constant 0 : i32
        %dma_wait3A_154 = arith.constant 0 : i32
        %dma_wait3A_155 = tpu.memref_slice %arg11[%dma_wait3A_153, %dma_wait3A_154] : memref<10008x128xf32, #tpu.memory_space<vmem_shared>> -> memref<10008x128xf32, #tpu.memory_space<vmem_shared>>
        tpu.wait_indirect_dma semaphore(%run_scoped3A_143 : memref<!tpu.dma_semaphore, #tpu.memory_space<semaphore_mem>>) src(%arg10 : memref<120x128xf32, #tpu.memory_space<vmem>>) dst(%dma_wait3A_155 : memref<10008x128xf32, #tpu.memory_space<vmem_shared>>)
        tpu.yield
      }) : () -> ()
      %dma_wait3A_127 = arith.constant 6 : i32
      %dma_wait3A_128 = arith.constant 0 : i32
      %dma_wait3A_129 = tpu.memref_slice %arg6[%dma_wait3A_127, %dma_wait3A_128] : memref<8x120xi32, #tpu.memory_space<vmem>> -> memref<1x120xi32, #tpu.memory_space<vmem>>
      %dma_wait3A_130 = tpu.memref_squeeze %dma_wait3A_129 : memref<1x120xi32, #tpu.memory_space<vmem>> -> memref<120xi32, #tpu.memory_space<vmem>>
      %dma_wait3A_131 = arith.constant 0 : i32
      %dma_wait3A_132 = arith.constant 0 : i32
      %dma_wait3A_133 = tpu.memref_slice %arg2[%dma_wait3A_131, %dma_wait3A_132] : memref<20016x128xf32, #tpu.memory_space<hbm>> -> memref<20016x128xf32, #tpu.memory_space<hbm>>
      tpu.wait_indirect_dma semaphore(%arg12 : memref<!tpu.dma_semaphore, #tpu.memory_space<semaphore_mem>>) src(%dma_wait3A_133 : memref<20016x128xf32, #tpu.memory_space<hbm>>) dst(%arg8 : memref<120x128xf32, #tpu.memory_space<vmem>>)
      %run_scoped3A_134 = arith.constant 6 : i32
      "tpu.region"() ({
        %run_scoped3A_143 = tpu.sem_alloc : memref<!tpu.dma_semaphore, #tpu.memory_space<semaphore_mem>>
        %dma_start3A_144 = arith.constant 0 : i32
        %dma_start3A_145 = tpu.memref_slice %arg7[%run_scoped3A_134, %dma_start3A_144] : memref<8x120xi32, #tpu.memory_space<vmem>> -> memref<1x120xi32, #tpu.memory_space<vmem>>
        %dma_start3A_146 = tpu.memref_squeeze %dma_start3A_145 : memref<1x120xi32, #tpu.memory_space<vmem>> -> memref<120xi32, #tpu.memory_space<vmem>>
        %dma_start3A_147 = arith.constant 0 : i32
        %dma_start3A_148 = arith.constant 0 : i32
        %dma_start3A_149 = tpu.memref_slice %arg11[%dma_start3A_147, %dma_start3A_148] : memref<10008x128xf32, #tpu.memory_space<vmem_shared>> -> memref<10008x128xf32, #tpu.memory_space<vmem_shared>>
        tpu.enqueue_indirect_dma source(%arg8 : memref<120x128xf32, #tpu.memory_space<vmem>>) target(%dma_start3A_149 : memref<10008x128xf32, #tpu.memory_space<vmem_shared>>) offsets(%dma_start3A_146 : memref<120xi32, #tpu.memory_space<vmem>>) semaphore(%run_scoped3A_143 : memref<!tpu.dma_semaphore, #tpu.memory_space<semaphore_mem>>) {add = true}
        %dma_wait3A_150 = arith.constant 0 : i32
        %dma_wait3A_151 = tpu.memref_slice %arg7[%run_scoped3A_134, %dma_wait3A_150] : memref<8x120xi32, #tpu.memory_space<vmem>> -> memref<1x120xi32, #tpu.memory_space<vmem>>
        %dma_wait3A_152 = tpu.memref_squeeze %dma_wait3A_151 : memref<1x120xi32, #tpu.memory_space<vmem>> -> memref<120xi32, #tpu.memory_space<vmem>>
        %dma_wait3A_153 = arith.constant 0 : i32
        %dma_wait3A_154 = arith.constant 0 : i32
        %dma_wait3A_155 = tpu.memref_slice %arg11[%dma_wait3A_153, %dma_wait3A_154] : memref<10008x128xf32, #tpu.memory_space<vmem_shared>> -> memref<10008x128xf32, #tpu.memory_space<vmem_shared>>
        tpu.wait_indirect_dma semaphore(%run_scoped3A_143 : memref<!tpu.dma_semaphore, #tpu.memory_space<semaphore_mem>>) src(%arg8 : memref<120x128xf32, #tpu.memory_space<vmem>>) dst(%dma_wait3A_155 : memref<10008x128xf32, #tpu.memory_space<vmem_shared>>)
        tpu.yield
      }) : () -> ()
      %dma_wait3A_135 = arith.constant 7 : i32
      %dma_wait3A_136 = arith.constant 0 : i32
      %dma_wait3A_137 = tpu.memref_slice %arg6[%dma_wait3A_135, %dma_wait3A_136] : memref<8x120xi32, #tpu.memory_space<vmem>> -> memref<1x120xi32, #tpu.memory_space<vmem>>
      %dma_wait3A_138 = tpu.memref_squeeze %dma_wait3A_137 : memref<1x120xi32, #tpu.memory_space<vmem>> -> memref<120xi32, #tpu.memory_space<vmem>>
      %dma_wait3A_139 = arith.constant 0 : i32
      %dma_wait3A_140 = arith.constant 0 : i32
      %dma_wait3A_141 = tpu.memref_slice %arg2[%dma_wait3A_139, %dma_wait3A_140] : memref<20016x128xf32, #tpu.memory_space<hbm>> -> memref<20016x128xf32, #tpu.memory_space<hbm>>
      tpu.wait_indirect_dma semaphore(%arg13 : memref<!tpu.dma_semaphore, #tpu.memory_space<semaphore_mem>>) src(%dma_wait3A_141 : memref<20016x128xf32, #tpu.memory_space<hbm>>) dst(%arg9 : memref<120x128xf32, #tpu.memory_space<vmem>>)
      %run_scoped3A_142 = arith.constant 7 : i32
      "tpu.region"() ({
        %run_scoped3A_143 = tpu.sem_alloc : memref<!tpu.dma_semaphore, #tpu.memory_space<semaphore_mem>>
        %dma_start3A_144 = arith.constant 0 : i32
        %dma_start3A_145 = tpu.memref_slice %arg7[%run_scoped3A_142, %dma_start3A_144] : memref<8x120xi32, #tpu.memory_space<vmem>> -> memref<1x120xi32, #tpu.memory_space<vmem>>
        %dma_start3A_146 = tpu.memref_squeeze %dma_start3A_145 : memref<1x120xi32, #tpu.memory_space<vmem>> -> memref<120xi32, #tpu.memory_space<vmem>>
        %dma_start3A_147 = arith.constant 0 : i32
        %dma_start3A_148 = arith.constant 0 : i32
        %dma_start3A_149 = tpu.memref_slice %arg11[%dma_start3A_147, %dma_start3A_148] : memref<10008x128xf32, #tpu.memory_space<vmem_shared>> -> memref<10008x128xf32, #tpu.memory_space<vmem_shared>>
        tpu.enqueue_indirect_dma source(%arg9 : memref<120x128xf32, #tpu.memory_space<vmem>>) target(%dma_start3A_149 : memref<10008x128xf32, #tpu.memory_space<vmem_shared>>) offsets(%dma_start3A_146 : memref<120xi32, #tpu.memory_space<vmem>>) semaphore(%run_scoped3A_143 : memref<!tpu.dma_semaphore, #tpu.memory_space<semaphore_mem>>) {add = true}
        %dma_wait3A_150 = arith.constant 0 : i32
        %dma_wait3A_151 = tpu.memref_slice %arg7[%run_scoped3A_142, %dma_wait3A_150] : memref<8x120xi32, #tpu.memory_space<vmem>> -> memref<1x120xi32, #tpu.memory_space<vmem>>
        %dma_wait3A_152 = tpu.memref_squeeze %dma_wait3A_151 : memref<1x120xi32, #tpu.memory_space<vmem>> -> memref<120xi32, #tpu.memory_space<vmem>>
        %dma_wait3A_153 = arith.constant 0 : i32
        %dma_wait3A_154 = arith.constant 0 : i32
        %dma_wait3A_155 = tpu.memref_slice %arg11[%dma_wait3A_153, %dma_wait3A_154] : memref<10008x128xf32, #tpu.memory_space<vmem_shared>> -> memref<10008x128xf32, #tpu.memory_space<vmem_shared>>
        tpu.wait_indirect_dma semaphore(%run_scoped3A_143 : memref<!tpu.dma_semaphore, #tpu.memory_space<semaphore_mem>>) src(%arg9 : memref<120x128xf32, #tpu.memory_space<vmem>>) dst(%dma_wait3A_155 : memref<10008x128xf32, #tpu.memory_space<vmem_shared>>)
        tpu.yield
      }) : () -> ()
    }
    %scan3A_12 = arith.constant 21 : i32
    %barrier3A_13 = arith.constant 0 : index
    tpu.barrier barrier_id(%barrier3A_13)
    %mul3A_14 = arith.constant 632 : i32
    %mul3A_15 = arith.muli %arg1, %mul3A_14 : i32
    %min3A_16 = arith.constant 9368 : i32
    %min3A_17 = arith.minsi %mul3A_15, %min3A_16 : i32
    %mul3A_18 = arith.constant 10000 : i32
    %mul3A_19 = arith.muli %arg0, %mul3A_18 : i32
    %add3A_20 = arith.addi %mul3A_19, %min3A_17 : i32
    "tpu.region"() ({
      %run_scoped3A = tpu.sem_alloc : memref<!tpu.dma_semaphore, #tpu.memory_space<semaphore_mem>>
      %dma_start3A = arith.constant 0 : i32
      %dma_start3A_21 = tpu.memref_slice %arg5[%add3A_20, %dma_start3A] : memref<20000x128xf32, #tpu.memory_space<hbm>> -> memref<632x128xf32, #tpu.memory_space<hbm>>
      %dma_start3A_22 = arith.constant 0 : i32
      %dma_start3A_23 = tpu.memref_slice %arg11[%min3A_17, %dma_start3A_22] : memref<10008x128xf32, #tpu.memory_space<vmem_shared>> -> memref<632x128xf32, #tpu.memory_space<vmem_shared>>
      tpu.enqueue_dma source(%dma_start3A_23 : memref<632x128xf32, #tpu.memory_space<vmem_shared>>) target(%dma_start3A_21 : memref<632x128xf32, #tpu.memory_space<hbm>>) target_semaphore(%run_scoped3A : memref<!tpu.dma_semaphore, #tpu.memory_space<semaphore_mem>>)
      %dma_wait3A = arith.constant 0 : i32
      %dma_wait3A_24 = tpu.memref_slice %arg5[%add3A_20, %dma_wait3A] : memref<20000x128xf32, #tpu.memory_space<hbm>> -> memref<632x128xf32, #tpu.memory_space<hbm>>
      %dma_wait3A_25 = arith.constant 0 : i32
      %dma_wait3A_26 = tpu.memref_slice %arg11[%min3A_17, %dma_wait3A_25] : memref<10008x128xf32, #tpu.memory_space<vmem_shared>> -> memref<632x128xf32, #tpu.memory_space<vmem_shared>>
      tpu.wait_dma2 semaphore(%run_scoped3A : memref<!tpu.dma_semaphore, #tpu.memory_space<semaphore_mem>>) src(%dma_wait3A_26 : memref<632x128xf32, #tpu.memory_space<vmem_shared>>) dst(%dma_wait3A_24 : memref<632x128xf32, #tpu.memory_space<hbm>>)
      tpu.yield
    }) : () -> ()
    return
  }
}

module attributes {stable_mosaic.version = 14 : i64} {
  func.func @_first_body(%arg0: memref<10000x128xf32, #tpu.memory_space<vmem>>, %arg1: memref<128x256xf32, #tpu.memory_space<vmem>>, %arg2: memref<10000x1xf32, #tpu.memory_space<vmem>>, %arg3: memref<20016x128xf32, #tpu.memory_space<vmem>>, %arg4: memref<10000x1xf32, #tpu.memory_space<vmem>>) attributes {dimension_semantics = [], scalar_prefetch = 0 : i64, scratch_operands = 0 : i64, tpu.core_type = #tpu.core_type<tc>} {
    %get3A = arith.constant 0 : index
    %get3A_0 = arith.constant 0 : index
    %get3A_1 = vector.load %arg2[%get3A, %get3A_0] : memref<10000x1xf32, #tpu.memory_space<vmem>>, vector<10000x1xf32>
    %rsqrt3A = math.rsqrt %get3A_1 : vector<10000x1xf32>
    %get3A_2 = arith.constant 0 : index
    %get3A_3 = arith.constant 0 : index
    %get3A_4 = vector.load %arg0[%get3A_2, %get3A_3] : memref<10000x128xf32, #tpu.memory_space<vmem>>, vector<10000x128xf32>
    %get3A_5 = arith.constant 0 : index
    %get3A_6 = arith.constant 0 : index
    %get3A_7 = vector.load %arg1[%get3A_5, %get3A_6] : memref<128x256xf32, #tpu.memory_space<vmem>>, vector<128x256xf32>
    %dot_general3A = arith.constant dense<0.000000e+00> : vector<10000x256xf32>
    %dot_general3A_8 = tpu.matmul %get3A_4, %get3A_7, %dot_general3A {dimension_numbers = #tpu.dot_dimension_numbers<[1], [0], [0], [1], [0, 0, 1, 1], [], []>, transpose_lhs_hint = false} : vector<10000x128xf32>, vector<128x256xf32>, vector<10000x256xf32> -> vector<10000x256xf32>
    %mul3A = vector.broadcast %rsqrt3A : vector<10000x1xf32> to vector<10000x256xf32>
    %mul3A_9 = arith.mulf %dot_general3A_8, %mul3A : vector<10000x256xf32>
    %slice3A = vector.extract_strided_slice %mul3A_9 {offsets = [0, 0], sizes = [10000, 128], strides = [1, 1]} : vector<10000x256xf32> to vector<10000x128xf32>
    %swap3A = arith.constant 0 : index
    %swap3A_10 = arith.constant 0 : index
    %swap3A_11 = vector.load %arg3[%swap3A, %swap3A_10] : memref<20016x128xf32, #tpu.memory_space<vmem>>, vector<10000x128xf32>
    tpu.vector_store %arg3[%swap3A, %swap3A_10], %slice3A {strides = array<i32>} : memref<20016x128xf32, #tpu.memory_space<vmem>>, vector<10000x128xf32>,
    %slice3A_12 = vector.extract_strided_slice %mul3A_9 {offsets = [0, 128], sizes = [10000, 128], strides = [1, 1]} : vector<10000x256xf32> to vector<10000x128xf32>
    %swap3A_13 = arith.constant 10008 : index
    %swap3A_14 = arith.constant 0 : index
    %swap3A_15 = vector.load %arg3[%swap3A_13, %swap3A_14] : memref<20016x128xf32, #tpu.memory_space<vmem>>, vector<10000x128xf32>
    tpu.vector_store %arg3[%swap3A_13, %swap3A_14], %slice3A_12 {strides = array<i32>} : memref<20016x128xf32, #tpu.memory_space<vmem>>, vector<10000x128xf32>,
    %swap3A_16 = arith.constant 0 : index
    %swap3A_17 = arith.constant 0 : index
    %swap3A_18 = vector.load %arg4[%swap3A_16, %swap3A_17] : memref<10000x1xf32, #tpu.memory_space<vmem>>, vector<10000x1xf32>
    tpu.vector_store %arg4[%swap3A_16, %swap3A_17], %rsqrt3A {strides = array<i32>} : memref<10000x1xf32, #tpu.memory_space<vmem>>, vector<10000x1xf32>,
    return
  }
}

module attributes {stable_mosaic.version = 14 : i64} {
  func.func @_mid_body(%arg0: memref<20000x128xf32, #tpu.memory_space<vmem>>, %arg1: memref<10000x1xf32, #tpu.memory_space<vmem>>, %arg2: memref<256xf32, #tpu.memory_space<vmem>>, %arg3: memref<256x256xf32, #tpu.memory_space<vmem>>, %arg4: memref<20016x128xf32, #tpu.memory_space<vmem>>) attributes {dimension_semantics = [], scalar_prefetch = 0 : i64, scratch_operands = 0 : i64, tpu.core_type = #tpu.core_type<tc>} {
    %get3A = arith.constant 0 : index
    %get3A_0 = arith.constant 0 : index
    %get3A_1 = vector.load %arg1[%get3A, %get3A_0] : memref<10000x1xf32, #tpu.memory_space<vmem>>, vector<10000x1xf32>
    %get3A_2 = arith.constant 0 : index
    %get3A_3 = vector.load %arg2[%get3A_2] : memref<256xf32, #tpu.memory_space<vmem>>, vector<256xf32>
    %get3A_4 = arith.constant 0 : index
    %get3A_5 = arith.constant 0 : index
    %get3A_6 = vector.load %arg0[%get3A_4, %get3A_5] : memref<20000x128xf32, #tpu.memory_space<vmem>>, vector<10000x128xf32>
    %mul3A = vector.broadcast %get3A_1 : vector<10000x1xf32> to vector<10000x128xf32>
    %mul3A_7 = arith.mulf %get3A_6, %mul3A : vector<10000x128xf32>
    %slice3A = vector.extract_strided_slice %get3A_3 {offsets = [0], sizes = [128], strides = [1]} : vector<256xf32> to vector<128xf32>
    %broadcast_in_dim3A = vector.shape_cast %slice3A : vector<128xf32> to vector<1x128xf32>
    %add3A = vector.broadcast %broadcast_in_dim3A : vector<1x128xf32> to vector<10000x128xf32>
    %add3A_8 = arith.addf %mul3A_7, %add3A : vector<10000x128xf32>
    %max3A = arith.constant 0.000000e+00 : f32
    %max3A_9 = vector.broadcast %max3A : f32 to vector<10000x128xf32>
    %max3A_10 = arith.maximumf %add3A_8, %max3A_9 : vector<10000x128xf32>
    %get3A_11 = arith.constant 10000 : index
    %get3A_12 = arith.constant 0 : index
    %get3A_13 = vector.load %arg0[%get3A_11, %get3A_12] : memref<20000x128xf32, #tpu.memory_space<vmem>>, vector<10000x128xf32>
    %mul3A_14 = vector.broadcast %get3A_1 : vector<10000x1xf32> to vector<10000x128xf32>
    %mul3A_15 = arith.mulf %get3A_13, %mul3A_14 : vector<10000x128xf32>
    %slice3A_16 = vector.extract_strided_slice %get3A_3 {offsets = [128], sizes = [128], strides = [1]} : vector<256xf32> to vector<128xf32>
    %broadcast_in_dim3A_17 = vector.shape_cast %slice3A_16 : vector<128xf32> to vector<1x128xf32>
    %add3A_18 = vector.broadcast %broadcast_in_dim3A_17 : vector<1x128xf32> to vector<10000x128xf32>
    %add3A_19 = arith.addf %mul3A_15, %add3A_18 : vector<10000x128xf32>
    %max3A_20 = arith.constant 0.000000e+00 : f32
    %max3A_21 = vector.broadcast %max3A_20 : f32 to vector<10000x128xf32>
    %max3A_22 = arith.maximumf %add3A_19, %max3A_21 : vector<10000x128xf32>
    %get3A_23 = arith.constant 0 : index
    %get3A_24 = arith.constant 0 : index
    %get3A_25 = vector.load %arg3[%get3A_23, %get3A_24] : memref<256x256xf32, #tpu.memory_space<vmem>>, vector<128x256xf32>
    %dot_general3A = arith.constant dense<0.000000e+00> : vector<10000x256xf32>
    %dot_general3A_26 = tpu.matmul %max3A_10, %get3A_25, %dot_general3A {dimension_numbers = #tpu.dot_dimension_numbers<[1], [0], [0], [1], [0, 0, 1, 1], [], []>, transpose_lhs_hint = false} : vector<10000x128xf32>, vector<128x256xf32>, vector<10000x256xf32> -> vector<10000x256xf32>
    %get3A_27 = arith.constant 128 : index
    %get3A_28 = arith.constant 0 : index
    %get3A_29 = vector.load %arg3[%get3A_27, %get3A_28] : memref<256x256xf32, #tpu.memory_space<vmem>>, vector<128x256xf32>
    %dot_general3A_30 = arith.constant dense<0.000000e+00> : vector<10000x256xf32>
    %dot_general3A_31 = tpu.matmul %max3A_22, %get3A_29, %dot_general3A_30 {dimension_numbers = #tpu.dot_dimension_numbers<[1], [0], [0], [1], [0, 0, 1, 1], [], []>, transpose_lhs_hint = false} : vector<10000x128xf32>, vector<128x256xf32>, vector<10000x256xf32> -> vector<10000x256xf32>
    %add3A_32 = arith.addf %dot_general3A_26, %dot_general3A_31 : vector<10000x256xf32>
    %mul3A_33 = vector.broadcast %get3A_1 : vector<10000x1xf32> to vector<10000x256xf32>
    %mul3A_34 = arith.mulf %add3A_32, %mul3A_33 : vector<10000x256xf32>
    %slice3A_35 = vector.extract_strided_slice %mul3A_34 {offsets = [0, 0], sizes = [10000, 128], strides = [1, 1]} : vector<10000x256xf32> to vector<10000x128xf32>
    %swap3A = arith.constant 0 : index
    %swap3A_36 = arith.constant 0 : index
    %swap3A_37 = vector.load %arg4[%swap3A, %swap3A_36] : memref<20016x128xf32, #tpu.memory_space<vmem>>, vector<10000x128xf32>
    tpu.vector_store %arg4[%swap3A, %swap3A_36], %slice3A_35 {strides = array<i32>} : memref<20016x128xf32, #tpu.memory_space<vmem>>, vector<10000x128xf32>,
    %slice3A_38 = vector.extract_strided_slice %mul3A_34 {offsets = [0, 128], sizes = [10000, 128], strides = [1, 1]} : vector<10000x256xf32> to vector<10000x128xf32>
    %swap3A_39 = arith.constant 10008 : index
    %swap3A_40 = arith.constant 0 : index
    %swap3A_41 = vector.load %arg4[%swap3A_39, %swap3A_40] : memref<20016x128xf32, #tpu.memory_space<vmem>>, vector<10000x128xf32>
    tpu.vector_store %arg4[%swap3A_39, %swap3A_40], %slice3A_38 {strides = array<i32>} : memref<20016x128xf32, #tpu.memory_space<vmem>>, vector<10000x128xf32>,
    return
  }
}

module attributes {stable_mosaic.version = 14 : i64} {
  func.func @_head_body(%arg0: memref<20000x128xf32, #tpu.memory_space<vmem>>, %arg1: memref<10000x1xf32, #tpu.memory_space<vmem>>, %arg2: memref<256xf32, #tpu.memory_space<vmem>>, %arg3: memref<10000x128xf32, #tpu.memory_space<vmem>>, %arg4: memref<264x64xf32, #tpu.memory_space<vmem>>, %arg5: memref<64xf32, #tpu.memory_space<vmem>>, %arg6: memref<64x32xf32, #tpu.memory_space<vmem>>, %arg7: memref<32xf32, #tpu.memory_space<vmem>>, %arg8: memref<32x6xf32, #tpu.memory_space<vmem>>, %arg9: memref<6xf32, #tpu.memory_space<vmem>>, %arg10: memref<32x6xf32, #tpu.memory_space<vmem>>, %arg11: memref<6xf32, #tpu.memory_space<vmem>>, %arg12: memref<1x6xf32, #tpu.memory_space<vmem>>, %arg13: memref<1x6xf32, #tpu.memory_space<vmem>>) attributes {dimension_semantics = [], scalar_prefetch = 0 : i64, scratch_operands = 0 : i64, tpu.core_type = #tpu.core_type<tc>} {
    %get3A = arith.constant 0 : index
    %get3A_0 = arith.constant 0 : index
    %get3A_1 = vector.load %arg1[%get3A, %get3A_0] : memref<10000x1xf32, #tpu.memory_space<vmem>>, vector<10000x1xf32>
    %get3A_2 = arith.constant 0 : index
    %get3A_3 = vector.load %arg2[%get3A_2] : memref<256xf32, #tpu.memory_space<vmem>>, vector<256xf32>
    %get3A_4 = arith.constant 0 : index
    %get3A_5 = arith.constant 0 : index
    %get3A_6 = vector.load %arg0[%get3A_4, %get3A_5] : memref<20000x128xf32, #tpu.memory_space<vmem>>, vector<10000x128xf32>
    %mul3A = vector.broadcast %get3A_1 : vector<10000x1xf32> to vector<10000x128xf32>
    %mul3A_7 = arith.mulf %get3A_6, %mul3A : vector<10000x128xf32>
    %slice3A = vector.extract_strided_slice %get3A_3 {offsets = [0], sizes = [128], strides = [1]} : vector<256xf32> to vector<128xf32>
    %broadcast_in_dim3A = vector.shape_cast %slice3A : vector<128xf32> to vector<1x128xf32>
    %add3A = vector.broadcast %broadcast_in_dim3A : vector<1x128xf32> to vector<10000x128xf32>
    %add3A_8 = arith.addf %mul3A_7, %add3A : vector<10000x128xf32>
    %max3A = arith.constant 0.000000e+00 : f32
    %max3A_9 = vector.broadcast %max3A : f32 to vector<10000x128xf32>
    %max3A_10 = arith.maximumf %add3A_8, %max3A_9 : vector<10000x128xf32>
    %get3A_11 = arith.constant 10000 : index
    %get3A_12 = arith.constant 0 : index
    %get3A_13 = vector.load %arg0[%get3A_11, %get3A_12] : memref<20000x128xf32, #tpu.memory_space<vmem>>, vector<10000x128xf32>
    %mul3A_14 = vector.broadcast %get3A_1 : vector<10000x1xf32> to vector<10000x128xf32>
    %mul3A_15 = arith.mulf %get3A_13, %mul3A_14 : vector<10000x128xf32>
    %slice3A_16 = vector.extract_strided_slice %get3A_3 {offsets = [128], sizes = [128], strides = [1]} : vector<256xf32> to vector<128xf32>
    %broadcast_in_dim3A_17 = vector.shape_cast %slice3A_16 : vector<128xf32> to vector<1x128xf32>
    %add3A_18 = vector.broadcast %broadcast_in_dim3A_17 : vector<1x128xf32> to vector<10000x128xf32>
    %add3A_19 = arith.addf %mul3A_15, %add3A_18 : vector<10000x128xf32>
    %max3A_20 = arith.constant 0.000000e+00 : f32
    %max3A_21 = vector.broadcast %max3A_20 : f32 to vector<10000x128xf32>
    %max3A_22 = arith.maximumf %add3A_19, %max3A_21 : vector<10000x128xf32>
    %reduce_sum3A = arith.constant dense<0.000000e+00> : vector<128xf32>
    %reduce_sum3A_23 = vector.multi_reduction <add>, %max3A_10, %reduce_sum3A [0] : vector<10000x128xf32> to vector<128xf32>
    %broadcast_in_dim3A_24 = vector.shape_cast %reduce_sum3A_23 : vector<128xf32> to vector<1x128xf32>
    %div3A = arith.constant 1.000000e+04 : f32
    %div3A_25 = vector.broadcast %div3A : f32 to vector<1x128xf32>
    %div3A_26 = arith.divf %broadcast_in_dim3A_24, %div3A_25 : vector<1x128xf32>
    %reduce_sum3A_27 = arith.constant dense<0.000000e+00> : vector<128xf32>
    %reduce_sum3A_28 = vector.multi_reduction <add>, %max3A_22, %reduce_sum3A_27 [0] : vector<10000x128xf32> to vector<128xf32>
    %broadcast_in_dim3A_29 = vector.shape_cast %reduce_sum3A_28 : vector<128xf32> to vector<1x128xf32>
    %div3A_30 = arith.constant 1.000000e+04 : f32
    %div3A_31 = vector.broadcast %div3A_30 : f32 to vector<1x128xf32>
    %div3A_32 = arith.divf %broadcast_in_dim3A_29, %div3A_31 : vector<1x128xf32>
    %get3A_33 = arith.constant 0 : index
    %get3A_34 = arith.constant 0 : index
    %get3A_35 = vector.load %arg3[%get3A_33, %get3A_34] : memref<10000x128xf32, #tpu.memory_space<vmem>>, vector<10000x128xf32>
    %slice3A_36 = vector.extract_strided_slice %get3A_35 {offsets = [0, 2], sizes = [10000, 1], strides = [1, 1]} : vector<10000x128xf32> to vector<10000x1xf32>
    %reduce_sum3A_37 = arith.constant dense<0.000000e+00> : vector<1xf32>
    %reduce_sum3A_38 = vector.multi_reduction <add>, %slice3A_36, %reduce_sum3A_37 [0] : vector<10000x1xf32> to vector<1xf32>
    %broadcast_in_dim3A_39 = vector.shape_cast %reduce_sum3A_38 : vector<1xf32> to vector<1x1xf32>
    %slice3A_40 = vector.extract_strided_slice %get3A_35 {offsets = [0, 3], sizes = [10000, 1], strides = [1, 1]} : vector<10000x128xf32> to vector<10000x1xf32>
    %reduce_sum3A_41 = arith.constant dense<0.000000e+00> : vector<1xf32>
    %reduce_sum3A_42 = vector.multi_reduction <add>, %slice3A_40, %reduce_sum3A_41 [0] : vector<10000x1xf32> to vector<1xf32>
    %broadcast_in_dim3A_43 = vector.shape_cast %reduce_sum3A_42 : vector<1xf32> to vector<1x1xf32>
    %slice3A_44 = vector.extract_strided_slice %get3A_35 {offsets = [0, 4], sizes = [10000, 1], strides = [1, 1]} : vector<10000x128xf32> to vector<10000x1xf32>
    %reduce_sum3A_45 = arith.constant dense<0.000000e+00> : vector<1xf32>
    %reduce_sum3A_46 = vector.multi_reduction <add>, %slice3A_44, %reduce_sum3A_45 [0] : vector<10000x1xf32> to vector<1xf32>
    %broadcast_in_dim3A_47 = vector.shape_cast %reduce_sum3A_46 : vector<1xf32> to vector<1x1xf32>
    %slice3A_48 = vector.extract_strided_slice %get3A_35 {offsets = [0, 2], sizes = [10000, 1], strides = [1, 1]} : vector<10000x128xf32> to vector<10000x1xf32>
    %eq3A = arith.constant 1.000000e+00 : f32
    %eq3A_49 = vector.broadcast %eq3A : f32 to vector<10000x1xf32>
    %eq3A_50 = arith.cmpf oeq, %slice3A_48, %eq3A_49 : vector<10000x1xf32>
    %convert_element_type3A = arith.extui %eq3A_50 : vector<10000x1xi1> to vector<10000x1xi32>
    %convert_element_type3A_51 = arith.sitofp %convert_element_type3A : vector<10000x1xi32> to vector<10000x1xf32>
    %reduce_sum3A_52 = arith.constant dense<0.000000e+00> : vector<1xf32>
    %reduce_sum3A_53 = vector.multi_reduction <add>, %convert_element_type3A_51, %reduce_sum3A_52 [0] : vector<10000x1xf32> to vector<1xf32>
    %broadcast_in_dim3A_54 = vector.shape_cast %reduce_sum3A_53 : vector<1xf32> to vector<1x1xf32>
    %slice3A_55 = vector.extract_strided_slice %get3A_35 {offsets = [0, 0], sizes = [10000, 1], strides = [1, 1]} : vector<10000x128xf32> to vector<10000x1xf32>
    %jit3A = arith.constant 0.000000e+00 : f32
    %broadcast_in_dim3A_56 = vector.broadcast %jit3A : f32 to vector<10000x1xf32>
    %select_n3A = arith.select %eq3A_50, %slice3A_55, %broadcast_in_dim3A_56 : vector<10000x1xi1>, vector<10000x1xf32>
    %reduce_sum3A_57 = arith.constant dense<0.000000e+00> : vector<1xf32>
    %reduce_sum3A_58 = vector.multi_reduction <add>, %select_n3A, %reduce_sum3A_57 [0] : vector<10000x1xf32> to vector<1xf32>
    %broadcast_in_dim3A_59 = vector.shape_cast %reduce_sum3A_58 : vector<1xf32> to vector<1x1xf32>
    %slice3A_60 = vector.extract_strided_slice %get3A_35 {offsets = [0, 1], sizes = [10000, 1], strides = [1, 1]} : vector<10000x128xf32> to vector<10000x1xf32>
    %jit3A_61 = arith.constant 0.000000e+00 : f32
    %broadcast_in_dim3A_62 = vector.broadcast %jit3A_61 : f32 to vector<10000x1xf32>
    %select_n3A_63 = arith.select %eq3A_50, %slice3A_60, %broadcast_in_dim3A_62 : vector<10000x1xi1>, vector<10000x1xf32>
    %reduce_sum3A_64 = arith.constant dense<0.000000e+00> : vector<1xf32>
    %reduce_sum3A_65 = vector.multi_reduction <add>, %select_n3A_63, %reduce_sum3A_64 [0] : vector<10000x1xf32> to vector<1xf32>
    %broadcast_in_dim3A_66 = vector.shape_cast %reduce_sum3A_65 : vector<1xf32> to vector<1x1xf32>
    %gt3A = arith.constant 0.000000e+00 : f32
    %gt3A_67 = vector.broadcast %gt3A : f32 to vector<1x1xf32>
    %gt3A_68 = arith.cmpf ogt, %broadcast_in_dim3A_54, %gt3A_67 : vector<1x1xf32>
    %max3A_69 = arith.constant 1.000000e+00 : f32
    %max3A_70 = vector.broadcast %max3A_69 : f32 to vector<1x1xf32>
    %max3A_71 = arith.maximumf %broadcast_in_dim3A_54, %max3A_70 : vector<1x1xf32>
    %div3A_72 = arith.divf %broadcast_in_dim3A_59, %max3A_71 : vector<1x1xf32>
    %jit3A_73 = arith.constant 0.000000e+00 : f32
    %broadcast_in_dim3A_74 = vector.broadcast %jit3A_73 : f32 to vector<1x1xf32>
    %select_n3A_75 = arith.select %gt3A_68, %div3A_72, %broadcast_in_dim3A_74 : vector<1x1xi1>, vector<1x1xf32>
    %gt3A_76 = arith.constant 0.000000e+00 : f32
    %gt3A_77 = vector.broadcast %gt3A_76 : f32 to vector<1x1xf32>
    %gt3A_78 = arith.cmpf ogt, %broadcast_in_dim3A_54, %gt3A_77 : vector<1x1xf32>
    %max3A_79 = arith.constant 1.000000e+00 : f32
    %max3A_80 = vector.broadcast %max3A_79 : f32 to vector<1x1xf32>
    %max3A_81 = arith.maximumf %broadcast_in_dim3A_54, %max3A_80 : vector<1x1xf32>
    %div3A_82 = arith.divf %broadcast_in_dim3A_66, %max3A_81 : vector<1x1xf32>
    %jit3A_83 = arith.constant 0.000000e+00 : f32
    %broadcast_in_dim3A_84 = vector.broadcast %jit3A_83 : f32 to vector<1x1xf32>
    %select_n3A_85 = arith.select %gt3A_78, %div3A_82, %broadcast_in_dim3A_84 : vector<1x1xi1>, vector<1x1xf32>
    %broadcast_in_dim3A_86 = arith.constant 2.000000e-01 : f32
    %broadcast_in_dim3A_87 = vector.broadcast %broadcast_in_dim3A_86 : f32 to vector<1x1xf32>
    %broadcast_in_dim3A_88 = arith.constant 5.29325056 : f32
    %broadcast_in_dim3A_89 = vector.broadcast %broadcast_in_dim3A_88 : f32 to vector<1x1xf32>
    %add3A_90 = arith.addf %broadcast_in_dim3A_43, %broadcast_in_dim3A_47 : vector<1x1xf32>
    %concatenate3A = tpu.concatenate %broadcast_in_dim3A_39, %broadcast_in_dim3A_43, %broadcast_in_dim3A_47, %add3A_90, %select_n3A_75, %select_n3A_85, %broadcast_in_dim3A_87, %broadcast_in_dim3A_89 in 1 : vector<1x1xf32>, vector<1x1xf32>, vector<1x1xf32>, vector<1x1xf32>, vector<1x1xf32>, vector<1x1xf32>, vector<1x1xf32>, vector<1x1xf32> -> vector<1x8xf32>
    %concatenate3A_91 = tpu.concatenate %div3A_26, %div3A_32, %concatenate3A in 1 : vector<1x128xf32>, vector<1x128xf32>, vector<1x8xf32> -> vector<1x264xf32>
    %get3A_92 = arith.constant 0 : index
    %get3A_93 = arith.constant 0 : index
    %get3A_94 = vector.load %arg4[%get3A_92, %get3A_93] : memref<264x64xf32, #tpu.memory_space<vmem>>, vector<264x64xf32>
    %dot_general3A = arith.constant dense<0.000000e+00> : vector<1x64xf32>
    %dot_general3A_95 = tpu.matmul %concatenate3A_91, %get3A_94, %dot_general3A {dimension_numbers = #tpu.dot_dimension_numbers<[1], [0], [0], [1], [0, 0, 1, 1], [], []>, transpose_lhs_hint = false} : vector<1x264xf32>, vector<264x64xf32>, vector<1x64xf32> -> vector<1x64xf32>
    %get3A_96 = arith.constant 0 : index
    %get3A_97 = vector.load %arg5[%get3A_96] : memref<64xf32, #tpu.memory_space<vmem>>, vector<64xf32>
    %broadcast_in_dim3A_98 = vector.shape_cast %get3A_97 : vector<64xf32> to vector<1x64xf32>
    %add3A_99 = arith.addf %dot_general3A_95, %broadcast_in_dim3A_98 : vector<1x64xf32>
    %max3A_100 = arith.constant 0.000000e+00 : f32
    %max3A_101 = vector.broadcast %max3A_100 : f32 to vector<1x64xf32>
    %max3A_102 = arith.maximumf %add3A_99, %max3A_101 : vector<1x64xf32>
    %get3A_103 = arith.constant 0 : index
    %get3A_104 = arith.constant 0 : index
    %get3A_105 = vector.load %arg6[%get3A_103, %get3A_104] : memref<64x32xf32, #tpu.memory_space<vmem>>, vector<64x32xf32>
    %dot_general3A_106 = arith.constant dense<0.000000e+00> : vector<1x32xf32>
    %dot_general3A_107 = tpu.matmul %max3A_102, %get3A_105, %dot_general3A_106 {dimension_numbers = #tpu.dot_dimension_numbers<[1], [0], [0], [1], [0, 0, 1, 1], [], []>, transpose_lhs_hint = false} : vector<1x64xf32>, vector<64x32xf32>, vector<1x32xf32> -> vector<1x32xf32>
    %get3A_108 = arith.constant 0 : index
    %get3A_109 = vector.load %arg7[%get3A_108] : memref<32xf32, #tpu.memory_space<vmem>>, vector<32xf32>
    %broadcast_in_dim3A_110 = vector.shape_cast %get3A_109 : vector<32xf32> to vector<1x32xf32>
    %add3A_111 = arith.addf %dot_general3A_107, %broadcast_in_dim3A_110 : vector<1x32xf32>
    %max3A_112 = arith.constant 0.000000e+00 : f32
    %max3A_113 = vector.broadcast %max3A_112 : f32 to vector<1x32xf32>
    %max3A_114 = arith.maximumf %add3A_111, %max3A_113 : vector<1x32xf32>
    %get3A_115 = arith.constant 0 : index
    %get3A_116 = arith.constant 0 : index
    %get3A_117 = vector.load %arg8[%get3A_115, %get3A_116] : memref<32x6xf32, #tpu.memory_space<vmem>>, vector<32x6xf32>
    %dot_general3A_118 = arith.constant dense<0.000000e+00> : vector<1x6xf32>
    %dot_general3A_119 = tpu.matmul %max3A_114, %get3A_117, %dot_general3A_118 {dimension_numbers = #tpu.dot_dimension_numbers<[1], [0], [0], [1], [0, 0, 1, 1], [], []>, transpose_lhs_hint = false} : vector<1x32xf32>, vector<32x6xf32>, vector<1x6xf32> -> vector<1x6xf32>
    %get3A_120 = arith.constant 0 : index
    %get3A_121 = vector.load %arg9[%get3A_120] : memref<6xf32, #tpu.memory_space<vmem>>, vector<6xf32>
    %broadcast_in_dim3A_122 = vector.shape_cast %get3A_121 : vector<6xf32> to vector<1x6xf32>
    %add3A_123 = arith.addf %dot_general3A_119, %broadcast_in_dim3A_122 : vector<1x6xf32>
    %swap3A = arith.constant 0 : index
    %swap3A_124 = arith.constant 0 : index
    %swap3A_125 = vector.load %arg12[%swap3A, %swap3A_124] : memref<1x6xf32, #tpu.memory_space<vmem>>, vector<1x6xf32>
    tpu.vector_store %arg12[%swap3A, %swap3A_124], %add3A_123 {strides = array<i32>} : memref<1x6xf32, #tpu.memory_space<vmem>>, vector<1x6xf32>,
    %get3A_126 = arith.constant 0 : index
    %get3A_127 = arith.constant 0 : index
    %get3A_128 = vector.load %arg10[%get3A_126, %get3A_127] : memref<32x6xf32, #tpu.memory_space<vmem>>, vector<32x6xf32>
    %dot_general3A_129 = arith.constant dense<0.000000e+00> : vector<1x6xf32>
    %dot_general3A_130 = tpu.matmul %max3A_114, %get3A_128, %dot_general3A_129 {dimension_numbers = #tpu.dot_dimension_numbers<[1], [0], [0], [1], [0, 0, 1, 1], [], []>, transpose_lhs_hint = false} : vector<1x32xf32>, vector<32x6xf32>, vector<1x6xf32> -> vector<1x6xf32>
    %get3A_131 = arith.constant 0 : index
    %get3A_132 = vector.load %arg11[%get3A_131] : memref<6xf32, #tpu.memory_space<vmem>>, vector<6xf32>
    %broadcast_in_dim3A_133 = vector.shape_cast %get3A_132 : vector<6xf32> to vector<1x6xf32>
    %add3A_134 = arith.addf %dot_general3A_130, %broadcast_in_dim3A_133 : vector<1x6xf32>
    %swap3A_135 = arith.constant 0 : index
    %swap3A_136 = arith.constant 0 : index
    %swap3A_137 = vector.load %arg13[%swap3A_135, %swap3A_136] : memref<1x6xf32, #tpu.memory_space<vmem>>, vector<1x6xf32>
    tpu.vector_store %arg13[%swap3A_135, %swap3A_136], %add3A_134 {strides = array<i32>} : memref<1x6xf32, #tpu.memory_space<vmem>>, vector<1x6xf32>,
    return
  }
}

</mosaic_0001>

<sc_bundles>
// kernel: kernel.10.cloned.1.call-start
scs
__scs_entry_jumppad:
0x0: {  	(pc) =	sbr.rel $0x88, $3  }
0x1: {  	(tag) =	ssettag $0x0;
	lr =	simm.s32 $0x1  }
0x2: {  	[smem:$0x3F91] =	sst lr;
	_ =	strace $0xD0000000  }
0x3: {  	_ = 	snop  }
0x4: {  	_ = 	snop  }
0x5: {  	_ = 	snop  }
0x6: {  	_ = 	snop  }
0x7: {  	_ = 	snop  }
__scs_overlays_trampoline_lowered:
0x8: {  	[smem:$0x3FA0] =	sst s0  }
0x9: {  	[smem:$0x3FA1] =	sst s1  }
0xa: {  	[smem:$0x3FA2] =	sst s2  }
0xb: {  	[smem:$0x3FA3] =	sst s3  }
0xc: {  	[smem:$0x3FA4] =	sst s4  }
0xd: {  	[smem:$0x3FA5] =	sst s5  }
0xe: {  	[smem:$0x3FA6] =	sst s6  }
0xf: {  	[smem:$0x3FA7] =	sst s7  }
0x10: {  	[smem:$0x3FA8] =	sst s8  }
0x11: {  	[smem:$0x3FA9] =	sst s9;
	s0 =	simm.s32 @!p0 $0x0  }
0x12: {  	s1 =	sld [smem:$0x3F8F];
	s0 =	simm.s32 @p0 $0x1  }
0x13: {  	[smem:$0x3FAA] =	sst s0;
	s0 =	simm.s32 @!p1 $0x0  }
0x14: {  	s2 =	sld [smem:$0x3F8E];
	s0 =	simm.s32 @p1 $0x1  }
0x15: {  	[smem:$0x3FAB] =	sst s0;
	s0 =	simm.s32 @!p2 $0x0  }
0x16: {  	s3 =	sld [smem:$0x3FDB];
	s0 =	simm.s32 @p2 $0x1  }
0x17: {  	s4 =	simm.s32 $0x1BF5;
	[smem:$0x3FAD] =	sst s0  }
0x18: {  	s0 =	sld [smem:$0x3F90];
	_ =	swait.ge [sflag:s4], $0x0  }
0x19: {  	s7 =	sld [smem:$0x3F91]  }
0x1a: {  	s8 =	sadd.s32 $0xFFFFE003, lr  }
0x1b: {  	s9 =	sadd.s32 $0xFFFFFEF7, lr;
	s5 =	simm.s32 $0xFFFFFFFF;
	p2 =	slt.u32 s8, $0xFFFFF086  }
0x1c: {  	p1 =	slt.u32 s9, $0xF7A;
	s5 =	simm.s32 @!p2 $0x0  }
0x1d: {  	s5 =	simm.s32 @p1 $0x1;
	p0 =	seq.s32 s7, s2  }
0x1e: {  	s7 =	smul.u32 @!p0 $0xF7A, s2;
	p2 =	seq.s32 @!p0 s5, $0x0  }
0x1f: {  	s9 =	smul.u32 $0xF7A, s1;
	s8 =	simm.s32 @!p0 $0x1BF5;
	p2 =	por !p2, p0  }
0x20: {  	[sflag:s8] =	ssyncset.s32 @!p0 $0xFFFFF086;
	s6 =	sadd.s32 @!p0 s3, s7;
	s7 =	simm.s32 @!p0 $0x108  }
0x21: {  	s3 =	sadd.s32 s3, s9;
	s6 =	sadd.s32 @!p0 $0x88, s6;
	s7 =	simm.s32 @p2 $0x1082  }
0x22: {  	[simem:s7], [sflag:s8] =	dma.local @!p0 [hbm:s6], $0xF7A  }
0x23: {  	s9 =	sor.u32 $0xD0000000, s2;
	s6 =	simm.s32 $0x108;
	_ =	swait.ge @!p0 [sflag:s8], $0x0  }
0x24: {  	s3 =	sadd.s32 $0x88, s3;
	s6 =	simm.s32 @!p1 $0x1082;
	[sflag:s4] =	ssyncset.s32 $0xFFFFF086  }
0x25: {  	[simem:s6], [sflag:s4] =	dma.local [hbm:s3], $0xF7A  }
0x26: {  	[smem:$0x3F91] =	sst s1;
	(tag) =	ssettag s2;
	_ =	strace s9  }
0x27: {  	s1 =	sld [smem:$0x3FA1]  }
0x28: {  	s2 =	sld [smem:$0x3FA2]  }
0x29: {  	s4 =	sld [smem:$0x3FA4]  }
0x2a: {  	p0 =	seq.s32 s5, $0x0;
	s5 =	sld [smem:$0x3FA5]  }
0x2b: {  	s6 =	sld [smem:$0x3FA6]  }
0x2c: {  	s7 =	sld [smem:$0x3FA7]  }
0x2d: {  	s3 =	simm.s32 $0x108;
	s8 =	sld [smem:$0x3FA8]  }
0x2e: {  	s3 =	simm.s32 @!p0 $0x1082;
	s9 =	sld [smem:$0x3FA9]  }
0x2f: {  	lr =	sadd.s32 s0, s3;
	s0 =	sld [smem:$0x3FA0]  }
0x30: {  	s3 =	sld [smem:$0x3FA3]  }
0x31: {  	[smem:$0x3FAC] =	sst s10  }
0x32: {  	s10 =	sld [smem:$0x3FAA];
	_ =	sdelay $0x3  }
0x33: {  	p0 =	seq.s32 s10, $0x1;
	s10 =	sld [smem:$0x3FAC];
	_ =	sdelay $0x3  }
0x34: {  	[smem:$0x3FAC] =	sst s10  }
0x35: {  	s10 =	sld [smem:$0x3FAB];
	_ =	sdelay $0x3  }
0x36: {  	p1 =	seq.s32 s10, $0x1;
	s10 =	sld [smem:$0x3FAC];
	_ =	sdelay $0x3  }
0x37: {  	[smem:$0x3FAC] =	sst s10  }
0x38: {  	s10 =	sld [smem:$0x3FAD]  }
0x39: {  	_ = 	snop;
	(pc) =	sbr.ind lr, $3  }
0x3a: {  	_ = 	snop  }
0x3b: {  	_ = 	snop  }
0x3c: {  	p2 =	seq.s32 s10, $0x1;
	s10 =	sld [smem:$0x3FAC]  }
0x3d: {  	_ =	shalt  }
0x3e: {  	_ =	shalt  }
0x3f: {  	_ =	shalt  }
0x40: {  	_ =	shalt  }
0x41: {  	_ =	shalt  }
0x42: {  	_ =	shalt  }
0x43: {  	_ =	shalt  }
0x44: {  	_ =	shalt  }
0x45: {  	_ =	shalt  }
0x46: {  	_ =	shalt  }
0x47: {  	_ =	shalt  }
0x48: {  	_ =	shalt  }
0x49: {  	_ =	shalt  }
0x4a: {  	_ =	shalt  }
0x4b: {  	_ =	shalt  }
0x4c: {  	_ =	shalt  }
0x4d: {  	_ =	shalt  }
0x4e: {  	_ =	shalt  }
0x4f: {  	_ =	shalt  }
0x50: {  	_ =	shalt  }
0x51: {  	_ =	shalt  }
0x52: {  	_ =	shalt  }
0x53: {  	_ =	shalt  }
0x54: {  	_ =	shalt  }
0x55: {  	_ =	shalt  }
0x56: {  	_ =	shalt  }
0x57: {  	_ =	shalt  }
0x58: {  	_ =	shalt  }
0x59: {  	_ =	shalt  }
0x5a: {  	_ =	shalt  }
0x5b: {  	_ =	shalt  }
0x5c: {  	_ =	shalt  }
0x5d: {  	_ =	shalt  }
0x5e: {  	_ =	shalt  }
0x5f: {  	_ =	shalt  }
0x60: {  	_ =	shalt  }
0x61: {  	_ =	shalt  }
0x62: {  	_ =	shalt  }
0x63: {  	_ =	shalt  }
0x64: {  	_ =	shalt  }
0x65: {  	_ =	shalt  }
0x66: {  	_ =	shalt  }
0x67: {  	_ =	shalt  }
0x68: {  	_ =	shalt  }
0x69: {  	_ =	shalt  }
0x6a: {  	_ =	shalt  }
0x6b: {  	_ =	shalt  }
0x6c: {  	_ =	shalt  }
0x6d: {  	_ =	shalt  }
0x6e: {  	_ =	shalt  }
0x6f: {  	_ =	shalt  }
0x70: {  	_ =	shalt  }
0x71: {  	_ =	shalt  }
0x72: {  	_ =	shalt  }
0x73: {  	_ =	shalt  }
0x74: {  	_ =	shalt  }
0x75: {  	_ =	shalt  }
0x76: {  	_ =	shalt  }
0x77: {  	_ =	shalt  }
0x78: {  	_ =	shalt  }
0x79: {  	_ =	shalt  }
0x7a: {  	_ =	shalt  }
0x7b: {  	_ =	shalt  }
0x7c: {  	_ =	shalt  }
0x7d: {  	_ =	shalt  }
0x7e: {  	_ =	shalt  }
0x7f: {  	_ =	shalt  }
0x80: {  	_ =	shalt  }
0x81: {  	_ =	shalt  }
0x82: {  	_ =	shalt  }
0x83: {  	_ =	shalt  }
0x84: {  	_ =	shalt  }
0x85: {  	_ =	shalt  }
0x86: {  	_ =	shalt  }
0x87: {  	_ =	shalt  }
.Lfunc_end0:
.L_simem_size_0:
called_computation_lowered:
.L_overlay_start_0:
0x88: {  	s2 =	sld [smem:$0x3FD9]  }
0x89: {  	s3 =	sld [smem:$0x3FFE];
	_ =	sdelay $0x1  }
0x8a: {  	s1 =	srdreg.scid  }
0x8b: {  	s0 =	sand.u32 $0x1, s1  }
0x8c: {  	s16 =	sshll.u32 s0, $0xA;
	s2 =	sadd.s32 s3, s2  }
0x8d: {  	s2 =	sadd.s32 s2, s16  }
0x8e: {  	[smem:$0x3FB8] =	sst s2  }
0x8f: {  	_ = 	snop  }
0x90: {  	(tm) =	ssettm $0x1  }
0x91: {  	s17 =	sld [smem:$0x3FFB];
	_ =	sdelay $0x3  }
0x92: {  	_ =	strace s17  }
0x93: {  	s2 =	sld [smem:$0x3FFC];
	_ =	sdelay $0x3  }
0x94: {  	_ =	strace s2  }
0x95: {  	s2 =	sld [smem:$0x3FFD];
	_ =	sdelay $0x3  }
0x96: {  	_ =	strace s2  }
0x97: {  	_ =	strace $0x8FFFFFFF  }
0x98: {  	s18 =	sld [smem:$0x3FDB];
	_ =	sdelay $0x1  }
0x99: {  	s19 =	simm.s32 $_scs_section_size  }
0x9a: {  	s4 =	simm.s32 $_size__tile_overlayer_lowered;
	s5 =	simm.s32 $_tile_overlayer_lowered  }
0x9b: {  	s22 =	simm.s32 $0x1BFF;
	s21 =	sshll.u32 s5, $0x1;
	s2 =	sadd.s32 s19, s18  }
0x9c: {  	s6 =	simm.s32 $0x0;
	s20 =	sshll.u32 s4, $0x1;
	s4 =	sadd.s32 s21, s2  }
0x9d: {  	[timem:s6], [sflag:s22] =	dma.local [hbm:s4], s20  }
0x9e: {  	_ =	swait.ge [sflag:s22], s20  }
0x9f: {  	s3 =	ssub.s32 $0x0, s20;
	[sflag:s22] =	ssyncset.done $0x0  }
0xa0: {  	[sflag:s22] =	ssyncadd.s32 s3;
	_ =	sdelay $0x1  }
0xa1: {  	s23 =	simm.s32 $0x1B8B  }
0xa2: {  	_ =	swait.ge [sflag:s23], $0x1  }
0xa3: {  	[sflag:s23] =	ssyncset.done $0x0  }
0xa4: {  	s25 =	simm.s32 $0x1B8E;
	s24 =	sld [smem:$0x3FFE];
	[sflag:s23] =	ssyncadd.s32 $0xFFFFFFFF  }
0xa5: {  	s26 =	simm.s32 $execute0_lowered;
	[smem:$0x3FD2] =	sst s25  }
0xa6: {  	s4 =	sshll.u32 s26, $0x1;
	_ =	strace $0x80000046;
	[dreg:$0x1] =	wrdreg $0xFFFFFFFF  }
0xa7: {  	s28 =	simm.s32 $_size_execute0_lowered;
	s2 =	sadd.s32 s2, s4;
	[dreg:$0x0] =	wrdreg $0x0  }
0xa8: {  	s4 =	sshll.u32 s28, $0x1;
	[dreg:$0x2] =	wrdreg s2  }
0xa9: {  	[dreg:$0x3] =	wrdreg s4  }
0xaa: {  	[dreg:$0x4] =	wrdreg $0xC0  }
0xab: {  	_ =	task [dreg:s6], $0x5FFFF  }
0xac: {  	[dreg:$0x1] =	wrdreg $0xFFFFFFFF  }
0xad: {  	[dreg:$0x0] =	wrdreg $0x60  }
0xae: {  	[dreg:$0x2] =	wrdreg s24  }
0xaf: {  	[dreg:$0x3] =	wrdreg $0x40000  }
0xb0: {  	[dreg:$0x4] =	wrdreg $0x9  }
0xb1: {  	_ =	task.clear_ibuf [dreg:s6], $0x5FFFF;
	_ =	strace $0x90000046  }
0xb2: {  	s29 =	simm.s32 $0x9;
	_ =	strace $0x80000048  }
0xb3: {  	_ =	swait.ge [sflag:s29], $0x1  }
0xb4: {  	[sflag:s29] =	ssyncadd.s32 $0xFFFFFFFF  }
0xb5: {  	_ =	strace $0x90000048  }
0xb6: {  	_ =	sfence  }
0xb7: {  	s30 =	sld [smem:$0x0];
	_ =	sdelay $0x2  }
0xb8: {  	s31 =	sshll.u32 s1, $0xD;
	s1 =	sshrl.u32 s1, $0x2  }
0xb9: {  	s3 =	sand.u32 $0x4000, s31;
	s1 =	sadd.s32 s1, s30  }
0xba: {  	s0 =	sor.u32 s3, s0;
	s1 =	sshll.u32 s1, $0x11  }
0xbb: {  	s0 =	sor.u32 s1, s0  }
0xbc: {  	s0 =	sadd.s32 $0x8F2B, s0  }
0xbd: {  	[sflag:s0] =	ssyncadd.remote.s32 $0x1  }
0xbe: {  	_ =	sfence.sel $0xFFFF  }
0xbf: {  	[dreg:$0x0] =	wrdreg $0xFFFFFFFF;
	(pc) =	sbr.abs _section_cstart, $3  }
0xc0: {  	[dreg:$0x1] =	wrdreg $0xFFFFFFFF  }
0xc1: {  	_ =	task.clear_ibuf [dreg:s6], $0x2FFFF;
	_ =	strace $0x9FFFFFFF  }
0xc2: {  	(tm) =	ssettm $0x7FFFFFFF  }
0xc3: {  	_ =	shalt  }
tec
execute0_lowered:
.L_overlay_start_1:
0x0: {  	(tag) =	ssettag $0x1  }
0x1: {  	s5 =	rddreg [dreg:$0x0]  }
0x2: {  	s0 =	stileid.u32;
	s1 =	srdreg.scid  }
0x3: {  	s2 =	rddreg [dreg:$0x1];
	s3 =	simm.s32 $0x0;
	s13 =	simm.s32 $0x78  }
0x4: {  	s14 =	simm.s32 $0x80;
	s15 =	simm.s32 $0x100;
	s16 =	simm.s32 $0x180  }
0x5: {  	s17 =	simm.s32 $0x200;
	s18 =	simm.s32 $0x280;
	s19 =	simm.s32 $0x300  }
0x6: {  	s20 =	simm.s32 $0x380;
	s22 =	simm.s32 $0x0;
	s7 =	smul.u32 $0x278, s0  }
0x7: {  	s6 =	sand.u32 $0x1, s1;
	s1 =	rddreg [dreg:$0x2];
	s9 =	smul.u32 $0xA80, s0  }
0x8: {  	[smem:$0x7FF] =	sst s3;
	s4 =	sadd.s32 $0xDC00, s5;
	s8 =	smul.u32 $0x2710, s6  }
0x9: {  	s30 =	sshll.u32 s0, $0x6;
	_ =	strace $0x80000047;
	s11 =	smul.u32 $0x2718, s6  }
0xa: {  	s24 =	ssub.s32 $0x2, s6;
	s10 =	smin.u32 s7, $0x2498;
	s9 =	sadd.s32 s9, s5  }
0xb: {  	s25 =	smin.u32 s7, $0x24A0;
	s26 =	sshrl.u32 s24, $0x1;
	s8 =	sadd.s32 s8, s10  }
0xc: {  	s12 =	sshll.u32 s25, $0x7;
	s6 =	sadd.s32 s11, s25;
	s28 =	ssub.s32 s24, s26  }
0xd: {  	s31 =	sshll.u32 s10, $0x7;
	s9 =	sadd.s32 $0x3400, s9;
	s11 =	simm.s32 $0x1  }
0xe: {  	s8 =	sshll.u32 s8, $0x4;
	s12 =	sadd.s32 s12, s2;
	s29 =	sshll.u32 s6, $0x4  }
0xf: {  	s6 =	sor.u32 $0x1C01, s30;
	s21 =	sadd.s32 s31, s2;
	s8 =	sadd.s32 s8, s5  }
0x10: {  	s5 =	sadd.s32 s4, s29;
	s10 =	sshrl.u32 s12, $0x3;
	s12 =	simm.s32 $0x400  }
0x11: {  	s21 =	sshrl.u32 s21, $0x3;
	s7 =	sadd.s32 $0x5C000, s8;
	s8 =	smax.u32 s28, $0x1  }
.LBB2_1:
0x12: {  	[spmem:s10], [sflag:s6] =	dma.local [hbm:s5], $0x2780  }
0x13: {  	_ =	swait.ge [sflag:s11], $0x2780  }
0x14: {  	[sflag:s11] =	ssyncset.done $0x0  }
0x15: {  	[sflag:s11] =	ssyncadd.s32 $0xFFFFD880  }
0x16: {  	[tilespmem:s12], [sflag:$0x1] =	stream.linear.gather [hbm4b:s4+s3], $0x3C00, $0x38;
	[tilespmem:$0x178C0] =	vst v63  }
0x17: {  	_ =	swait.ge [sflag:s11], $0x3C00  }
0x18: {  	[sflag:s11] =	ssyncset.done $0x0  }
0x19: {  	[sflag:s11] =	ssyncadd.s32 $0xFFFFC400  }
0x1a: {  	s23 =	sadd.s32 $0x0, s9;
	[bflag:$0x0] =	sbarrier.arrive $0xFFFF  }
0x1b: {  	[tilespmem:s3], [sflag:$0x1] =	stream.linear.gather [hbm4b:s23+s3], $0x400, $0x38;
	[tilespmem:$0x178C0] =	vst v63  }
0x1c: {  	_ =	swait.ge [sflag:s11], $0x400  }
0x1d: {  	[sflag:s11] =	ssyncset.done $0x0  }
0x1e: {  	[sflag:s11] =	ssyncadd.s32 $0xFFFFFC00  }
0x1f: {  	[spmem:s2] =	stream.indirect.scatter.add.f32 [tilespmem:s12], [sflag:$0x1], $0x80, s3, s13, $0xb8;
	[tilespmem:$0x178C0] =	vst v63  }
0x20: {  	_ =	swait.ge [sflag:s11], $0x3C00  }
0x21: {  	[sflag:s11] =	ssyncset.done $0x0  }
0x22: {  	[sflag:s11] =	ssyncadd.s32 $0xFFFFC400  }
0x23: {  	[spmem:s2] =	stream.indirect.scatter.add.f32 [tilespmem:s12], [sflag:$0x1], $0x80, s14, s13, $0xb8;
	[tilespmem:$0x178C0] =	vst v63  }
0x24: {  	_ =	swait.ge [sflag:s11], $0x3C00  }
0x25: {  	[sflag:s11] =	ssyncset.done $0x0  }
0x26: {  	[sflag:s11] =	ssyncadd.s32 $0xFFFFC400  }
0x27: {  	[spmem:s2] =	stream.indirect.scatter.add.f32 [tilespmem:s12], [sflag:$0x1], $0x80, s15, s13, $0xb8;
	[tilespmem:$0x178C0] =	vst v63  }
0x28: {  	_ =	swait.ge [sflag:s11], $0x3C00  }
0x29: {  	[sflag:s11] =	ssyncset.done $0x0  }
0x2a: {  	[sflag:s11] =	ssyncadd.s32 $0xFFFFC400  }
0x2b: {  	[spmem:s2] =	stream.indirect.scatter.add.f32 [tilespmem:s12], [sflag:$0x1], $0x80, s16, s13, $0xb8;
	[tilespmem:$0x178C0] =	vst v63  }
0x2c: {  	_ =	swait.ge [sflag:s11], $0x3C00  }
0x2d: {  	[sflag:s11] =	ssyncset.done $0x0  }
0x2e: {  	[sflag:s11] =	ssyncadd.s32 $0xFFFFC400  }
0x2f: {  	[spmem:s2] =	stream.indirect.scatter.add.f32 [tilespmem:s12], [sflag:$0x1], $0x80, s17, s13, $0xb8;
	[tilespmem:$0x178C0] =	vst v63  }
0x30: {  	_ =	swait.ge [sflag:s11], $0x3C00  }
0x31: {  	[sflag:s11] =	ssyncset.done $0x0  }
0x32: {  	[sflag:s11] =	ssyncadd.s32 $0xFFFFC400  }
0x33: {  	[spmem:s2] =	stream.indirect.scatter.add.f32 [tilespmem:s12], [sflag:$0x1], $0x80, s18, s13, $0xb8;
	[tilespmem:$0x178C0] =	vst v63  }
0x34: {  	_ =	swait.ge [sflag:s11], $0x3C00  }
0x35: {  	[sflag:s11] =	ssyncset.done $0x0  }
0x36: {  	[sflag:s11] =	ssyncadd.s32 $0xFFFFC400  }
0x37: {  	[spmem:s2] =	stream.indirect.scatter.add.f32 [tilespmem:s12], [sflag:$0x1], $0x80, s19, s13, $0xb8;
	[tilespmem:$0x178C0] =	vst v63  }
0x38: {  	_ =	swait.ge [sflag:s11], $0x3C00  }
0x39: {  	[sflag:s11] =	ssyncset.done $0x0  }
0x3a: {  	[sflag:s11] =	ssyncadd.s32 $0xFFFFC400  }
0x3b: {  	[spmem:s2] =	stream.indirect.scatter.add.f32 [tilespmem:s12], [sflag:$0x1], $0x80, s20, s13, $0xb8;
	[tilespmem:$0x178C0] =	vst v63  }
0x3c: {  	_ =	swait.ge [sflag:s11], $0x3C00  }
0x3d: {  	s25 =	simm.s32 $0x100;
	s23 =	simm.s32 $0x80;
	[sflag:s11] =	ssyncset.done $0x0  }
.LBB2_2:
0x3e: {  	s26 =	sadd.s32 s23, s9  }
0x3f: {  	[sflag:s11] =	ssyncadd.s32 $0xFFFFC400;
	s23 =	smov.u32 s25;
	s24 =	sadd.s32 $0x80, s25  }
0x40: {  	[tilespmem:s3], [sflag:$0x1] =	stream.linear.gather [hbm4b:s26+s3], $0x400, $0x38;
	[tilespmem:$0x178C0] =	vst v63  }
0x41: {  	p0 =	sne.s32 s25, $0xA00;
	_ =	swait.ge [sflag:s11], $0x400  }
0x42: {  	[sflag:s11] =	ssyncset.done $0x0  }
0x43: {  	[sflag:s11] =	ssyncadd.s32 $0xFFFFFC00  }
0x44: {  	[spmem:s2] =	stream.indirect.scatter.add.f32 [tilespmem:s12], [sflag:$0x1], $0x80, s3, s13, $0xb8;
	[tilespmem:$0x178C0] =	vst v63  }
0x45: {  	_ =	swait.ge [sflag:s11], $0x3C00  }
0x46: {  	[sflag:s11] =	ssyncset.done $0x0  }
0x47: {  	[sflag:s11] =	ssyncadd.s32 $0xFFFFC400  }
0x48: {  	[spmem:s2] =	stream.indirect.scatter.add.f32 [tilespmem:s12], [sflag:$0x1], $0x80, s14, s13, $0xb8;
	[tilespmem:$0x178C0] =	vst v63  }
0x49: {  	_ =	swait.ge [sflag:s11], $0x3C00  }
0x4a: {  	[sflag:s11] =	ssyncset.done $0x0  }
0x4b: {  	[sflag:s11] =	ssyncadd.s32 $0xFFFFC400  }
0x4c: {  	[spmem:s2] =	stream.indirect.scatter.add.f32 [tilespmem:s12], [sflag:$0x1], $0x80, s15, s13, $0xb8;
	[tilespmem:$0x178C0] =	vst v63  }
0x4d: {  	_ =	swait.ge [sflag:s11], $0x3C00  }
0x4e: {  	[sflag:s11] =	ssyncset.done $0x0  }
0x4f: {  	[sflag:s11] =	ssyncadd.s32 $0xFFFFC400  }
0x50: {  	[spmem:s2] =	stream.indirect.scatter.add.f32 [tilespmem:s12], [sflag:$0x1], $0x80, s16, s13, $0xb8;
	[tilespmem:$0x178C0] =	vst v63  }
0x51: {  	_ =	swait.ge [sflag:s11], $0x3C00  }
0x52: {  	[sflag:s11] =	ssyncset.done $0x0  }
0x53: {  	[sflag:s11] =	ssyncadd.s32 $0xFFFFC400  }
0x54: {  	[spmem:s2] =	stream.indirect.scatter.add.f32 [tilespmem:s12], [sflag:$0x1], $0x80, s17, s13, $0xb8;
	[tilespmem:$0x178C0] =	vst v63  }
0x55: {  	_ =	swait.ge [sflag:s11], $0x3C00  }
0x56: {  	[sflag:s11] =	ssyncset.done $0x0  }
0x57: {  	[sflag:s11] =	ssyncadd.s32 $0xFFFFC400  }
0x58: {  	[spmem:s2] =	stream.indirect.scatter.add.f32 [tilespmem:s12], [sflag:$0x1], $0x80, s18, s13, $0xb8;
	[tilespmem:$0x178C0] =	vst v63  }
0x59: {  	_ =	swait.ge [sflag:s11], $0x3C00  }
0x5a: {  	[sflag:s11] =	ssyncset.done $0x0  }
0x5b: {  	[sflag:s11] =	ssyncadd.s32 $0xFFFFC400  }
0x5c: {  	[spmem:s2] =	stream.indirect.scatter.add.f32 [tilespmem:s12], [sflag:$0x1], $0x80, s19, s13, $0xb8;
	[tilespmem:$0x178C0] =	vst v63  }
0x5d: {  	_ =	swait.ge [sflag:s11], $0x3C00  }
.Ltmp0:
0x5e: {  	[sflag:s11] =	ssyncset.done $0x0;
	(pc) =	sbr.rel @p0 .LBB2_2-.Ltmp0, $4  }
0x5f: {  	[sflag:s11] =	ssyncadd.s32 $0xFFFFC400  }
0x60: {  	[spmem:s2] =	stream.indirect.scatter.add.f32 [tilespmem:s12], [sflag:$0x1], $0x80, s20, s13, $0xb8;
	[tilespmem:$0x178C0] =	vst v63  }
0x61: {  	_ =	swait.ge [sflag:s11], $0x3C00  }
0x62: {  	s25 =	smov.u32 s24;
	[sflag:s11] =	ssyncset.done $0x0  }
0x63: {  	s23 =	sadd.s32 s23, s9;
	[sflag:s11] =	ssyncadd.s32 $0xFFFFC400  }
0x64: {  	[tilespmem:s3], [sflag:$0x1] =	stream.linear.gather [hbm4b:s23+s3], $0x400, $0x38;
	[tilespmem:$0x178C0] =	vst v63  }
0x65: {  	_ =	swait.ge [sflag:s11], $0x400  }
0x66: {  	[sflag:s11] =	ssyncset.done $0x0  }
0x67: {  	[sflag:s11] =	ssyncadd.s32 $0xFFFFFC00  }
0x68: {  	[spmem:s2] =	stream.indirect.scatter.add.f32 [tilespmem:s12], [sflag:$0x1], $0x80, s3, s13, $0xb8;
	[tilespmem:$0x178C0] =	vst v63  }
0x69: {  	_ =	swait.ge [sflag:s11], $0x3C00  }
0x6a: {  	[sflag:s11] =	ssyncset.done $0x0  }
0x6b: {  	[sflag:s11] =	ssyncadd.s32 $0xFFFFC400  }
0x6c: {  	[spmem:s2] =	stream.indirect.scatter.add.f32 [tilespmem:s12], [sflag:$0x1], $0x80, s14, s13, $0xb8;
	[tilespmem:$0x178C0] =	vst v63  }
0x6d: {  	_ =	swait.ge [sflag:s11], $0x3C00  }
0x6e: {  	[sflag:s11] =	ssyncset.done $0x0  }
0x6f: {  	[sflag:s11] =	ssyncadd.s32 $0xFFFFC400  }
0x70: {  	[spmem:s2] =	stream.indirect.scatter.add.f32 [tilespmem:s12], [sflag:$0x1], $0x80, s15, s13, $0xb8;
	[tilespmem:$0x178C0] =	vst v63  }
0x71: {  	_ =	swait.ge [sflag:s11], $0x3C00  }
0x72: {  	[sflag:s11] =	ssyncset.done $0x0  }
0x73: {  	[sflag:s11] =	ssyncadd.s32 $0xFFFFC400  }
0x74: {  	[spmem:s2] =	stream.indirect.scatter.add.f32 [tilespmem:s12], [sflag:$0x1], $0x80, s16, s13, $0xb8;
	[tilespmem:$0x178C0] =	vst v63  }
0x75: {  	_ =	swait.ge [sflag:s11], $0x3C00  }
0x76: {  	[sflag:s11] =	ssyncset.done $0x0  }
0x77: {  	[sflag:s11] =	ssyncadd.s32 $0xFFFFC400  }
0x78: {  	[spmem:s2] =	stream.indirect.scatter.add.f32 [tilespmem:s12], [sflag:$0x1], $0x80, s17, s13, $0xb8;
	[tilespmem:$0x178C0] =	vst v63  }
0x79: {  	_ =	swait.ge [sflag:s11], $0x3C00  }
0x7a: {  	[sflag:s11] =	ssyncset.done $0x0  }
0x7b: {  	[sflag:s11] =	ssyncadd.s32 $0xFFFFC400  }
0x7c: {  	[spmem:s2] =	stream.indirect.scatter.add.f32 [tilespmem:s12], [sflag:$0x1], $0x80, s18, s13, $0xb8;
	[tilespmem:$0x178C0] =	vst v63  }
0x7d: {  	_ =	swait.ge [sflag:s11], $0x3C00  }
0x7e: {  	[sflag:s11] =	ssyncset.done $0x0  }
0x7f: {  	[sflag:s11] =	ssyncadd.s32 $0xFFFFC400  }
0x80: {  	[spmem:s2] =	stream.indirect.scatter.add.f32 [tilespmem:s12], [sflag:$0x1], $0x80, s19, s13, $0xb8;
	[tilespmem:$0x178C0] =	vst v63  }
0x81: {  	_ =	swait.ge [sflag:s11], $0x3C00  }
0x82: {  	[sflag:s11] =	ssyncset.done $0x0  }
0x83: {  	[sflag:s11] =	ssyncadd.s32 $0xFFFFC400  }
0x84: {  	[spmem:s2] =	stream.indirect.scatter.add.f32 [tilespmem:s12], [sflag:$0x1], $0x80, s20, s13, $0xb8;
	[tilespmem:$0x178C0] =	vst v63  }
0x85: {  	_ =	swait.ge [sflag:s11], $0x3C00  }
0x86: {  	s22 =	sadd.s32 $0x1, s22;
	[sflag:s11] =	ssyncset.done $0x0  }
0x87: {  	p0 =	sne.s32 s22, s8;
	[sflag:s11] =	ssyncadd.s32 $0xFFFFC400  }
.Ltmp1:
0x88: {  	[bflag:$0x0] =	sbarrier.arrive $0xFFFF;
	(pc) =	sbr.rel @p0 .LBB2_1-.Ltmp1, $4  }
0x89: {  	[hbm:s7], [sflag:s6] =	dma.local [spmem:s21], $0x2780  }
0x8a: {  	_ =	swait.ge [sflag:s11], $0x2780  }
0x8b: {  	[sflag:s11] =	ssyncset.done $0x0  }
0x8c: {  	[sflag:s11] =	ssyncadd.s32 $0xFFFFD880  }
0x8d: {  	_ =	sfence.sel $0x180000  }
0x8e: {  	[bflag:$0x0] =	sbarrier.arrive $0xFFFF  }
0x8f: {  	p0 =	sne.s32 s0, $0x0;
	_ =	strace $0x90000047  }
0x90: {  	s0 =	sadd.s32 @!p0 $0x100000, s1;
	[bflag:$0x2] =	sbarrier.arrive $0xFFFF  }
0x91: {  	[sflag:s0] =	ssyncadd.tile.s32 @!p0 $0x1;
	_ =	shalt  }
.Lfunc_end2:
_tile_overlayer_lowered:
.L_overlay_start_2:
0x92: {  	(tag) =	ssettag $0x2  }
0x93: {  	s0 =	rddreg [dreg:$0x0];
	s2 =	stileid.u32  }
0x94: {  	s1 =	rddreg [dreg:$0x1];
	p0 =	sne.s32 s2, $0x0  }
0x95: {  	s3 =	rddreg [dreg:$0x2];
	[bflag:$0x3] =	sbarrier.arrive $0xFFFF;
	s2 =	simm.s32 @!p0 $0x1C01  }
0x96: {  	[timem:s3], [sflag:s2] =	dma.local @!p0 [hbm:s0], s1  }
0x97: {  	s0 =	simm.s32 @!p0 $0x1  }
0x98: {  	_ =	swait.ge @!p0 [sflag:s0], s1  }
0x99: {  	s1 =	ssub.s32 @!p0 $0x0, s1;
	[sflag:s0] =	ssyncset.done @!p0 $0x0  }
0x9a: {  	[sflag:s0] =	ssyncadd.s32 @!p0 s1  }
0x9b: {  	[bflag:$0x3] =	sbarrier.arrive $0xFFFF  }
0x9c: {  	_ =	shalt  }

// kernel: kernel.13.cloned.1.call-start
scs
__scs_entry_jumppad:
0x0: {  	(pc) =	sbr.rel $0x88, $3  }
0x1: {  	(tag) =	ssettag $0x0;
	lr =	simm.s32 $0x1  }
0x2: {  	[smem:$0x3F91] =	sst lr;
	_ =	strace $0xD0000000  }
0x3: {  	_ = 	snop  }
0x4: {  	_ = 	snop  }
0x5: {  	_ = 	snop  }
0x6: {  	_ = 	snop  }
0x7: {  	_ = 	snop  }
__scs_overlays_trampoline_lowered:
0x8: {  	[smem:$0x3FA0] =	sst s0  }
0x9: {  	[smem:$0x3FA1] =	sst s1  }
0xa: {  	[smem:$0x3FA2] =	sst s2  }
0xb: {  	[smem:$0x3FA3] =	sst s3  }
0xc: {  	[smem:$0x3FA4] =	sst s4  }
0xd: {  	[smem:$0x3FA5] =	sst s5  }
0xe: {  	[smem:$0x3FA6] =	sst s6  }
0xf: {  	[smem:$0x3FA7] =	sst s7  }
0x10: {  	[smem:$0x3FA8] =	sst s8  }
0x11: {  	[smem:$0x3FA9] =	sst s9;
	s0 =	simm.s32 @!p0 $0x0  }
0x12: {  	s1 =	sld [smem:$0x3F8F];
	s0 =	simm.s32 @p0 $0x1  }
0x13: {  	[smem:$0x3FAA] =	sst s0;
	s0 =	simm.s32 @!p1 $0x0  }
0x14: {  	s2 =	sld [smem:$0x3F8E];
	s0 =	simm.s32 @p1 $0x1  }
0x15: {  	[smem:$0x3FAB] =	sst s0;
	s0 =	simm.s32 @!p2 $0x0  }
0x16: {  	s3 =	sld [smem:$0x3FDB];
	s0 =	simm.s32 @p2 $0x1  }
0x17: {  	s4 =	simm.s32 $0x1BF5;
	[smem:$0x3FAD] =	sst s0  }
0x18: {  	s0 =	sld [smem:$0x3F90];
	_ =	swait.ge [sflag:s4], $0x0  }
0x19: {  	s7 =	sld [smem:$0x3F91]  }
0x1a: {  	s8 =	sadd.s32 $0xFFFFE003, lr  }
0x1b: {  	s9 =	sadd.s32 $0xFFFFFEF7, lr;
	s5 =	simm.s32 $0xFFFFFFFF;
	p2 =	slt.u32 s8, $0xFFFFF086  }
0x1c: {  	p1 =	slt.u32 s9, $0xF7A;
	s5 =	simm.s32 @!p2 $0x0  }
0x1d: {  	s5 =	simm.s32 @p1 $0x1;
	p0 =	seq.s32 s7, s2  }
0x1e: {  	s7 =	smul.u32 @!p0 $0xF7A, s2;
	p2 =	seq.s32 @!p0 s5, $0x0  }
0x1f: {  	s9 =	smul.u32 $0xF7A, s1;
	s8 =	simm.s32 @!p0 $0x1BF5;
	p2 =	por !p2, p0  }
0x20: {  	[sflag:s8] =	ssyncset.s32 @!p0 $0xFFFFF086;
	s6 =	sadd.s32 @!p0 s3, s7;
	s7 =	simm.s32 @!p0 $0x108  }
0x21: {  	s3 =	sadd.s32 s3, s9;
	s6 =	sadd.s32 @!p0 $0x88, s6;
	s7 =	simm.s32 @p2 $0x1082  }
0x22: {  	[simem:s7], [sflag:s8] =	dma.local @!p0 [hbm:s6], $0xF7A  }
0x23: {  	s9 =	sor.u32 $0xD0000000, s2;
	s6 =	simm.s32 $0x108;
	_ =	swait.ge @!p0 [sflag:s8], $0x0  }
0x24: {  	s3 =	sadd.s32 $0x88, s3;
	s6 =	simm.s32 @!p1 $0x1082;
	[sflag:s4] =	ssyncset.s32 $0xFFFFF086  }
0x25: {  	[simem:s6], [sflag:s4] =	dma.local [hbm:s3], $0xF7A  }
0x26: {  	[smem:$0x3F91] =	sst s1;
	(tag) =	ssettag s2;
	_ =	strace s9  }
0x27: {  	s1 =	sld [smem:$0x3FA1]  }
0x28: {  	s2 =	sld [smem:$0x3FA2]  }
0x29: {  	s4 =	sld [smem:$0x3FA4]  }
0x2a: {  	p0 =	seq.s32 s5, $0x0;
	s5 =	sld [smem:$0x3FA5]  }
0x2b: {  	s6 =	sld [smem:$0x3FA6]  }
0x2c: {  	s7 =	sld [smem:$0x3FA7]  }
0x2d: {  	s3 =	simm.s32 $0x108;
	s8 =	sld [smem:$0x3FA8]  }
0x2e: {  	s3 =	simm.s32 @!p0 $0x1082;
	s9 =	sld [smem:$0x3FA9]  }
0x2f: {  	lr =	sadd.s32 s0, s3;
	s0 =	sld [smem:$0x3FA0]  }
0x30: {  	s3 =	sld [smem:$0x3FA3]  }
0x31: {  	[smem:$0x3FAC] =	sst s10  }
0x32: {  	s10 =	sld [smem:$0x3FAA];
	_ =	sdelay $0x3  }
0x33: {  	p0 =	seq.s32 s10, $0x1;
	s10 =	sld [smem:$0x3FAC];
	_ =	sdelay $0x3  }
0x34: {  	[smem:$0x3FAC] =	sst s10  }
0x35: {  	s10 =	sld [smem:$0x3FAB];
	_ =	sdelay $0x3  }
0x36: {  	p1 =	seq.s32 s10, $0x1;
	s10 =	sld [smem:$0x3FAC];
	_ =	sdelay $0x3  }
0x37: {  	[smem:$0x3FAC] =	sst s10  }
0x38: {  	s10 =	sld [smem:$0x3FAD]  }
0x39: {  	_ = 	snop;
	(pc) =	sbr.ind lr, $3  }
0x3a: {  	_ = 	snop  }
0x3b: {  	_ = 	snop  }
0x3c: {  	p2 =	seq.s32 s10, $0x1;
	s10 =	sld [smem:$0x3FAC]  }
0x3d: {  	_ =	shalt  }
0x3e: {  	_ =	shalt  }
0x3f: {  	_ =	shalt  }
0x40: {  	_ =	shalt  }
0x41: {  	_ =	shalt  }
0x42: {  	_ =	shalt  }
0x43: {  	_ =	shalt  }
0x44: {  	_ =	shalt  }
0x45: {  	_ =	shalt  }
0x46: {  	_ =	shalt  }
0x47: {  	_ =	shalt  }
0x48: {  	_ =	shalt  }
0x49: {  	_ =	shalt  }
0x4a: {  	_ =	shalt  }
0x4b: {  	_ =	shalt  }
0x4c: {  	_ =	shalt  }
0x4d: {  	_ =	shalt  }
0x4e: {  	_ =	shalt  }
0x4f: {  	_ =	shalt  }
0x50: {  	_ =	shalt  }
0x51: {  	_ =	shalt  }
0x52: {  	_ =	shalt  }
0x53: {  	_ =	shalt  }
0x54: {  	_ =	shalt  }
0x55: {  	_ =	shalt  }
0x56: {  	_ =	shalt  }
0x57: {  	_ =	shalt  }
0x58: {  	_ =	shalt  }
0x59: {  	_ =	shalt  }
0x5a: {  	_ =	shalt  }
0x5b: {  	_ =	shalt  }
0x5c: {  	_ =	shalt  }
0x5d: {  	_ =	shalt  }
0x5e: {  	_ =	shalt  }
0x5f: {  	_ =	shalt  }
0x60: {  	_ =	shalt  }
0x61: {  	_ =	shalt  }
0x62: {  	_ =	shalt  }
0x63: {  	_ =	shalt  }
0x64: {  	_ =	shalt  }
0x65: {  	_ =	shalt  }
0x66: {  	_ =	shalt  }
0x67: {  	_ =	shalt  }
0x68: {  	_ =	shalt  }
0x69: {  	_ =	shalt  }
0x6a: {  	_ =	shalt  }
0x6b: {  	_ =	shalt  }
0x6c: {  	_ =	shalt  }
0x6d: {  	_ =	shalt  }
0x6e: {  	_ =	shalt  }
0x6f: {  	_ =	shalt  }
0x70: {  	_ =	shalt  }
0x71: {  	_ =	shalt  }
0x72: {  	_ =	shalt  }
0x73: {  	_ =	shalt  }
0x74: {  	_ =	shalt  }
0x75: {  	_ =	shalt  }
0x76: {  	_ =	shalt  }
0x77: {  	_ =	shalt  }
0x78: {  	_ =	shalt  }
0x79: {  	_ =	shalt  }
0x7a: {  	_ =	shalt  }
0x7b: {  	_ =	shalt  }
0x7c: {  	_ =	shalt  }
0x7d: {  	_ =	shalt  }
0x7e: {  	_ =	shalt  }
0x7f: {  	_ =	shalt  }
0x80: {  	_ =	shalt  }
0x81: {  	_ =	shalt  }
0x82: {  	_ =	shalt  }
0x83: {  	_ =	shalt  }
0x84: {  	_ =	shalt  }
0x85: {  	_ =	shalt  }
0x86: {  	_ =	shalt  }
0x87: {  	_ =	shalt  }
.Lfunc_end0:
.L_simem_size_0:
called_computation.1_lowered:
.L_overlay_start_0:
0x88: {  	s2 =	sld [smem:$0x3FD9]  }
0x89: {  	s3 =	sld [smem:$0x3FFE];
	_ =	sdelay $0x1  }
0x8a: {  	s1 =	srdreg.scid  }
0x8b: {  	s0 =	sand.u32 $0x1, s1  }
0x8c: {  	s16 =	sshll.u32 s0, $0xA;
	s2 =	sadd.s32 s3, s2  }
0x8d: {  	s2 =	sadd.s32 s2, s16  }
0x8e: {  	[smem:$0x3FB8] =	sst s2  }
0x8f: {  	_ = 	snop  }
0x90: {  	(tm) =	ssettm $0x1  }
0x91: {  	s17 =	sld [smem:$0x3FFB];
	_ =	sdelay $0x3  }
0x92: {  	_ =	strace s17  }
0x93: {  	s2 =	sld [smem:$0x3FFC];
	_ =	sdelay $0x3  }
0x94: {  	_ =	strace s2  }
0x95: {  	s2 =	sld [smem:$0x3FFD];
	_ =	sdelay $0x3  }
0x96: {  	_ =	strace s2  }
0x97: {  	_ =	strace $0x8FFFFFFF  }
0x98: {  	s18 =	sld [smem:$0x3FDB];
	_ =	sdelay $0x1  }
0x99: {  	s19 =	simm.s32 $_scs_section_size  }
0x9a: {  	s4 =	simm.s32 $_size__tile_overlayer_lowered;
	s5 =	simm.s32 $_tile_overlayer_lowered  }
0x9b: {  	s22 =	simm.s32 $0x1BFF;
	s21 =	sshll.u32 s5, $0x1;
	s2 =	sadd.s32 s19, s18  }
0x9c: {  	s6 =	simm.s32 $0x0;
	s20 =	sshll.u32 s4, $0x1;
	s4 =	sadd.s32 s21, s2  }
0x9d: {  	[timem:s6], [sflag:s22] =	dma.local [hbm:s4], s20  }
0x9e: {  	_ =	swait.ge [sflag:s22], s20  }
0x9f: {  	s3 =	ssub.s32 $0x0, s20;
	[sflag:s22] =	ssyncset.done $0x0  }
0xa0: {  	[sflag:s22] =	ssyncadd.s32 s3;
	_ =	sdelay $0x1  }
0xa1: {  	s23 =	simm.s32 $0x1B8B  }
0xa2: {  	_ =	swait.ge [sflag:s23], $0x1  }
0xa3: {  	[sflag:s23] =	ssyncset.done $0x0  }
0xa4: {  	s25 =	simm.s32 $0x1B8E;
	s24 =	sld [smem:$0x3FFE];
	[sflag:s23] =	ssyncadd.s32 $0xFFFFFFFF  }
0xa5: {  	s26 =	simm.s32 $execute0_lowered;
	[smem:$0x3FD2] =	sst s25  }
0xa6: {  	s4 =	sshll.u32 s26, $0x1;
	_ =	strace $0x80000049;
	[dreg:$0x1] =	wrdreg $0xFFFFFFFF  }
0xa7: {  	s28 =	simm.s32 $_size_execute0_lowered;
	s2 =	sadd.s32 s2, s4;
	[dreg:$0x0] =	wrdreg $0x0  }
0xa8: {  	s4 =	sshll.u32 s28, $0x1;
	[dreg:$0x2] =	wrdreg s2  }
0xa9: {  	[dreg:$0x3] =	wrdreg s4  }
0xaa: {  	[dreg:$0x4] =	wrdreg $0xC0  }
0xab: {  	_ =	task [dreg:s6], $0x5FFFF  }
0xac: {  	[dreg:$0x1] =	wrdreg $0xFFFFFFFF  }
0xad: {  	[dreg:$0x0] =	wrdreg $0x60  }
0xae: {  	[dreg:$0x2] =	wrdreg s24  }
0xaf: {  	[dreg:$0x3] =	wrdreg $0xBC000  }
0xb0: {  	[dreg:$0x4] =	wrdreg $0x9  }
0xb1: {  	_ =	task.clear_ibuf [dreg:s6], $0x5FFFF;
	_ =	strace $0x90000049  }
0xb2: {  	s29 =	simm.s32 $0x9;
	_ =	strace $0x8000004B  }
0xb3: {  	_ =	swait.ge [sflag:s29], $0x1  }
0xb4: {  	[sflag:s29] =	ssyncadd.s32 $0xFFFFFFFF  }
0xb5: {  	_ =	strace $0x9000004B  }
0xb6: {  	_ =	sfence  }
0xb7: {  	s30 =	sld [smem:$0x0];
	_ =	sdelay $0x2  }
0xb8: {  	s31 =	sshll.u32 s1, $0xD;
	s1 =	sshrl.u32 s1, $0x2  }
0xb9: {  	s3 =	sand.u32 $0x4000, s31;
	s1 =	sadd.s32 s1, s30  }
0xba: {  	s0 =	sor.u32 s3, s0;
	s1 =	sshll.u32 s1, $0x11  }
0xbb: {  	s0 =	sor.u32 s1, s0  }
0xbc: {  	s0 =	sadd.s32 $0x8F2B, s0  }
0xbd: {  	[sflag:s0] =	ssyncadd.remote.s32 $0x1  }
0xbe: {  	_ =	sfence.sel $0xFFFF  }
0xbf: {  	[dreg:$0x0] =	wrdreg $0xFFFFFFFF;
	(pc) =	sbr.abs _section_cstart, $3  }
0xc0: {  	[dreg:$0x1] =	wrdreg $0xFFFFFFFF  }
0xc1: {  	_ =	task.clear_ibuf [dreg:s6], $0x2FFFF;
	_ =	strace $0x9FFFFFFF  }
0xc2: {  	(tm) =	ssettm $0x7FFFFFFF  }
0xc3: {  	_ =	shalt  }
tec
execute0_lowered:
.L_overlay_start_1:
0x0: {  	(tag) =	ssettag $0x1  }
0x1: {  	s0 =	rddreg [dreg:$0x0];
	s1 =	srdreg.scid  }
0x2: {  	s2 =	rddreg [dreg:$0x1];
	s12 =	stileid.u32  }
0x3: {  	s3 =	simm.s32 $0x0;
	s13 =	simm.s32 $0x78;
	s14 =	simm.s32 $0x800  }
0x4: {  	s15 =	simm.s32 $0x80;
	s16 =	simm.s32 $0x4400;
	s17 =	simm.s32 $0x1  }
0x5: {  	s18 =	simm.s32 $0x100;
	s19 =	simm.s32 $0x8000;
	s5 =	smul.u32 $0x5400, s12  }
0x6: {  	s28 =	simm.s32 $0x280;
	s29 =	simm.s32 $0x580;
	s6 =	smul.u32 $0x278, s12  }
0x7: {  	s30 =	simm.s32 $0x300;
	s1 =	sand.u32 $0x1, s1;
	s8 =	smul.u32 $0xA80, s12  }
0x8: {  	s31 =	simm.s32 $0x600;
	[smem:$0x7FF] =	sst s3;
	s4 =	smul.u32 $0x54000, s1  }
0x9: {  	s25 =	sshll.u32 s12, $0x6;
	s12 =	simm.s32 $0x400;
	s20 =	smul.u32 $0x2710, s1  }
0xa: {  	_ =	strace $0x8000004A;
	s10 =	smul.u32 $0x2718, s1;
	s1 =	ssub.s32 $0x2, s1  }
0xb: {  	s9 =	smin.u32 s6, $0x2498;
	s8 =	sadd.s32 s8, s0;
	s21 =	smin.u32 s6, $0x24A0  }
0xc: {  	s22 =	sshrl.u32 s1, $0x1;
	s4 =	sadd.s32 s4, s5;
	s5 =	sadd.s32 s20, s9  }
0xd: {  	s11 =	sshll.u32 s21, $0x7;
	s1 =	ssub.s32 s1, s22;
	s9 =	sshll.u32 s9, $0x7  }
0xe: {  	s20 =	simm.s32 $0x2;
	s22 =	simm.s32 $0x480;
	s7 =	sshrl.u32 s4, $0x3  }
0xf: {  	s4 =	sadd.s32 $0xDC00, s0;
	s5 =	sshll.u32 s5, $0x4;
	s23 =	sadd.s32 s11, s2  }
0x10: {  	s26 =	sadd.s32 s9, s2;
	s24 =	smax.u32 s1, $0x1;
	s9 =	sadd.s32 $0x3400, s8  }
0x11: {  	s11 =	simm.s32 $0x4;
	s1 =	simm.s32 $0x680;
	s8 =	simm.s32 $0x0  }
0x12: {  	s7 =	sadd.s32 s7, s0;
	s0 =	sadd.s32 s5, s0;
	s5 =	sadd.s32 s10, s21  }
0x13: {  	s10 =	sor.u32 $0x1C04, s25;
	[dreg:$0x7] =	wrdreg s24;
	s25 =	sshrl.u32 s23, $0x3  }
0x14: {  	s21 =	simm.s32 $0x180;
	s26 =	sshrl.u32 s26, $0x3;
	[dreg:$0x8] =	wrdreg s25  }
0x15: {  	s23 =	simm.s32 $0x3;
	s24 =	simm.s32 $0x200;
	[dreg:$0x9] =	wrdreg s26  }
0x16: {  	s5 =	sshll.u32 s5, $0x4;
	s0 =	sadd.s32 $0x5C000, s0;
	[dreg:$0x5] =	wrdreg s10  }
0x17: {  	s7 =	sadd.s32 $0xAA200, s7;
	s26 =	simm.s32 $0x500;
	[dreg:$0x6] =	wrdreg s0  }
0x18: {  	s5 =	sadd.s32 s4, s5;
	[dreg:$0x3] =	wrdreg s7;
	s0 =	simm.s32 $0x380  }
0x19: {  	s7 =	simm.s32 $0x780;
	[dreg:$0x4] =	wrdreg s5;
	s5 =	simm.s32 $0x700  }
.LBB2_1:
0x1a: {  	[dreg:$0xa] =	wrdreg s8  }
0x1b: {  	s6 =	rddreg [dreg:$0x4]  }
0x1c: {  	s25 =	rddreg [dreg:$0x8]  }
0x1d: {  	[spmem:s25], [sflag:s10] =	dma.local [hbm:s6], $0x2780  }
0x1e: {  	_ =	swait.ge [sflag:s11], $0x2780  }
0x1f: {  	[sflag:s11] =	ssyncset.done $0x0  }
0x20: {  	[sflag:s11] =	ssyncadd.s32 $0xFFFFD880  }
0x21: {  	[bflag:$0x0] =	sbarrier.arrive $0xFFFF  }
0x22: {  	s10 =	rddreg [dreg:$0x3]  }
0x23: {  	s6 =	sadd.s32 $0x0, s10  }
0x24: {  	[tilespmem:s3], [sflag:$0x4] =	stream.linear.gather [hbm4b:s6+s3], $0x400, $0x38;
	[tilespmem:$0x1F4C0] =	vst v63  }
0x25: {  	_ =	swait.ge [sflag:s11], $0x400  }
0x26: {  	[sflag:s11] =	ssyncset.done $0x0  }
0x27: {  	s25 =	sadd.s32 $0x0, s9;
	[sflag:s11] =	ssyncadd.s32 $0xFFFFFC00  }
0x28: {  	[tilespmem:s12], [sflag:$0x4] =	stream.linear.gather [hbm4b:s25+s3], $0x400, $0x38;
	[tilespmem:$0x1F4C0] =	vst v63  }
0x29: {  	_ =	swait.ge [sflag:s11], $0x400  }
0x2a: {  	[sflag:s11] =	ssyncset.done $0x0  }
0x2b: {  	[sflag:s11] =	ssyncadd.s32 $0xFFFFFC00  }
0x2c: {  	[tilespmem:s14], [sflag:$0x1] =	stream.indirect.gather [hbm4b:s4+s13], $0x80, s3, s13, $0xb8;
	[tilespmem:$0x1F4C0] =	vst v63  }
0x2d: {  	_ = 	snop  }
0x2e: {  	[tilespmem:s16], [sflag:$0x2] =	stream.indirect.gather [hbm4b:s4+s13], $0x80, s15, s13, $0xb8;
	[tilespmem:$0x1F4C0] =	vst v63  }
0x2f: {  	_ =	swait.ge [sflag:s17], $0x3C00  }
0x30: {  	[sflag:s17] =	ssyncset.done $0x0  }
0x31: {  	[sflag:s17] =	ssyncadd.s32 $0xFFFFC400  }
0x32: {  	[tilespmem:s19], [sflag:$0x3] =	stream.indirect.gather [hbm4b:s4+s13], $0x80, s18, s13, $0xb8;
	[tilespmem:$0x1F4C0] =	vst v63  }
0x33: {  	_ = 	snop  }
0x34: {  	[spmem:s2] =	stream.indirect.scatter.add.f32 [tilespmem:s14], [sflag:$0x4], $0x80, s12, s13, $0xb8;
	[tilespmem:$0x1F4C0] =	vst v63  }
0x35: {  	_ =	swait.ge [sflag:s11], $0x3C00  }
0x36: {  	[sflag:s11] =	ssyncset.done $0x0  }
0x37: {  	[sflag:s11] =	ssyncadd.s32 $0xFFFFC400  }
0x38: {  	_ =	swait.ge [sflag:s20], $0x3C00  }
0x39: {  	[sflag:s20] =	ssyncset.done $0x0  }
0x3a: {  	[sflag:s20] =	ssyncadd.s32 $0xFFFFC400  }
0x3b: {  	[tilespmem:s14], [sflag:$0x1] =	stream.indirect.gather [hbm4b:s4+s13], $0x80, s21, s13, $0xb8;
	[tilespmem:$0x1F4C0] =	vst v63  }
0x3c: {  	_ = 	snop  }
0x3d: {  	[spmem:s2] =	stream.indirect.scatter.add.f32 [tilespmem:s16], [sflag:$0x4], $0x80, s22, s13, $0xb8;
	[tilespmem:$0x1F4C0] =	vst v63  }
0x3e: {  	_ =	swait.ge [sflag:s11], $0x3C00  }
0x3f: {  	[sflag:s11] =	ssyncset.done $0x0  }
0x40: {  	[sflag:s11] =	ssyncadd.s32 $0xFFFFC400  }
0x41: {  	_ =	swait.ge [sflag:s23], $0x3C00  }
0x42: {  	[sflag:s23] =	ssyncset.done $0x0  }
0x43: {  	[sflag:s23] =	ssyncadd.s32 $0xFFFFC400  }
0x44: {  	[tilespmem:s16], [sflag:$0x2] =	stream.indirect.gather [hbm4b:s4+s13], $0x80, s24, s13, $0xb8;
	[tilespmem:$0x1F4C0] =	vst v63  }
0x45: {  	_ = 	snop  }
0x46: {  	[spmem:s2] =	stream.indirect.scatter.add.f32 [tilespmem:s19], [sflag:$0x4], $0x80, s26, s13, $0xb8;
	[tilespmem:$0x1F4C0] =	vst v63  }
0x47: {  	_ =	swait.ge [sflag:s11], $0x3C00  }
0x48: {  	[sflag:s11] =	ssyncset.done $0x0  }
0x49: {  	[sflag:s11] =	ssyncadd.s32 $0xFFFFC400  }
0x4a: {  	_ =	swait.ge [sflag:s17], $0x3C00  }
0x4b: {  	[sflag:s17] =	ssyncset.done $0x0  }
0x4c: {  	[sflag:s17] =	ssyncadd.s32 $0xFFFFC400  }
0x4d: {  	[tilespmem:s19], [sflag:$0x3] =	stream.indirect.gather [hbm4b:s4+s13], $0x80, s28, s13, $0xb8;
	[tilespmem:$0x1F4C0] =	vst v63  }
0x4e: {  	_ = 	snop  }
0x4f: {  	[spmem:s2] =	stream.indirect.scatter.add.f32 [tilespmem:s14], [sflag:$0x4], $0x80, s29, s13, $0xb8;
	[tilespmem:$0x1F4C0] =	vst v63  }
0x50: {  	_ =	swait.ge [sflag:s11], $0x3C00  }
0x51: {  	[sflag:s11] =	ssyncset.done $0x0  }
0x52: {  	[sflag:s11] =	ssyncadd.s32 $0xFFFFC400  }
0x53: {  	_ =	swait.ge [sflag:s20], $0x3C00  }
0x54: {  	[sflag:s20] =	ssyncset.done $0x0  }
0x55: {  	[sflag:s20] =	ssyncadd.s32 $0xFFFFC400  }
0x56: {  	[tilespmem:s14], [sflag:$0x1] =	stream.indirect.gather [hbm4b:s4+s13], $0x80, s30, s13, $0xb8;
	[tilespmem:$0x1F4C0] =	vst v63  }
0x57: {  	_ = 	snop  }
0x58: {  	[spmem:s2] =	stream.indirect.scatter.add.f32 [tilespmem:s16], [sflag:$0x4], $0x80, s31, s13, $0xb8;
	[tilespmem:$0x1F4C0] =	vst v63  }
0x59: {  	_ =	swait.ge [sflag:s11], $0x3C00  }
0x5a: {  	[sflag:s11] =	ssyncset.done $0x0  }
0x5b: {  	[sflag:s11] =	ssyncadd.s32 $0xFFFFC400  }
0x5c: {  	_ =	swait.ge [sflag:s23], $0x3C00  }
0x5d: {  	[sflag:s23] =	ssyncset.done $0x0  }
0x5e: {  	[sflag:s23] =	ssyncadd.s32 $0xFFFFC400  }
0x5f: {  	[tilespmem:s16], [sflag:$0x2] =	stream.indirect.gather [hbm4b:s4+s13], $0x80, s0, s13, $0xb8;
	[tilespmem:$0x1F4C0] =	vst v63  }
0x60: {  	_ = 	snop  }
0x61: {  	[spmem:s2] =	stream.indirect.scatter.add.f32 [tilespmem:s19], [sflag:$0x4], $0x80, s1, s13, $0xb8;
	[tilespmem:$0x1F4C0] =	vst v63  }
0x62: {  	_ =	swait.ge [sflag:s11], $0x3C00  }
0x63: {  	[sflag:s11] =	ssyncset.done $0x0  }
0x64: {  	[sflag:s11] =	ssyncadd.s32 $0xFFFFC400  }
0x65: {  	_ =	swait.ge [sflag:s17], $0x3C00  }
0x66: {  	[sflag:s17] =	ssyncset.done $0x0  }
0x67: {  	[sflag:s17] =	ssyncadd.s32 $0xFFFFC400  }
0x68: {  	[spmem:s2] =	stream.indirect.scatter.add.f32 [tilespmem:s14], [sflag:$0x4], $0x80, s5, s13, $0xb8;
	[tilespmem:$0x1F4C0] =	vst v63  }
0x69: {  	_ =	swait.ge [sflag:s11], $0x3C00  }
0x6a: {  	[sflag:s11] =	ssyncset.done $0x0  }
0x6b: {  	[sflag:s11] =	ssyncadd.s32 $0xFFFFC400  }
0x6c: {  	_ =	swait.ge [sflag:s20], $0x3C00  }
0x6d: {  	[sflag:s20] =	ssyncset.done $0x0  }
0x6e: {  	[sflag:s20] =	ssyncadd.s32 $0xFFFFC400  }
0x6f: {  	[spmem:s2] =	stream.indirect.scatter.add.f32 [tilespmem:s16], [sflag:$0x4], $0x80, s7, s13, $0xb8;
	[tilespmem:$0x1F4C0] =	vst v63  }
0x70: {  	s10 =	simm.s32 $0x80;
	_ =	swait.ge [sflag:s11], $0x3C00  }
0x71: {  	s25 =	simm.s32 $0x100;
	s6 =	rddreg [dreg:$0x3];
	[sflag:s11] =	ssyncset.done $0x0  }
.LBB2_2:
0x72: {  	[sflag:s11] =	ssyncadd.s32 $0xFFFFC400;
	s6 =	sadd.s32 s10, s6  }
0x73: {  	[tilespmem:s3], [sflag:$0x4] =	stream.linear.gather [hbm4b:s6+s3], $0x400, $0x38;
	[tilespmem:$0x1F4C0] =	vst v63  }
0x74: {  	_ =	swait.ge [sflag:s11], $0x400  }
0x75: {  	[sflag:s11] =	ssyncset.done $0x0  }
0x76: {  	s6 =	sadd.s32 s10, s9;
	[sflag:s11] =	ssyncadd.s32 $0xFFFFFC00  }
0x77: {  	[tilespmem:s12], [sflag:$0x4] =	stream.linear.gather [hbm4b:s6+s3], $0x400, $0x38;
	[tilespmem:$0x1F4C0] =	vst v63  }
0x78: {  	_ =	swait.ge [sflag:s11], $0x400  }
0x79: {  	[sflag:s11] =	ssyncset.done $0x0  }
0x7a: {  	[sflag:s11] =	ssyncadd.s32 $0xFFFFFC00  }
0x7b: {  	[tilespmem:s14], [sflag:$0x1] =	stream.indirect.gather [hbm4b:s4+s13], $0x80, s3, s13, $0xb8;
	[tilespmem:$0x1F4C0] =	vst v63  }
0x7c: {  	_ = 	snop  }
0x7d: {  	[tilespmem:s16], [sflag:$0x2] =	stream.indirect.gather [hbm4b:s4+s13], $0x80, s15, s13, $0xb8;
	[tilespmem:$0x1F4C0] =	vst v63  }
0x7e: {  	_ =	swait.ge [sflag:s17], $0x3C00  }
0x7f: {  	[sflag:s17] =	ssyncset.done $0x0  }
0x80: {  	[sflag:s17] =	ssyncadd.s32 $0xFFFFC400  }
0x81: {  	[tilespmem:s19], [sflag:$0x3] =	stream.indirect.gather [hbm4b:s4+s13], $0x80, s18, s13, $0xb8;
	[tilespmem:$0x1F4C0] =	vst v63  }
0x82: {  	_ = 	snop  }
0x83: {  	[spmem:s2] =	stream.indirect.scatter.add.f32 [tilespmem:s14], [sflag:$0x4], $0x80, s12, s13, $0xb8;
	[tilespmem:$0x1F4C0] =	vst v63  }
0x84: {  	_ =	swait.ge [sflag:s11], $0x3C00  }
0x85: {  	[sflag:s11] =	ssyncset.done $0x0  }
0x86: {  	[sflag:s11] =	ssyncadd.s32 $0xFFFFC400  }
0x87: {  	_ =	swait.ge [sflag:s20], $0x3C00  }
0x88: {  	[sflag:s20] =	ssyncset.done $0x0  }
0x89: {  	[sflag:s20] =	ssyncadd.s32 $0xFFFFC400  }
0x8a: {  	[tilespmem:s14], [sflag:$0x1] =	stream.indirect.gather [hbm4b:s4+s13], $0x80, s21, s13, $0xb8;
	[tilespmem:$0x1F4C0] =	vst v63  }
0x8b: {  	_ = 	snop  }
0x8c: {  	[spmem:s2] =	stream.indirect.scatter.add.f32 [tilespmem:s16], [sflag:$0x4], $0x80, s22, s13, $0xb8;
	[tilespmem:$0x1F4C0] =	vst v63  }
0x8d: {  	_ =	swait.ge [sflag:s11], $0x3C00  }
0x8e: {  	[sflag:s11] =	ssyncset.done $0x0  }
0x8f: {  	[sflag:s11] =	ssyncadd.s32 $0xFFFFC400  }
0x90: {  	_ =	swait.ge [sflag:s23], $0x3C00  }
0x91: {  	[sflag:s23] =	ssyncset.done $0x0  }
0x92: {  	[sflag:s23] =	ssyncadd.s32 $0xFFFFC400  }
0x93: {  	[tilespmem:s16], [sflag:$0x2] =	stream.indirect.gather [hbm4b:s4+s13], $0x80, s24, s13, $0xb8;
	[tilespmem:$0x1F4C0] =	vst v63  }
0x94: {  	_ = 	snop  }
0x95: {  	[spmem:s2] =	stream.indirect.scatter.add.f32 [tilespmem:s19], [sflag:$0x4], $0x80, s26, s13, $0xb8;
	[tilespmem:$0x1F4C0] =	vst v63  }
0x96: {  	_ =	swait.ge [sflag:s11], $0x3C00  }
0x97: {  	[sflag:s11] =	ssyncset.done $0x0  }
0x98: {  	[sflag:s11] =	ssyncadd.s32 $0xFFFFC400  }
0x99: {  	_ =	swait.ge [sflag:s17], $0x3C00  }
0x9a: {  	[sflag:s17] =	ssyncset.done $0x0  }
0x9b: {  	[sflag:s17] =	ssyncadd.s32 $0xFFFFC400  }
0x9c: {  	[tilespmem:s19], [sflag:$0x3] =	stream.indirect.gather [hbm4b:s4+s13], $0x80, s28, s13, $0xb8;
	[tilespmem:$0x1F4C0] =	vst v63  }
0x9d: {  	_ = 	snop  }
0x9e: {  	[spmem:s2] =	stream.indirect.scatter.add.f32 [tilespmem:s14], [sflag:$0x4], $0x80, s29, s13, $0xb8;
	[tilespmem:$0x1F4C0] =	vst v63  }
0x9f: {  	_ =	swait.ge [sflag:s11], $0x3C00  }
0xa0: {  	[sflag:s11] =	ssyncset.done $0x0  }
0xa1: {  	[sflag:s11] =	ssyncadd.s32 $0xFFFFC400  }
0xa2: {  	_ =	swait.ge [sflag:s20], $0x3C00  }
0xa3: {  	[sflag:s20] =	ssyncset.done $0x0  }
0xa4: {  	[sflag:s20] =	ssyncadd.s32 $0xFFFFC400  }
0xa5: {  	[tilespmem:s14], [sflag:$0x1] =	stream.indirect.gather [hbm4b:s4+s13], $0x80, s30, s13, $0xb8;
	[tilespmem:$0x1F4C0] =	vst v63  }
0xa6: {  	_ = 	snop  }
0xa7: {  	[spmem:s2] =	stream.indirect.scatter.add.f32 [tilespmem:s16], [sflag:$0x4], $0x80, s31, s13, $0xb8;
	[tilespmem:$0x1F4C0] =	vst v63  }
0xa8: {  	_ =	swait.ge [sflag:s11], $0x3C00  }
0xa9: {  	[sflag:s11] =	ssyncset.done $0x0  }
0xaa: {  	[sflag:s11] =	ssyncadd.s32 $0xFFFFC400  }
0xab: {  	_ =	swait.ge [sflag:s23], $0x3C00  }
0xac: {  	[sflag:s23] =	ssyncset.done $0x0  }
0xad: {  	[sflag:s23] =	ssyncadd.s32 $0xFFFFC400  }
0xae: {  	[tilespmem:s16], [sflag:$0x2] =	stream.indirect.gather [hbm4b:s4+s13], $0x80, s0, s13, $0xb8;
	[tilespmem:$0x1F4C0] =	vst v63  }
0xaf: {  	_ = 	snop  }
0xb0: {  	[spmem:s2] =	stream.indirect.scatter.add.f32 [tilespmem:s19], [sflag:$0x4], $0x80, s1, s13, $0xb8;
	[tilespmem:$0x1F4C0] =	vst v63  }
0xb1: {  	_ =	swait.ge [sflag:s11], $0x3C00  }
0xb2: {  	[sflag:s11] =	ssyncset.done $0x0  }
0xb3: {  	[sflag:s11] =	ssyncadd.s32 $0xFFFFC400  }
0xb4: {  	_ =	swait.ge [sflag:s17], $0x3C00  }
0xb5: {  	[sflag:s17] =	ssyncset.done $0x0  }
0xb6: {  	[sflag:s17] =	ssyncadd.s32 $0xFFFFC400  }
0xb7: {  	[spmem:s2] =	stream.indirect.scatter.add.f32 [tilespmem:s14], [sflag:$0x4], $0x80, s5, s13, $0xb8;
	[tilespmem:$0x1F4C0] =	vst v63  }
0xb8: {  	_ =	swait.ge [sflag:s11], $0x3C00  }
0xb9: {  	[sflag:s11] =	ssyncset.done $0x0  }
0xba: {  	[sflag:s11] =	ssyncadd.s32 $0xFFFFC400  }
0xbb: {  	p0 =	sne.s32 s25, $0xA00;
	_ =	swait.ge [sflag:s20], $0x3C00  }
.Ltmp0:
0xbc: {  	[sflag:s20] =	ssyncset.done $0x0;
	(pc) =	sbr.rel @p0 .LBB2_2-.Ltmp0, $4  }
0xbd: {  	[sflag:s20] =	ssyncadd.s32 $0xFFFFC400  }
0xbe: {  	[spmem:s2] =	stream.indirect.scatter.add.f32 [tilespmem:s16], [sflag:$0x4], $0x80, s7, s13, $0xb8;
	[tilespmem:$0x1F4C0] =	vst v63  }
0xbf: {  	s8 =	smov.u32 s25;
	s25 =	sadd.s32 $0x80, s25;
	_ =	swait.ge [sflag:s11], $0x3C00  }
0xc0: {  	s10 =	smov.u32 s8;
	s6 =	rddreg [dreg:$0x3];
	[sflag:s11] =	ssyncset.done $0x0  }
0xc1: {  	[sflag:s11] =	ssyncadd.s32 $0xFFFFC400;
	s6 =	sadd.s32 s10, s6  }
0xc2: {  	[tilespmem:s3], [sflag:$0x4] =	stream.linear.gather [hbm4b:s6+s3], $0x400, $0x38;
	[tilespmem:$0x1F4C0] =	vst v63  }
0xc3: {  	_ =	swait.ge [sflag:s11], $0x400  }
0xc4: {  	[sflag:s11] =	ssyncset.done $0x0  }
0xc5: {  	s10 =	sadd.s32 s10, s9;
	[sflag:s11] =	ssyncadd.s32 $0xFFFFFC00  }
0xc6: {  	[tilespmem:s12], [sflag:$0x4] =	stream.linear.gather [hbm4b:s10+s3], $0x400, $0x38;
	[tilespmem:$0x1F4C0] =	vst v63  }
0xc7: {  	_ =	swait.ge [sflag:s11], $0x400  }
0xc8: {  	[sflag:s11] =	ssyncset.done $0x0  }
0xc9: {  	[sflag:s11] =	ssyncadd.s32 $0xFFFFFC00  }
0xca: {  	[tilespmem:s14], [sflag:$0x1] =	stream.indirect.gather [hbm4b:s4+s13], $0x80, s3, s13, $0xb8;
	[tilespmem:$0x1F4C0] =	vst v63  }
0xcb: {  	_ = 	snop  }
0xcc: {  	[tilespmem:s16], [sflag:$0x2] =	stream.indirect.gather [hbm4b:s4+s13], $0x80, s15, s13, $0xb8;
	[tilespmem:$0x1F4C0] =	vst v63  }
0xcd: {  	_ =	swait.ge [sflag:s17], $0x3C00  }
0xce: {  	[sflag:s17] =	ssyncset.done $0x0  }
0xcf: {  	[sflag:s17] =	ssyncadd.s32 $0xFFFFC400  }
0xd0: {  	[tilespmem:s19], [sflag:$0x3] =	stream.indirect.gather [hbm4b:s4+s13], $0x80, s18, s13, $0xb8;
	[tilespmem:$0x1F4C0] =	vst v63  }
0xd1: {  	_ = 	snop  }
0xd2: {  	[spmem:s2] =	stream.indirect.scatter.add.f32 [tilespmem:s14], [sflag:$0x4], $0x80, s12, s13, $0xb8;
	[tilespmem:$0x1F4C0] =	vst v63  }
0xd3: {  	_ =	swait.ge [sflag:s11], $0x3C00  }
0xd4: {  	[sflag:s11] =	ssyncset.done $0x0  }
0xd5: {  	[sflag:s11] =	ssyncadd.s32 $0xFFFFC400  }
0xd6: {  	_ =	swait.ge [sflag:s20], $0x3C00  }
0xd7: {  	[sflag:s20] =	ssyncset.done $0x0  }
0xd8: {  	[sflag:s20] =	ssyncadd.s32 $0xFFFFC400  }
0xd9: {  	[tilespmem:s14], [sflag:$0x1] =	stream.indirect.gather [hbm4b:s4+s13], $0x80, s21, s13, $0xb8;
	[tilespmem:$0x1F4C0] =	vst v63  }
0xda: {  	_ = 	snop  }
0xdb: {  	[spmem:s2] =	stream.indirect.scatter.add.f32 [tilespmem:s16], [sflag:$0x4], $0x80, s22, s13, $0xb8;
	[tilespmem:$0x1F4C0] =	vst v63  }
0xdc: {  	_ =	swait.ge [sflag:s11], $0x3C00  }
0xdd: {  	[sflag:s11] =	ssyncset.done $0x0  }
0xde: {  	[sflag:s11] =	ssyncadd.s32 $0xFFFFC400  }
0xdf: {  	_ =	swait.ge [sflag:s23], $0x3C00  }
0xe0: {  	[sflag:s23] =	ssyncset.done $0x0  }
0xe1: {  	[sflag:s23] =	ssyncadd.s32 $0xFFFFC400  }
0xe2: {  	[tilespmem:s16], [sflag:$0x2] =	stream.indirect.gather [hbm4b:s4+s13], $0x80, s24, s13, $0xb8;
	[tilespmem:$0x1F4C0] =	vst v63  }
0xe3: {  	_ = 	snop  }
0xe4: {  	[spmem:s2] =	stream.indirect.scatter.add.f32 [tilespmem:s19], [sflag:$0x4], $0x80, s26, s13, $0xb8;
	[tilespmem:$0x1F4C0] =	vst v63  }
0xe5: {  	_ =	swait.ge [sflag:s11], $0x3C00  }
0xe6: {  	[sflag:s11] =	ssyncset.done $0x0  }
0xe7: {  	[sflag:s11] =	ssyncadd.s32 $0xFFFFC400  }
0xe8: {  	_ =	swait.ge [sflag:s17], $0x3C00  }
0xe9: {  	[sflag:s17] =	ssyncset.done $0x0  }
0xea: {  	[sflag:s17] =	ssyncadd.s32 $0xFFFFC400  }
0xeb: {  	[tilespmem:s19], [sflag:$0x3] =	stream.indirect.gather [hbm4b:s4+s13], $0x80, s28, s13, $0xb8;
	[tilespmem:$0x1F4C0] =	vst v63  }
0xec: {  	_ = 	snop  }
0xed: {  	[spmem:s2] =	stream.indirect.scatter.add.f32 [tilespmem:s14], [sflag:$0x4], $0x80, s29, s13, $0xb8;
	[tilespmem:$0x1F4C0] =	vst v63  }
0xee: {  	_ =	swait.ge [sflag:s11], $0x3C00  }
0xef: {  	[sflag:s11] =	ssyncset.done $0x0  }
0xf0: {  	[sflag:s11] =	ssyncadd.s32 $0xFFFFC400  }
0xf1: {  	_ =	swait.ge [sflag:s20], $0x3C00  }
0xf2: {  	[sflag:s20] =	ssyncset.done $0x0  }
0xf3: {  	[sflag:s20] =	ssyncadd.s32 $0xFFFFC400  }
0xf4: {  	[tilespmem:s14], [sflag:$0x1] =	stream.indirect.gather [hbm4b:s4+s13], $0x80, s30, s13, $0xb8;
	[tilespmem:$0x1F4C0] =	vst v63  }
0xf5: {  	_ = 	snop  }
0xf6: {  	[spmem:s2] =	stream.indirect.scatter.add.f32 [tilespmem:s16], [sflag:$0x4], $0x80, s31, s13, $0xb8;
	[tilespmem:$0x1F4C0] =	vst v63  }
0xf7: {  	_ =	swait.ge [sflag:s11], $0x3C00  }
0xf8: {  	[sflag:s11] =	ssyncset.done $0x0  }
0xf9: {  	[sflag:s11] =	ssyncadd.s32 $0xFFFFC400  }
0xfa: {  	_ =	swait.ge [sflag:s23], $0x3C00  }
0xfb: {  	[sflag:s23] =	ssyncset.done $0x0  }
0xfc: {  	[sflag:s23] =	ssyncadd.s32 $0xFFFFC400  }
0xfd: {  	[tilespmem:s16], [sflag:$0x2] =	stream.indirect.gather [hbm4b:s4+s13], $0x80, s0, s13, $0xb8;
	[tilespmem:$0x1F4C0] =	vst v63  }
0xfe: {  	_ = 	snop  }
0xff: {  	[spmem:s2] =	stream.indirect.scatter.add.f32 [tilespmem:s19], [sflag:$0x4], $0x80, s1, s13, $0xb8;
	[tilespmem:$0x1F4C0] =	vst v63  }
0x100: {  	_ =	swait.ge [sflag:s11], $0x3C00  }
0x101: {  	[sflag:s11] =	ssyncset.done $0x0  }
0x102: {  	[sflag:s11] =	ssyncadd.s32 $0xFFFFC400  }
0x103: {  	_ =	swait.ge [sflag:s17], $0x3C00  }
0x104: {  	[sflag:s17] =	ssyncset.done $0x0  }
0x105: {  	[sflag:s17] =	ssyncadd.s32 $0xFFFFC400  }
0x106: {  	[spmem:s2] =	stream.indirect.scatter.add.f32 [tilespmem:s14], [sflag:$0x4], $0x80, s5, s13, $0xb8;
	[tilespmem:$0x1F4C0] =	vst v63  }
0x107: {  	_ =	swait.ge [sflag:s11], $0x3C00  }
0x108: {  	[sflag:s11] =	ssyncset.done $0x0  }
0x109: {  	[sflag:s11] =	ssyncadd.s32 $0xFFFFC400  }
0x10a: {  	_ =	swait.ge [sflag:s20], $0x3C00  }
0x10b: {  	[sflag:s20] =	ssyncset.done $0x0  }
0x10c: {  	[sflag:s20] =	ssyncadd.s32 $0xFFFFC400  }
0x10d: {  	[spmem:s2] =	stream.indirect.scatter.add.f32 [tilespmem:s16], [sflag:$0x4], $0x80, s7, s13, $0xb8;
	[tilespmem:$0x1F4C0] =	vst v63  }
0x10e: {  	_ =	swait.ge [sflag:s11], $0x3C00  }
0x10f: {  	[sflag:s11] =	ssyncset.done $0x0  }
0x110: {  	[sflag:s11] =	ssyncadd.s32 $0xFFFFC400  }
0x111: {  	[bflag:$0x0] =	sbarrier.arrive $0xFFFF  }
0x112: {  	s10 =	rddreg [dreg:$0x5]  }
0x113: {  	s25 =	rddreg [dreg:$0x6]  }
0x114: {  	s8 =	rddreg [dreg:$0x9]  }
0x115: {  	[hbm:s25], [sflag:s10] =	dma.local [spmem:s8], $0x2780  }
0x116: {  	_ =	swait.ge [sflag:s11], $0x2780  }
0x117: {  	s6 =	rddreg [dreg:$0xa]  }
0x118: {  	s25 =	rddreg [dreg:$0x7];
	s8 =	sadd.s32 $0x1, s6  }
0x119: {  	p0 =	sne.s32 s8, s25  }
.Ltmp1:
0x11a: {  	_ = 	snop;
	(pc) =	sbr.rel @p0 .LBB2_1-.Ltmp1, $3  }
0x11b: {  	_ =	sdelay $0x1  }
0x11c: {  	[sflag:s11] =	ssyncset.done $0x0  }
0x11d: {  	[sflag:s11] =	ssyncadd.s32 $0xFFFFD880  }
0x11e: {  	_ =	sfence.sel $0x180000  }
0x11f: {  	[bflag:$0x0] =	sbarrier.arrive $0xFFFF  }
0x120: {  	_ =	strace $0x9000004A  }
0x121: {  	s0 =	stileid.u32;
	[bflag:$0x2] =	sbarrier.arrive $0xFFFF  }
0x122: {  	p0 =	sne.s32 s0, $0x0;
	s0 =	rddreg [dreg:$0x2]  }
0x123: {  	s0 =	sadd.s32 @!p0 $0x100000, s0  }
0x124: {  	[sflag:s0] =	ssyncadd.tile.s32 @!p0 $0x1;
	_ =	shalt  }
.Lfunc_end2:
_tile_overlayer_lowered:
.L_overlay_start_2:
0x125: {  	(tag) =	ssettag $0x2  }
0x126: {  	s0 =	rddreg [dreg:$0x0];
	s2 =	stileid.u32  }
0x127: {  	s1 =	rddreg [dreg:$0x1];
	p0 =	sne.s32 s2, $0x0  }
0x128: {  	s3 =	rddreg [dreg:$0x2];
	[bflag:$0x3] =	sbarrier.arrive $0xFFFF;
	s2 =	simm.s32 @!p0 $0x1C04  }
0x129: {  	[timem:s3], [sflag:s2] =	dma.local @!p0 [hbm:s0], s1  }
0x12a: {  	s0 =	simm.s32 @!p0 $0x4  }
0x12b: {  	_ =	swait.ge @!p0 [sflag:s0], s1  }
0x12c: {  	s1 =	ssub.s32 @!p0 $0x0, s1;
	[sflag:s0] =	ssyncset.done @!p0 $0x0  }
0x12d: {  	[sflag:s0] =	ssyncadd.s32 @!p0 s1  }
0x12e: {  	[bflag:$0x3] =	sbarrier.arrive $0xFFFF  }
0x12f: {  	_ =	shalt  }

// kernel: kernel.16.cloned.1.call-start
scs
__scs_entry_jumppad:
0x0: {  	(pc) =	sbr.rel $0x88, $3  }
0x1: {  	(tag) =	ssettag $0x0;
	lr =	simm.s32 $0x1  }
0x2: {  	[smem:$0x3F91] =	sst lr;
	_ =	strace $0xD0000000  }
0x3: {  	_ = 	snop  }
0x4: {  	_ = 	snop  }
0x5: {  	_ = 	snop  }
0x6: {  	_ = 	snop  }
0x7: {  	_ = 	snop  }
__scs_overlays_trampoline_lowered:
0x8: {  	[smem:$0x3FA0] =	sst s0  }
0x9: {  	[smem:$0x3FA1] =	sst s1  }
0xa: {  	[smem:$0x3FA2] =	sst s2  }
0xb: {  	[smem:$0x3FA3] =	sst s3  }
0xc: {  	[smem:$0x3FA4] =	sst s4  }
0xd: {  	[smem:$0x3FA5] =	sst s5  }
0xe: {  	[smem:$0x3FA6] =	sst s6  }
0xf: {  	[smem:$0x3FA7] =	sst s7  }
0x10: {  	[smem:$0x3FA8] =	sst s8  }
0x11: {  	[smem:$0x3FA9] =	sst s9;
	s0 =	simm.s32 @!p0 $0x0  }
0x12: {  	s1 =	sld [smem:$0x3F8F];
	s0 =	simm.s32 @p0 $0x1  }
0x13: {  	[smem:$0x3FAA] =	sst s0;
	s0 =	simm.s32 @!p1 $0x0  }
0x14: {  	s2 =	sld [smem:$0x3F8E];
	s0 =	simm.s32 @p1 $0x1  }
0x15: {  	[smem:$0x3FAB] =	sst s0;
	s0 =	simm.s32 @!p2 $0x0  }
0x16: {  	s3 =	sld [smem:$0x3FDB];
	s0 =	simm.s32 @p2 $0x1  }
0x17: {  	s4 =	simm.s32 $0x1BF5;
	[smem:$0x3FAD] =	sst s0  }
0x18: {  	s0 =	sld [smem:$0x3F90];
	_ =	swait.ge [sflag:s4], $0x0  }
0x19: {  	s7 =	sld [smem:$0x3F91]  }
0x1a: {  	s8 =	sadd.s32 $0xFFFFE003, lr  }
0x1b: {  	s9 =	sadd.s32 $0xFFFFFEF7, lr;
	s5 =	simm.s32 $0xFFFFFFFF;
	p2 =	slt.u32 s8, $0xFFFFF086  }
0x1c: {  	p1 =	slt.u32 s9, $0xF7A;
	s5 =	simm.s32 @!p2 $0x0  }
0x1d: {  	s5 =	simm.s32 @p1 $0x1;
	p0 =	seq.s32 s7, s2  }
0x1e: {  	s7 =	smul.u32 @!p0 $0xF7A, s2;
	p2 =	seq.s32 @!p0 s5, $0x0  }
0x1f: {  	s9 =	smul.u32 $0xF7A, s1;
	s8 =	simm.s32 @!p0 $0x1BF5;
	p2 =	por !p2, p0  }
0x20: {  	[sflag:s8] =	ssyncset.s32 @!p0 $0xFFFFF086;
	s6 =	sadd.s32 @!p0 s3, s7;
	s7 =	simm.s32 @!p0 $0x108  }
0x21: {  	s3 =	sadd.s32 s3, s9;
	s6 =	sadd.s32 @!p0 $0x88, s6;
	s7 =	simm.s32 @p2 $0x1082  }
0x22: {  	[simem:s7], [sflag:s8] =	dma.local @!p0 [hbm:s6], $0xF7A  }
0x23: {  	s9 =	sor.u32 $0xD0000000, s2;
	s6 =	simm.s32 $0x108;
	_ =	swait.ge @!p0 [sflag:s8], $0x0  }
0x24: {  	s3 =	sadd.s32 $0x88, s3;
	s6 =	simm.s32 @!p1 $0x1082;
	[sflag:s4] =	ssyncset.s32 $0xFFFFF086  }
0x25: {  	[simem:s6], [sflag:s4] =	dma.local [hbm:s3], $0xF7A  }
0x26: {  	[smem:$0x3F91] =	sst s1;
	(tag) =	ssettag s2;
	_ =	strace s9  }
0x27: {  	s1 =	sld [smem:$0x3FA1]  }
0x28: {  	s2 =	sld [smem:$0x3FA2]  }
0x29: {  	s4 =	sld [smem:$0x3FA4]  }
0x2a: {  	p0 =	seq.s32 s5, $0x0;
	s5 =	sld [smem:$0x3FA5]  }
0x2b: {  	s6 =	sld [smem:$0x3FA6]  }
0x2c: {  	s7 =	sld [smem:$0x3FA7]  }
0x2d: {  	s3 =	simm.s32 $0x108;
	s8 =	sld [smem:$0x3FA8]  }
0x2e: {  	s3 =	simm.s32 @!p0 $0x1082;
	s9 =	sld [smem:$0x3FA9]  }
0x2f: {  	lr =	sadd.s32 s0, s3;
	s0 =	sld [smem:$0x3FA0]  }
0x30: {  	s3 =	sld [smem:$0x3FA3]  }
0x31: {  	[smem:$0x3FAC] =	sst s10  }
0x32: {  	s10 =	sld [smem:$0x3FAA];
	_ =	sdelay $0x3  }
0x33: {  	p0 =	seq.s32 s10, $0x1;
	s10 =	sld [smem:$0x3FAC];
	_ =	sdelay $0x3  }
0x34: {  	[smem:$0x3FAC] =	sst s10  }
0x35: {  	s10 =	sld [smem:$0x3FAB];
	_ =	sdelay $0x3  }
0x36: {  	p1 =	seq.s32 s10, $0x1;
	s10 =	sld [smem:$0x3FAC];
	_ =	sdelay $0x3  }
0x37: {  	[smem:$0x3FAC] =	sst s10  }
0x38: {  	s10 =	sld [smem:$0x3FAD]  }
0x39: {  	_ = 	snop;
	(pc) =	sbr.ind lr, $3  }
0x3a: {  	_ = 	snop  }
0x3b: {  	_ = 	snop  }
0x3c: {  	p2 =	seq.s32 s10, $0x1;
	s10 =	sld [smem:$0x3FAC]  }
0x3d: {  	_ =	shalt  }
0x3e: {  	_ =	shalt  }
0x3f: {  	_ =	shalt  }
0x40: {  	_ =	shalt  }
0x41: {  	_ =	shalt  }
0x42: {  	_ =	shalt  }
0x43: {  	_ =	shalt  }
0x44: {  	_ =	shalt  }
0x45: {  	_ =	shalt  }
0x46: {  	_ =	shalt  }
0x47: {  	_ =	shalt  }
0x48: {  	_ =	shalt  }
0x49: {  	_ =	shalt  }
0x4a: {  	_ =	shalt  }
0x4b: {  	_ =	shalt  }
0x4c: {  	_ =	shalt  }
0x4d: {  	_ =	shalt  }
0x4e: {  	_ =	shalt  }
0x4f: {  	_ =	shalt  }
0x50: {  	_ =	shalt  }
0x51: {  	_ =	shalt  }
0x52: {  	_ =	shalt  }
0x53: {  	_ =	shalt  }
0x54: {  	_ =	shalt  }
0x55: {  	_ =	shalt  }
0x56: {  	_ =	shalt  }
0x57: {  	_ =	shalt  }
0x58: {  	_ =	shalt  }
0x59: {  	_ =	shalt  }
0x5a: {  	_ =	shalt  }
0x5b: {  	_ =	shalt  }
0x5c: {  	_ =	shalt  }
0x5d: {  	_ =	shalt  }
0x5e: {  	_ =	shalt  }
0x5f: {  	_ =	shalt  }
0x60: {  	_ =	shalt  }
0x61: {  	_ =	shalt  }
0x62: {  	_ =	shalt  }
0x63: {  	_ =	shalt  }
0x64: {  	_ =	shalt  }
0x65: {  	_ =	shalt  }
0x66: {  	_ =	shalt  }
0x67: {  	_ =	shalt  }
0x68: {  	_ =	shalt  }
0x69: {  	_ =	shalt  }
0x6a: {  	_ =	shalt  }
0x6b: {  	_ =	shalt  }
0x6c: {  	_ =	shalt  }
0x6d: {  	_ =	shalt  }
0x6e: {  	_ =	shalt  }
0x6f: {  	_ =	shalt  }
0x70: {  	_ =	shalt  }
0x71: {  	_ =	shalt  }
0x72: {  	_ =	shalt  }
0x73: {  	_ =	shalt  }
0x74: {  	_ =	shalt  }
0x75: {  	_ =	shalt  }
0x76: {  	_ =	shalt  }
0x77: {  	_ =	shalt  }
0x78: {  	_ =	shalt  }
0x79: {  	_ =	shalt  }
0x7a: {  	_ =	shalt  }
0x7b: {  	_ =	shalt  }
0x7c: {  	_ =	shalt  }
0x7d: {  	_ =	shalt  }
0x7e: {  	_ =	shalt  }
0x7f: {  	_ =	shalt  }
0x80: {  	_ =	shalt  }
0x81: {  	_ =	shalt  }
0x82: {  	_ =	shalt  }
0x83: {  	_ =	shalt  }
0x84: {  	_ =	shalt  }
0x85: {  	_ =	shalt  }
0x86: {  	_ =	shalt  }
0x87: {  	_ =	shalt  }
.Lfunc_end0:
.L_simem_size_0:
called_computation.2_lowered:
.L_overlay_start_0:
0x88: {  	s2 =	sld [smem:$0x3FD9]  }
0x89: {  	s3 =	sld [smem:$0x3FFE];
	_ =	sdelay $0x1  }
0x8a: {  	s1 =	srdreg.scid  }
0x8b: {  	s0 =	sand.u32 $0x1, s1  }
0x8c: {  	s16 =	sshll.u32 s0, $0xA;
	s2 =	sadd.s32 s3, s2  }
0x8d: {  	s2 =	sadd.s32 s2, s16  }
0x8e: {  	[smem:$0x3FB8] =	sst s2  }
0x8f: {  	_ = 	snop  }
0x90: {  	(tm) =	ssettm $0x1  }
0x91: {  	s17 =	sld [smem:$0x3FFB];
	_ =	sdelay $0x3  }
0x92: {  	_ =	strace s17  }
0x93: {  	s2 =	sld [smem:$0x3FFC];
	_ =	sdelay $0x3  }
0x94: {  	_ =	strace s2  }
0x95: {  	s2 =	sld [smem:$0x3FFD];
	_ =	sdelay $0x3  }
0x96: {  	_ =	strace s2  }
0x97: {  	_ =	strace $0x8FFFFFFF  }
0x98: {  	s18 =	sld [smem:$0x3FDB];
	_ =	sdelay $0x1  }
0x99: {  	s19 =	simm.s32 $_scs_section_size  }
0x9a: {  	s4 =	simm.s32 $_size__tile_overlayer_lowered;
	s5 =	simm.s32 $_tile_overlayer_lowered  }
0x9b: {  	s22 =	simm.s32 $0x1BFF;
	s21 =	sshll.u32 s5, $0x1;
	s2 =	sadd.s32 s19, s18  }
0x9c: {  	s6 =	simm.s32 $0x0;
	s20 =	sshll.u32 s4, $0x1;
	s4 =	sadd.s32 s21, s2  }
0x9d: {  	[timem:s6], [sflag:s22] =	dma.local [hbm:s4], s20  }
0x9e: {  	_ =	swait.ge [sflag:s22], s20  }
0x9f: {  	s3 =	ssub.s32 $0x0, s20;
	[sflag:s22] =	ssyncset.done $0x0  }
0xa0: {  	[sflag:s22] =	ssyncadd.s32 s3;
	_ =	sdelay $0x1  }
0xa1: {  	s23 =	simm.s32 $0x1B8B  }
0xa2: {  	_ =	swait.ge [sflag:s23], $0x1  }
0xa3: {  	[sflag:s23] =	ssyncset.done $0x0  }
0xa4: {  	s25 =	simm.s32 $0x1B8E;
	s24 =	sld [smem:$0x3FFE];
	[sflag:s23] =	ssyncadd.s32 $0xFFFFFFFF  }
0xa5: {  	s26 =	simm.s32 $execute0_lowered;
	[smem:$0x3FD2] =	sst s25  }
0xa6: {  	s4 =	sshll.u32 s26, $0x1;
	_ =	strace $0x8000004C;
	[dreg:$0x1] =	wrdreg $0xFFFFFFFF  }
0xa7: {  	s28 =	simm.s32 $_size_execute0_lowered;
	s2 =	sadd.s32 s2, s4;
	[dreg:$0x0] =	wrdreg $0x0  }
0xa8: {  	s4 =	sshll.u32 s28, $0x1;
	[dreg:$0x2] =	wrdreg s2  }
0xa9: {  	[dreg:$0x3] =	wrdreg s4  }
0xaa: {  	[dreg:$0x4] =	wrdreg $0xC0  }
0xab: {  	_ =	task [dreg:s6], $0x5FFFF  }
0xac: {  	[dreg:$0x1] =	wrdreg $0xFFFFFFFF  }
0xad: {  	[dreg:$0x0] =	wrdreg $0x60  }
0xae: {  	[dreg:$0x2] =	wrdreg s24  }
0xaf: {  	[dreg:$0x3] =	wrdreg $0xBC000  }
0xb0: {  	[dreg:$0x4] =	wrdreg $0x9  }
0xb1: {  	_ =	task.clear_ibuf [dreg:s6], $0x5FFFF;
	_ =	strace $0x9000004C  }
0xb2: {  	s29 =	simm.s32 $0x9;
	_ =	strace $0x8000004E  }
0xb3: {  	_ =	swait.ge [sflag:s29], $0x1  }
0xb4: {  	[sflag:s29] =	ssyncadd.s32 $0xFFFFFFFF  }
0xb5: {  	_ =	strace $0x9000004E  }
0xb6: {  	_ =	sfence  }
0xb7: {  	s30 =	sld [smem:$0x0];
	_ =	sdelay $0x2  }
0xb8: {  	s31 =	sshll.u32 s1, $0xD;
	s1 =	sshrl.u32 s1, $0x2  }
0xb9: {  	s3 =	sand.u32 $0x4000, s31;
	s1 =	sadd.s32 s1, s30  }
0xba: {  	s0 =	sor.u32 s3, s0;
	s1 =	sshll.u32 s1, $0x11  }
0xbb: {  	s0 =	sor.u32 s1, s0  }
0xbc: {  	s0 =	sadd.s32 $0x8F2B, s0  }
0xbd: {  	[sflag:s0] =	ssyncadd.remote.s32 $0x1  }
0xbe: {  	_ =	sfence.sel $0xFFFF  }
0xbf: {  	[dreg:$0x0] =	wrdreg $0xFFFFFFFF;
	(pc) =	sbr.abs _section_cstart, $3  }
0xc0: {  	[dreg:$0x1] =	wrdreg $0xFFFFFFFF  }
0xc1: {  	_ =	task.clear_ibuf [dreg:s6], $0x2FFFF;
	_ =	strace $0x9FFFFFFF  }
0xc2: {  	(tm) =	ssettm $0x7FFFFFFF  }
0xc3: {  	_ =	shalt  }
tec
execute0_lowered:
.L_overlay_start_1:
0x0: {  	(tag) =	ssettag $0x1  }
0x1: {  	s0 =	rddreg [dreg:$0x0];
	s1 =	srdreg.scid  }
0x2: {  	s2 =	rddreg [dreg:$0x1];
	s12 =	stileid.u32  }
0x3: {  	s3 =	simm.s32 $0x0;
	s13 =	simm.s32 $0x78;
	s14 =	simm.s32 $0x800  }
0x4: {  	s15 =	simm.s32 $0x80;
	s16 =	simm.s32 $0x4400;
	s17 =	simm.s32 $0x1  }
0x5: {  	s18 =	simm.s32 $0x100;
	s19 =	simm.s32 $0x8000;
	s5 =	smul.u32 $0x5400, s12  }
0x6: {  	s28 =	simm.s32 $0x280;
	s29 =	simm.s32 $0x580;
	s6 =	smul.u32 $0x278, s12  }
0x7: {  	s30 =	simm.s32 $0x300;
	s1 =	sand.u32 $0x1, s1;
	s8 =	smul.u32 $0xA80, s12  }
0x8: {  	s31 =	simm.s32 $0x600;
	[smem:$0x7FF] =	sst s3;
	s4 =	smul.u32 $0x54000, s1  }
0x9: {  	s25 =	sshll.u32 s12, $0x6;
	s12 =	simm.s32 $0x400;
	s20 =	smul.u32 $0x2710, s1  }
0xa: {  	_ =	strace $0x8000004D;
	s10 =	smul.u32 $0x2718, s1;
	s1 =	ssub.s32 $0x2, s1  }
0xb: {  	s9 =	smin.u32 s6, $0x2498;
	s8 =	sadd.s32 s8, s0;
	s21 =	smin.u32 s6, $0x24A0  }
0xc: {  	s22 =	sshrl.u32 s1, $0x1;
	s4 =	sadd.s32 s4, s5;
	s5 =	sadd.s32 s20, s9  }
0xd: {  	s11 =	sshll.u32 s21, $0x7;
	s1 =	ssub.s32 s1, s22;
	s9 =	sshll.u32 s9, $0x7  }
0xe: {  	s20 =	simm.s32 $0x2;
	s22 =	simm.s32 $0x480;
	s7 =	sshrl.u32 s4, $0x3  }
0xf: {  	s4 =	sadd.s32 $0xDC00, s0;
	s5 =	sshll.u32 s5, $0x4;
	s23 =	sadd.s32 s11, s2  }
0x10: {  	s26 =	sadd.s32 s9, s2;
	s24 =	smax.u32 s1, $0x1;
	s9 =	sadd.s32 $0x3400, s8  }
0x11: {  	s11 =	simm.s32 $0x4;
	s1 =	simm.s32 $0x680;
	s8 =	simm.s32 $0x0  }
0x12: {  	s7 =	sadd.s32 s7, s0;
	s0 =	sadd.s32 s5, s0;
	s5 =	sadd.s32 s10, s21  }
0x13: {  	s10 =	sor.u32 $0x1C04, s25;
	[dreg:$0x7] =	wrdreg s24;
	s25 =	sshrl.u32 s23, $0x3  }
0x14: {  	s21 =	simm.s32 $0x180;
	s26 =	sshrl.u32 s26, $0x3;
	[dreg:$0x8] =	wrdreg s25  }
0x15: {  	s23 =	simm.s32 $0x3;
	s24 =	simm.s32 $0x200;
	[dreg:$0x9] =	wrdreg s26  }
0x16: {  	s5 =	sshll.u32 s5, $0x4;
	s0 =	sadd.s32 $0x5C000, s0;
	[dreg:$0x5] =	wrdreg s10  }
0x17: {  	s7 =	sadd.s32 $0xAA200, s7;
	s26 =	simm.s32 $0x500;
	[dreg:$0x6] =	wrdreg s0  }
0x18: {  	s5 =	sadd.s32 s4, s5;
	[dreg:$0x3] =	wrdreg s7;
	s0 =	simm.s32 $0x380  }
0x19: {  	s7 =	simm.s32 $0x780;
	[dreg:$0x4] =	wrdreg s5;
	s5 =	simm.s32 $0x700  }
.LBB2_1:
0x1a: {  	[dreg:$0xa] =	wrdreg s8  }
0x1b: {  	s6 =	rddreg [dreg:$0x4]  }
0x1c: {  	s25 =	rddreg [dreg:$0x8]  }
0x1d: {  	[spmem:s25], [sflag:s10] =	dma.local [hbm:s6], $0x2780  }
0x1e: {  	_ =	swait.ge [sflag:s11], $0x2780  }
0x1f: {  	[sflag:s11] =	ssyncset.done $0x0  }
0x20: {  	[sflag:s11] =	ssyncadd.s32 $0xFFFFD880  }
0x21: {  	[bflag:$0x0] =	sbarrier.arrive $0xFFFF  }
0x22: {  	s10 =	rddreg [dreg:$0x3]  }
0x23: {  	s6 =	sadd.s32 $0x0, s10  }
0x24: {  	[tilespmem:s3], [sflag:$0x4] =	stream.linear.gather [hbm4b:s6+s3], $0x400, $0x38;
	[tilespmem:$0x1F4C0] =	vst v63  }
0x25: {  	_ =	swait.ge [sflag:s11], $0x400  }
0x26: {  	[sflag:s11] =	ssyncset.done $0x0  }
0x27: {  	s25 =	sadd.s32 $0x0, s9;
	[sflag:s11] =	ssyncadd.s32 $0xFFFFFC00  }
0x28: {  	[tilespmem:s12], [sflag:$0x4] =	stream.linear.gather [hbm4b:s25+s3], $0x400, $0x38;
	[tilespmem:$0x1F4C0] =	vst v63  }
0x29: {  	_ =	swait.ge [sflag:s11], $0x400  }
0x2a: {  	[sflag:s11] =	ssyncset.done $0x0  }
0x2b: {  	[sflag:s11] =	ssyncadd.s32 $0xFFFFFC00  }
0x2c: {  	[tilespmem:s14], [sflag:$0x1] =	stream.indirect.gather [hbm4b:s4+s13], $0x80, s3, s13, $0xb8;
	[tilespmem:$0x1F4C0] =	vst v63  }
0x2d: {  	_ = 	snop  }
0x2e: {  	[tilespmem:s16], [sflag:$0x2] =	stream.indirect.gather [hbm4b:s4+s13], $0x80, s15, s13, $0xb8;
	[tilespmem:$0x1F4C0] =	vst v63  }
0x2f: {  	_ =	swait.ge [sflag:s17], $0x3C00  }
0x30: {  	[sflag:s17] =	ssyncset.done $0x0  }
0x31: {  	[sflag:s17] =	ssyncadd.s32 $0xFFFFC400  }
0x32: {  	[tilespmem:s19], [sflag:$0x3] =	stream.indirect.gather [hbm4b:s4+s13], $0x80, s18, s13, $0xb8;
	[tilespmem:$0x1F4C0] =	vst v63  }
0x33: {  	_ = 	snop  }
0x34: {  	[spmem:s2] =	stream.indirect.scatter.add.f32 [tilespmem:s14], [sflag:$0x4], $0x80, s12, s13, $0xb8;
	[tilespmem:$0x1F4C0] =	vst v63  }
0x35: {  	_ =	swait.ge [sflag:s11], $0x3C00  }
0x36: {  	[sflag:s11] =	ssyncset.done $0x0  }
0x37: {  	[sflag:s11] =	ssyncadd.s32 $0xFFFFC400  }
0x38: {  	_ =	swait.ge [sflag:s20], $0x3C00  }
0x39: {  	[sflag:s20] =	ssyncset.done $0x0  }
0x3a: {  	[sflag:s20] =	ssyncadd.s32 $0xFFFFC400  }
0x3b: {  	[tilespmem:s14], [sflag:$0x1] =	stream.indirect.gather [hbm4b:s4+s13], $0x80, s21, s13, $0xb8;
	[tilespmem:$0x1F4C0] =	vst v63  }
0x3c: {  	_ = 	snop  }
0x3d: {  	[spmem:s2] =	stream.indirect.scatter.add.f32 [tilespmem:s16], [sflag:$0x4], $0x80, s22, s13, $0xb8;
	[tilespmem:$0x1F4C0] =	vst v63  }
0x3e: {  	_ =	swait.ge [sflag:s11], $0x3C00  }
0x3f: {  	[sflag:s11] =	ssyncset.done $0x0  }
0x40: {  	[sflag:s11] =	ssyncadd.s32 $0xFFFFC400  }
0x41: {  	_ =	swait.ge [sflag:s23], $0x3C00  }
0x42: {  	[sflag:s23] =	ssyncset.done $0x0  }
0x43: {  	[sflag:s23] =	ssyncadd.s32 $0xFFFFC400  }
0x44: {  	[tilespmem:s16], [sflag:$0x2] =	stream.indirect.gather [hbm4b:s4+s13], $0x80, s24, s13, $0xb8;
	[tilespmem:$0x1F4C0] =	vst v63  }
0x45: {  	_ = 	snop  }
0x46: {  	[spmem:s2] =	stream.indirect.scatter.add.f32 [tilespmem:s19], [sflag:$0x4], $0x80, s26, s13, $0xb8;
	[tilespmem:$0x1F4C0] =	vst v63  }
0x47: {  	_ =	swait.ge [sflag:s11], $0x3C00  }
0x48: {  	[sflag:s11] =	ssyncset.done $0x0  }
0x49: {  	[sflag:s11] =	ssyncadd.s32 $0xFFFFC400  }
0x4a: {  	_ =	swait.ge [sflag:s17], $0x3C00  }
0x4b: {  	[sflag:s17] =	ssyncset.done $0x0  }
0x4c: {  	[sflag:s17] =	ssyncadd.s32 $0xFFFFC400  }
0x4d: {  	[tilespmem:s19], [sflag:$0x3] =	stream.indirect.gather [hbm4b:s4+s13], $0x80, s28, s13, $0xb8;
	[tilespmem:$0x1F4C0] =	vst v63  }
0x4e: {  	_ = 	snop  }
0x4f: {  	[spmem:s2] =	stream.indirect.scatter.add.f32 [tilespmem:s14], [sflag:$0x4], $0x80, s29, s13, $0xb8;
	[tilespmem:$0x1F4C0] =	vst v63  }
0x50: {  	_ =	swait.ge [sflag:s11], $0x3C00  }
0x51: {  	[sflag:s11] =	ssyncset.done $0x0  }
0x52: {  	[sflag:s11] =	ssyncadd.s32 $0xFFFFC400  }
0x53: {  	_ =	swait.ge [sflag:s20], $0x3C00  }
0x54: {  	[sflag:s20] =	ssyncset.done $0x0  }
0x55: {  	[sflag:s20] =	ssyncadd.s32 $0xFFFFC400  }
0x56: {  	[tilespmem:s14], [sflag:$0x1] =	stream.indirect.gather [hbm4b:s4+s13], $0x80, s30, s13, $0xb8;
	[tilespmem:$0x1F4C0] =	vst v63  }
0x57: {  	_ = 	snop  }
0x58: {  	[spmem:s2] =	stream.indirect.scatter.add.f32 [tilespmem:s16], [sflag:$0x4], $0x80, s31, s13, $0xb8;
	[tilespmem:$0x1F4C0] =	vst v63  }
0x59: {  	_ =	swait.ge [sflag:s11], $0x3C00  }
0x5a: {  	[sflag:s11] =	ssyncset.done $0x0  }
0x5b: {  	[sflag:s11] =	ssyncadd.s32 $0xFFFFC400  }
0x5c: {  	_ =	swait.ge [sflag:s23], $0x3C00  }
0x5d: {  	[sflag:s23] =	ssyncset.done $0x0  }
0x5e: {  	[sflag:s23] =	ssyncadd.s32 $0xFFFFC400  }
0x5f: {  	[tilespmem:s16], [sflag:$0x2] =	stream.indirect.gather [hbm4b:s4+s13], $0x80, s0, s13, $0xb8;
	[tilespmem:$0x1F4C0] =	vst v63  }
0x60: {  	_ = 	snop  }
0x61: {  	[spmem:s2] =	stream.indirect.scatter.add.f32 [tilespmem:s19], [sflag:$0x4], $0x80, s1, s13, $0xb8;
	[tilespmem:$0x1F4C0] =	vst v63  }
0x62: {  	_ =	swait.ge [sflag:s11], $0x3C00  }
0x63: {  	[sflag:s11] =	ssyncset.done $0x0  }
0x64: {  	[sflag:s11] =	ssyncadd.s32 $0xFFFFC400  }
0x65: {  	_ =	swait.ge [sflag:s17], $0x3C00  }
0x66: {  	[sflag:s17] =	ssyncset.done $0x0  }
0x67: {  	[sflag:s17] =	ssyncadd.s32 $0xFFFFC400  }
0x68: {  	[spmem:s2] =	stream.indirect.scatter.add.f32 [tilespmem:s14], [sflag:$0x4], $0x80, s5, s13, $0xb8;
	[tilespmem:$0x1F4C0] =	vst v63  }
0x69: {  	_ =	swait.ge [sflag:s11], $0x3C00  }
0x6a: {  	[sflag:s11] =	ssyncset.done $0x0  }
0x6b: {  	[sflag:s11] =	ssyncadd.s32 $0xFFFFC400  }
0x6c: {  	_ =	swait.ge [sflag:s20], $0x3C00  }
0x6d: {  	[sflag:s20] =	ssyncset.done $0x0  }
0x6e: {  	[sflag:s20] =	ssyncadd.s32 $0xFFFFC400  }
0x6f: {  	[spmem:s2] =	stream.indirect.scatter.add.f32 [tilespmem:s16], [sflag:$0x4], $0x80, s7, s13, $0xb8;
	[tilespmem:$0x1F4C0] =	vst v63  }
0x70: {  	s10 =	simm.s32 $0x80;
	_ =	swait.ge [sflag:s11], $0x3C00  }
0x71: {  	s25 =	simm.s32 $0x100;
	s6 =	rddreg [dreg:$0x3];
	[sflag:s11] =	ssyncset.done $0x0  }
.LBB2_2:
0x72: {  	[sflag:s11] =	ssyncadd.s32 $0xFFFFC400;
	s6 =	sadd.s32 s10, s6  }
0x73: {  	[tilespmem:s3], [sflag:$0x4] =	stream.linear.gather [hbm4b:s6+s3], $0x400, $0x38;
	[tilespmem:$0x1F4C0] =	vst v63  }
0x74: {  	_ =	swait.ge [sflag:s11], $0x400  }
0x75: {  	[sflag:s11] =	ssyncset.done $0x0  }
0x76: {  	s6 =	sadd.s32 s10, s9;
	[sflag:s11] =	ssyncadd.s32 $0xFFFFFC00  }
0x77: {  	[tilespmem:s12], [sflag:$0x4] =	stream.linear.gather [hbm4b:s6+s3], $0x400, $0x38;
	[tilespmem:$0x1F4C0] =	vst v63  }
0x78: {  	_ =	swait.ge [sflag:s11], $0x400  }
0x79: {  	[sflag:s11] =	ssyncset.done $0x0  }
0x7a: {  	[sflag:s11] =	ssyncadd.s32 $0xFFFFFC00  }
0x7b: {  	[tilespmem:s14], [sflag:$0x1] =	stream.indirect.gather [hbm4b:s4+s13], $0x80, s3, s13, $0xb8;
	[tilespmem:$0x1F4C0] =	vst v63  }
0x7c: {  	_ = 	snop  }
0x7d: {  	[tilespmem:s16], [sflag:$0x2] =	stream.indirect.gather [hbm4b:s4+s13], $0x80, s15, s13, $0xb8;
	[tilespmem:$0x1F4C0] =	vst v63  }
0x7e: {  	_ =	swait.ge [sflag:s17], $0x3C00  }
0x7f: {  	[sflag:s17] =	ssyncset.done $0x0  }
0x80: {  	[sflag:s17] =	ssyncadd.s32 $0xFFFFC400  }
0x81: {  	[tilespmem:s19], [sflag:$0x3] =	stream.indirect.gather [hbm4b:s4+s13], $0x80, s18, s13, $0xb8;
	[tilespmem:$0x1F4C0] =	vst v63  }
0x82: {  	_ = 	snop  }
0x83: {  	[spmem:s2] =	stream.indirect.scatter.add.f32 [tilespmem:s14], [sflag:$0x4], $0x80, s12, s13, $0xb8;
	[tilespmem:$0x1F4C0] =	vst v63  }
0x84: {  	_ =	swait.ge [sflag:s11], $0x3C00  }
0x85: {  	[sflag:s11] =	ssyncset.done $0x0  }
0x86: {  	[sflag:s11] =	ssyncadd.s32 $0xFFFFC400  }
0x87: {  	_ =	swait.ge [sflag:s20], $0x3C00  }
0x88: {  	[sflag:s20] =	ssyncset.done $0x0  }
0x89: {  	[sflag:s20] =	ssyncadd.s32 $0xFFFFC400  }
0x8a: {  	[tilespmem:s14], [sflag:$0x1] =	stream.indirect.gather [hbm4b:s4+s13], $0x80, s21, s13, $0xb8;
	[tilespmem:$0x1F4C0] =	vst v63  }
0x8b: {  	_ = 	snop  }
0x8c: {  	[spmem:s2] =	stream.indirect.scatter.add.f32 [tilespmem:s16], [sflag:$0x4], $0x80, s22, s13, $0xb8;
	[tilespmem:$0x1F4C0] =	vst v63  }
0x8d: {  	_ =	swait.ge [sflag:s11], $0x3C00  }
0x8e: {  	[sflag:s11] =	ssyncset.done $0x0  }
0x8f: {  	[sflag:s11] =	ssyncadd.s32 $0xFFFFC400  }
0x90: {  	_ =	swait.ge [sflag:s23], $0x3C00  }
0x91: {  	[sflag:s23] =	ssyncset.done $0x0  }
0x92: {  	[sflag:s23] =	ssyncadd.s32 $0xFFFFC400  }
0x93: {  	[tilespmem:s16], [sflag:$0x2] =	stream.indirect.gather [hbm4b:s4+s13], $0x80, s24, s13, $0xb8;
	[tilespmem:$0x1F4C0] =	vst v63  }
0x94: {  	_ = 	snop  }
0x95: {  	[spmem:s2] =	stream.indirect.scatter.add.f32 [tilespmem:s19], [sflag:$0x4], $0x80, s26, s13, $0xb8;
	[tilespmem:$0x1F4C0] =	vst v63  }
0x96: {  	_ =	swait.ge [sflag:s11], $0x3C00  }
0x97: {  	[sflag:s11] =	ssyncset.done $0x0  }
0x98: {  	[sflag:s11] =	ssyncadd.s32 $0xFFFFC400  }
0x99: {  	_ =	swait.ge [sflag:s17], $0x3C00  }
0x9a: {  	[sflag:s17] =	ssyncset.done $0x0  }
0x9b: {  	[sflag:s17] =	ssyncadd.s32 $0xFFFFC400  }
0x9c: {  	[tilespmem:s19], [sflag:$0x3] =	stream.indirect.gather [hbm4b:s4+s13], $0x80, s28, s13, $0xb8;
	[tilespmem:$0x1F4C0] =	vst v63  }
0x9d: {  	_ = 	snop  }
0x9e: {  	[spmem:s2] =	stream.indirect.scatter.add.f32 [tilespmem:s14], [sflag:$0x4], $0x80, s29, s13, $0xb8;
	[tilespmem:$0x1F4C0] =	vst v63  }
0x9f: {  	_ =	swait.ge [sflag:s11], $0x3C00  }
0xa0: {  	[sflag:s11] =	ssyncset.done $0x0  }
0xa1: {  	[sflag:s11] =	ssyncadd.s32 $0xFFFFC400  }
0xa2: {  	_ =	swait.ge [sflag:s20], $0x3C00  }
0xa3: {  	[sflag:s20] =	ssyncset.done $0x0  }
0xa4: {  	[sflag:s20] =	ssyncadd.s32 $0xFFFFC400  }
0xa5: {  	[tilespmem:s14], [sflag:$0x1] =	stream.indirect.gather [hbm4b:s4+s13], $0x80, s30, s13, $0xb8;
	[tilespmem:$0x1F4C0] =	vst v63  }
0xa6: {  	_ = 	snop  }
0xa7: {  	[spmem:s2] =	stream.indirect.scatter.add.f32 [tilespmem:s16], [sflag:$0x4], $0x80, s31, s13, $0xb8;
	[tilespmem:$0x1F4C0] =	vst v63  }
0xa8: {  	_ =	swait.ge [sflag:s11], $0x3C00  }
0xa9: {  	[sflag:s11] =	ssyncset.done $0x0  }
0xaa: {  	[sflag:s11] =	ssyncadd.s32 $0xFFFFC400  }
0xab: {  	_ =	swait.ge [sflag:s23], $0x3C00  }
0xac: {  	[sflag:s23] =	ssyncset.done $0x0  }
0xad: {  	[sflag:s23] =	ssyncadd.s32 $0xFFFFC400  }
0xae: {  	[tilespmem:s16], [sflag:$0x2] =	stream.indirect.gather [hbm4b:s4+s13], $0x80, s0, s13, $0xb8;
	[tilespmem:$0x1F4C0] =	vst v63  }
0xaf: {  	_ = 	snop  }
0xb0: {  	[spmem:s2] =	stream.indirect.scatter.add.f32 [tilespmem:s19], [sflag:$0x4], $0x80, s1, s13, $0xb8;
	[tilespmem:$0x1F4C0] =	vst v63  }
0xb1: {  	_ =	swait.ge [sflag:s11], $0x3C00  }
0xb2: {  	[sflag:s11] =	ssyncset.done $0x0  }
0xb3: {  	[sflag:s11] =	ssyncadd.s32 $0xFFFFC400  }
0xb4: {  	_ =	swait.ge [sflag:s17], $0x3C00  }
0xb5: {  	[sflag:s17] =	ssyncset.done $0x0  }
0xb6: {  	[sflag:s17] =	ssyncadd.s32 $0xFFFFC400  }
0xb7: {  	[spmem:s2] =	stream.indirect.scatter.add.f32 [tilespmem:s14], [sflag:$0x4], $0x80, s5, s13, $0xb8;
	[tilespmem:$0x1F4C0] =	vst v63  }
0xb8: {  	_ =	swait.ge [sflag:s11], $0x3C00  }
0xb9: {  	[sflag:s11] =	ssyncset.done $0x0  }
0xba: {  	[sflag:s11] =	ssyncadd.s32 $0xFFFFC400  }
0xbb: {  	p0 =	sne.s32 s25, $0xA00;
	_ =	swait.ge [sflag:s20], $0x3C00  }
.Ltmp0:
0xbc: {  	[sflag:s20] =	ssyncset.done $0x0;
	(pc) =	sbr.rel @p0 .LBB2_2-.Ltmp0, $4  }
0xbd: {  	[sflag:s20] =	ssyncadd.s32 $0xFFFFC400  }
0xbe: {  	[spmem:s2] =	stream.indirect.scatter.add.f32 [tilespmem:s16], [sflag:$0x4], $0x80, s7, s13, $0xb8;
	[tilespmem:$0x1F4C0] =	vst v63  }
0xbf: {  	s8 =	smov.u32 s25;
	s25 =	sadd.s32 $0x80, s25;
	_ =	swait.ge [sflag:s11], $0x3C00  }
0xc0: {  	s10 =	smov.u32 s8;
	s6 =	rddreg [dreg:$0x3];
	[sflag:s11] =	ssyncset.done $0x0  }
0xc1: {  	[sflag:s11] =	ssyncadd.s32 $0xFFFFC400;
	s6 =	sadd.s32 s10, s6  }
0xc2: {  	[tilespmem:s3], [sflag:$0x4] =	stream.linear.gather [hbm4b:s6+s3], $0x400, $0x38;
	[tilespmem:$0x1F4C0] =	vst v63  }
0xc3: {  	_ =	swait.ge [sflag:s11], $0x400  }
0xc4: {  	[sflag:s11] =	ssyncset.done $0x0  }
0xc5: {  	s10 =	sadd.s32 s10, s9;
	[sflag:s11] =	ssyncadd.s32 $0xFFFFFC00  }
0xc6: {  	[tilespmem:s12], [sflag:$0x4] =	stream.linear.gather [hbm4b:s10+s3], $0x400, $0x38;
	[tilespmem:$0x1F4C0] =	vst v63  }
0xc7: {  	_ =	swait.ge [sflag:s11], $0x400  }
0xc8: {  	[sflag:s11] =	ssyncset.done $0x0  }
0xc9: {  	[sflag:s11] =	ssyncadd.s32 $0xFFFFFC00  }
0xca: {  	[tilespmem:s14], [sflag:$0x1] =	stream.indirect.gather [hbm4b:s4+s13], $0x80, s3, s13, $0xb8;
	[tilespmem:$0x1F4C0] =	vst v63  }
0xcb: {  	_ = 	snop  }
0xcc: {  	[tilespmem:s16], [sflag:$0x2] =	stream.indirect.gather [hbm4b:s4+s13], $0x80, s15, s13, $0xb8;
	[tilespmem:$0x1F4C0] =	vst v63  }
0xcd: {  	_ =	swait.ge [sflag:s17], $0x3C00  }
0xce: {  	[sflag:s17] =	ssyncset.done $0x0  }
0xcf: {  	[sflag:s17] =	ssyncadd.s32 $0xFFFFC400  }
0xd0: {  	[tilespmem:s19], [sflag:$0x3] =	stream.indirect.gather [hbm4b:s4+s13], $0x80, s18, s13, $0xb8;
	[tilespmem:$0x1F4C0] =	vst v63  }
0xd1: {  	_ = 	snop  }
0xd2: {  	[spmem:s2] =	stream.indirect.scatter.add.f32 [tilespmem:s14], [sflag:$0x4], $0x80, s12, s13, $0xb8;
	[tilespmem:$0x1F4C0] =	vst v63  }
0xd3: {  	_ =	swait.ge [sflag:s11], $0x3C00  }
0xd4: {  	[sflag:s11] =	ssyncset.done $0x0  }
0xd5: {  	[sflag:s11] =	ssyncadd.s32 $0xFFFFC400  }
0xd6: {  	_ =	swait.ge [sflag:s20], $0x3C00  }
0xd7: {  	[sflag:s20] =	ssyncset.done $0x0  }
0xd8: {  	[sflag:s20] =	ssyncadd.s32 $0xFFFFC400  }
0xd9: {  	[tilespmem:s14], [sflag:$0x1] =	stream.indirect.gather [hbm4b:s4+s13], $0x80, s21, s13, $0xb8;
	[tilespmem:$0x1F4C0] =	vst v63  }
0xda: {  	_ = 	snop  }
0xdb: {  	[spmem:s2] =	stream.indirect.scatter.add.f32 [tilespmem:s16], [sflag:$0x4], $0x80, s22, s13, $0xb8;
	[tilespmem:$0x1F4C0] =	vst v63  }
0xdc: {  	_ =	swait.ge [sflag:s11], $0x3C00  }
0xdd: {  	[sflag:s11] =	ssyncset.done $0x0  }
0xde: {  	[sflag:s11] =	ssyncadd.s32 $0xFFFFC400  }
0xdf: {  	_ =	swait.ge [sflag:s23], $0x3C00  }
0xe0: {  	[sflag:s23] =	ssyncset.done $0x0  }
0xe1: {  	[sflag:s23] =	ssyncadd.s32 $0xFFFFC400  }
0xe2: {  	[tilespmem:s16], [sflag:$0x2] =	stream.indirect.gather [hbm4b:s4+s13], $0x80, s24, s13, $0xb8;
	[tilespmem:$0x1F4C0] =	vst v63  }
0xe3: {  	_ = 	snop  }
0xe4: {  	[spmem:s2] =	stream.indirect.scatter.add.f32 [tilespmem:s19], [sflag:$0x4], $0x80, s26, s13, $0xb8;
	[tilespmem:$0x1F4C0] =	vst v63  }
0xe5: {  	_ =	swait.ge [sflag:s11], $0x3C00  }
0xe6: {  	[sflag:s11] =	ssyncset.done $0x0  }
0xe7: {  	[sflag:s11] =	ssyncadd.s32 $0xFFFFC400  }
0xe8: {  	_ =	swait.ge [sflag:s17], $0x3C00  }
0xe9: {  	[sflag:s17] =	ssyncset.done $0x0  }
0xea: {  	[sflag:s17] =	ssyncadd.s32 $0xFFFFC400  }
0xeb: {  	[tilespmem:s19], [sflag:$0x3] =	stream.indirect.gather [hbm4b:s4+s13], $0x80, s28, s13, $0xb8;
	[tilespmem:$0x1F4C0] =	vst v63  }
0xec: {  	_ = 	snop  }
0xed: {  	[spmem:s2] =	stream.indirect.scatter.add.f32 [tilespmem:s14], [sflag:$0x4], $0x80, s29, s13, $0xb8;
	[tilespmem:$0x1F4C0] =	vst v63  }
0xee: {  	_ =	swait.ge [sflag:s11], $0x3C00  }
0xef: {  	[sflag:s11] =	ssyncset.done $0x0  }
0xf0: {  	[sflag:s11] =	ssyncadd.s32 $0xFFFFC400  }
0xf1: {  	_ =	swait.ge [sflag:s20], $0x3C00  }
0xf2: {  	[sflag:s20] =	ssyncset.done $0x0  }
0xf3: {  	[sflag:s20] =	ssyncadd.s32 $0xFFFFC400  }
0xf4: {  	[tilespmem:s14], [sflag:$0x1] =	stream.indirect.gather [hbm4b:s4+s13], $0x80, s30, s13, $0xb8;
	[tilespmem:$0x1F4C0] =	vst v63  }
0xf5: {  	_ = 	snop  }
0xf6: {  	[spmem:s2] =	stream.indirect.scatter.add.f32 [tilespmem:s16], [sflag:$0x4], $0x80, s31, s13, $0xb8;
	[tilespmem:$0x1F4C0] =	vst v63  }
0xf7: {  	_ =	swait.ge [sflag:s11], $0x3C00  }
0xf8: {  	[sflag:s11] =	ssyncset.done $0x0  }
0xf9: {  	[sflag:s11] =	ssyncadd.s32 $0xFFFFC400  }
0xfa: {  	_ =	swait.ge [sflag:s23], $0x3C00  }
0xfb: {  	[sflag:s23] =	ssyncset.done $0x0  }
0xfc: {  	[sflag:s23] =	ssyncadd.s32 $0xFFFFC400  }
0xfd: {  	[tilespmem:s16], [sflag:$0x2] =	stream.indirect.gather [hbm4b:s4+s13], $0x80, s0, s13, $0xb8;
	[tilespmem:$0x1F4C0] =	vst v63  }
0xfe: {  	_ = 	snop  }
0xff: {  	[spmem:s2] =	stream.indirect.scatter.add.f32 [tilespmem:s19], [sflag:$0x4], $0x80, s1, s13, $0xb8;
	[tilespmem:$0x1F4C0] =	vst v63  }
0x100: {  	_ =	swait.ge [sflag:s11], $0x3C00  }
0x101: {  	[sflag:s11] =	ssyncset.done $0x0  }
0x102: {  	[sflag:s11] =	ssyncadd.s32 $0xFFFFC400  }
0x103: {  	_ =	swait.ge [sflag:s17], $0x3C00  }
0x104: {  	[sflag:s17] =	ssyncset.done $0x0  }
0x105: {  	[sflag:s17] =	ssyncadd.s32 $0xFFFFC400  }
0x106: {  	[spmem:s2] =	stream.indirect.scatter.add.f32 [tilespmem:s14], [sflag:$0x4], $0x80, s5, s13, $0xb8;
	[tilespmem:$0x1F4C0] =	vst v63  }
0x107: {  	_ =	swait.ge [sflag:s11], $0x3C00  }
0x108: {  	[sflag:s11] =	ssyncset.done $0x0  }
0x109: {  	[sflag:s11] =	ssyncadd.s32 $0xFFFFC400  }
0x10a: {  	_ =	swait.ge [sflag:s20], $0x3C00  }
0x10b: {  	[sflag:s20] =	ssyncset.done $0x0  }
0x10c: {  	[sflag:s20] =	ssyncadd.s32 $0xFFFFC400  }
0x10d: {  	[spmem:s2] =	stream.indirect.scatter.add.f32 [tilespmem:s16], [sflag:$0x4], $0x80, s7, s13, $0xb8;
	[tilespmem:$0x1F4C0] =	vst v63  }
0x10e: {  	_ =	swait.ge [sflag:s11], $0x3C00  }
0x10f: {  	[sflag:s11] =	ssyncset.done $0x0  }
0x110: {  	[sflag:s11] =	ssyncadd.s32 $0xFFFFC400  }
0x111: {  	[bflag:$0x0] =	sbarrier.arrive $0xFFFF  }
0x112: {  	s10 =	rddreg [dreg:$0x5]  }
0x113: {  	s25 =	rddreg [dreg:$0x6]  }
0x114: {  	s8 =	rddreg [dreg:$0x9]  }
0x115: {  	[hbm:s25], [sflag:s10] =	dma.local [spmem:s8], $0x2780  }
0x116: {  	_ =	swait.ge [sflag:s11], $0x2780  }
0x117: {  	s6 =	rddreg [dreg:$0xa]  }
0x118: {  	s25 =	rddreg [dreg:$0x7];
	s8 =	sadd.s32 $0x1, s6  }
0x119: {  	p0 =	sne.s32 s8, s25  }
.Ltmp1:
0x11a: {  	_ = 	snop;
	(pc) =	sbr.rel @p0 .LBB2_1-.Ltmp1, $3  }
0x11b: {  	_ =	sdelay $0x1  }
0x11c: {  	[sflag:s11] =	ssyncset.done $0x0  }
0x11d: {  	[sflag:s11] =	ssyncadd.s32 $0xFFFFD880  }
0x11e: {  	_ =	sfence.sel $0x180000  }
0x11f: {  	[bflag:$0x0] =	sbarrier.arrive $0xFFFF  }
0x120: {  	_ =	strace $0x9000004D  }
0x121: {  	s0 =	stileid.u32;
	[bflag:$0x2] =	sbarrier.arrive $0xFFFF  }
0x122: {  	p0 =	sne.s32 s0, $0x0;
	s0 =	rddreg [dreg:$0x2]  }
0x123: {  	s0 =	sadd.s32 @!p0 $0x100000, s0  }
0x124: {  	[sflag:s0] =	ssyncadd.tile.s32 @!p0 $0x1;
	_ =	shalt  }
.Lfunc_end2:
_tile_overlayer_lowered:
.L_overlay_start_2:
0x125: {  	(tag) =	ssettag $0x2  }
0x126: {  	s0 =	rddreg [dreg:$0x0];
	s2 =	stileid.u32  }
0x127: {  	s1 =	rddreg [dreg:$0x1];
	p0 =	sne.s32 s2, $0x0  }
0x128: {  	s3 =	rddreg [dreg:$0x2];
	[bflag:$0x3] =	sbarrier.arrive $0xFFFF;
	s2 =	simm.s32 @!p0 $0x1C04  }
0x129: {  	[timem:s3], [sflag:s2] =	dma.local @!p0 [hbm:s0], s1  }
0x12a: {  	s0 =	simm.s32 @!p0 $0x4  }
0x12b: {  	_ =	swait.ge @!p0 [sflag:s0], s1  }
0x12c: {  	s1 =	ssub.s32 @!p0 $0x0, s1;
	[sflag:s0] =	ssyncset.done @!p0 $0x0  }
0x12d: {  	[sflag:s0] =	ssyncadd.s32 @!p0 s1  }
0x12e: {  	[bflag:$0x3] =	sbarrier.arrive $0xFFFF  }
0x12f: {  	_ =	shalt  }

// kernel: kernel.19.cloned.1.call-start
scs
__scs_entry_jumppad:
0x0: {  	(pc) =	sbr.rel $0x88, $3  }
0x1: {  	(tag) =	ssettag $0x0;
	lr =	simm.s32 $0x1  }
0x2: {  	[smem:$0x3F91] =	sst lr;
	_ =	strace $0xD0000000  }
0x3: {  	_ = 	snop  }
0x4: {  	_ = 	snop  }
0x5: {  	_ = 	snop  }
0x6: {  	_ = 	snop  }
0x7: {  	_ = 	snop  }
__scs_overlays_trampoline_lowered:
0x8: {  	[smem:$0x3FA0] =	sst s0  }
0x9: {  	[smem:$0x3FA1] =	sst s1  }
0xa: {  	[smem:$0x3FA2] =	sst s2  }
0xb: {  	[smem:$0x3FA3] =	sst s3  }
0xc: {  	[smem:$0x3FA4] =	sst s4  }
0xd: {  	[smem:$0x3FA5] =	sst s5  }
0xe: {  	[smem:$0x3FA6] =	sst s6  }
0xf: {  	[smem:$0x3FA7] =	sst s7  }
0x10: {  	[smem:$0x3FA8] =	sst s8  }
0x11: {  	[smem:$0x3FA9] =	sst s9;
	s0 =	simm.s32 @!p0 $0x0  }
0x12: {  	s1 =	sld [smem:$0x3F8F];
	s0 =	simm.s32 @p0 $0x1  }
0x13: {  	[smem:$0x3FAA] =	sst s0;
	s0 =	simm.s32 @!p1 $0x0  }
0x14: {  	s2 =	sld [smem:$0x3F8E];
	s0 =	simm.s32 @p1 $0x1  }
0x15: {  	[smem:$0x3FAB] =	sst s0;
	s0 =	simm.s32 @!p2 $0x0  }
0x16: {  	s3 =	sld [smem:$0x3FDB];
	s0 =	simm.s32 @p2 $0x1  }
0x17: {  	s4 =	simm.s32 $0x1BF5;
	[smem:$0x3FAD] =	sst s0  }
0x18: {  	s0 =	sld [smem:$0x3F90];
	_ =	swait.ge [sflag:s4], $0x0  }
0x19: {  	s7 =	sld [smem:$0x3F91]  }
0x1a: {  	s8 =	sadd.s32 $0xFFFFE003, lr  }
0x1b: {  	s9 =	sadd.s32 $0xFFFFFEF7, lr;
	s5 =	simm.s32 $0xFFFFFFFF;
	p2 =	slt.u32 s8, $0xFFFFF086  }
0x1c: {  	p1 =	slt.u32 s9, $0xF7A;
	s5 =	simm.s32 @!p2 $0x0  }
0x1d: {  	s5 =	simm.s32 @p1 $0x1;
	p0 =	seq.s32 s7, s2  }
0x1e: {  	s7 =	smul.u32 @!p0 $0xF7A, s2;
	p2 =	seq.s32 @!p0 s5, $0x0  }
0x1f: {  	s9 =	smul.u32 $0xF7A, s1;
	s8 =	simm.s32 @!p0 $0x1BF5;
	p2 =	por !p2, p0  }
0x20: {  	[sflag:s8] =	ssyncset.s32 @!p0 $0xFFFFF086;
	s6 =	sadd.s32 @!p0 s3, s7;
	s7 =	simm.s32 @!p0 $0x108  }
0x21: {  	s3 =	sadd.s32 s3, s9;
	s6 =	sadd.s32 @!p0 $0x88, s6;
	s7 =	simm.s32 @p2 $0x1082  }
0x22: {  	[simem:s7], [sflag:s8] =	dma.local @!p0 [hbm:s6], $0xF7A  }
0x23: {  	s9 =	sor.u32 $0xD0000000, s2;
	s6 =	simm.s32 $0x108;
	_ =	swait.ge @!p0 [sflag:s8], $0x0  }
0x24: {  	s3 =	sadd.s32 $0x88, s3;
	s6 =	simm.s32 @!p1 $0x1082;
	[sflag:s4] =	ssyncset.s32 $0xFFFFF086  }
0x25: {  	[simem:s6], [sflag:s4] =	dma.local [hbm:s3], $0xF7A  }
0x26: {  	[smem:$0x3F91] =	sst s1;
	(tag) =	ssettag s2;
	_ =	strace s9  }
0x27: {  	s1 =	sld [smem:$0x3FA1]  }
0x28: {  	s2 =	sld [smem:$0x3FA2]  }
0x29: {  	s4 =	sld [smem:$0x3FA4]  }
0x2a: {  	p0 =	seq.s32 s5, $0x0;
	s5 =	sld [smem:$0x3FA5]  }
0x2b: {  	s6 =	sld [smem:$0x3FA6]  }
0x2c: {  	s7 =	sld [smem:$0x3FA7]  }
0x2d: {  	s3 =	simm.s32 $0x108;
	s8 =	sld [smem:$0x3FA8]  }
0x2e: {  	s3 =	simm.s32 @!p0 $0x1082;
	s9 =	sld [smem:$0x3FA9]  }
0x2f: {  	lr =	sadd.s32 s0, s3;
	s0 =	sld [smem:$0x3FA0]  }
0x30: {  	s3 =	sld [smem:$0x3FA3]  }
0x31: {  	[smem:$0x3FAC] =	sst s10  }
0x32: {  	s10 =	sld [smem:$0x3FAA];
	_ =	sdelay $0x3  }
0x33: {  	p0 =	seq.s32 s10, $0x1;
	s10 =	sld [smem:$0x3FAC];
	_ =	sdelay $0x3  }
0x34: {  	[smem:$0x3FAC] =	sst s10  }
0x35: {  	s10 =	sld [smem:$0x3FAB];
	_ =	sdelay $0x3  }
0x36: {  	p1 =	seq.s32 s10, $0x1;
	s10 =	sld [smem:$0x3FAC];
	_ =	sdelay $0x3  }
0x37: {  	[smem:$0x3FAC] =	sst s10  }
0x38: {  	s10 =	sld [smem:$0x3FAD]  }
0x39: {  	_ = 	snop;
	(pc) =	sbr.ind lr, $3  }
0x3a: {  	_ = 	snop  }
0x3b: {  	_ = 	snop  }
0x3c: {  	p2 =	seq.s32 s10, $0x1;
	s10 =	sld [smem:$0x3FAC]  }
0x3d: {  	_ =	shalt  }
0x3e: {  	_ =	shalt  }
0x3f: {  	_ =	shalt  }
0x40: {  	_ =	shalt  }
0x41: {  	_ =	shalt  }
0x42: {  	_ =	shalt  }
0x43: {  	_ =	shalt  }
0x44: {  	_ =	shalt  }
0x45: {  	_ =	shalt  }
0x46: {  	_ =	shalt  }
0x47: {  	_ =	shalt  }
0x48: {  	_ =	shalt  }
0x49: {  	_ =	shalt  }
0x4a: {  	_ =	shalt  }
0x4b: {  	_ =	shalt  }
0x4c: {  	_ =	shalt  }
0x4d: {  	_ =	shalt  }
0x4e: {  	_ =	shalt  }
0x4f: {  	_ =	shalt  }
0x50: {  	_ =	shalt  }
0x51: {  	_ =	shalt  }
0x52: {  	_ =	shalt  }
0x53: {  	_ =	shalt  }
0x54: {  	_ =	shalt  }
0x55: {  	_ =	shalt  }
0x56: {  	_ =	shalt  }
0x57: {  	_ =	shalt  }
0x58: {  	_ =	shalt  }
0x59: {  	_ =	shalt  }
0x5a: {  	_ =	shalt  }
0x5b: {  	_ =	shalt  }
0x5c: {  	_ =	shalt  }
0x5d: {  	_ =	shalt  }
0x5e: {  	_ =	shalt  }
0x5f: {  	_ =	shalt  }
0x60: {  	_ =	shalt  }
0x61: {  	_ =	shalt  }
0x62: {  	_ =	shalt  }
0x63: {  	_ =	shalt  }
0x64: {  	_ =	shalt  }
0x65: {  	_ =	shalt  }
0x66: {  	_ =	shalt  }
0x67: {  	_ =	shalt  }
0x68: {  	_ =	shalt  }
0x69: {  	_ =	shalt  }
0x6a: {  	_ =	shalt  }
0x6b: {  	_ =	shalt  }
0x6c: {  	_ =	shalt  }
0x6d: {  	_ =	shalt  }
0x6e: {  	_ =	shalt  }
0x6f: {  	_ =	shalt  }
0x70: {  	_ =	shalt  }
0x71: {  	_ =	shalt  }
0x72: {  	_ =	shalt  }
0x73: {  	_ =	shalt  }
0x74: {  	_ =	shalt  }
0x75: {  	_ =	shalt  }
0x76: {  	_ =	shalt  }
0x77: {  	_ =	shalt  }
0x78: {  	_ =	shalt  }
0x79: {  	_ =	shalt  }
0x7a: {  	_ =	shalt  }
0x7b: {  	_ =	shalt  }
0x7c: {  	_ =	shalt  }
0x7d: {  	_ =	shalt  }
0x7e: {  	_ =	shalt  }
0x7f: {  	_ =	shalt  }
0x80: {  	_ =	shalt  }
0x81: {  	_ =	shalt  }
0x82: {  	_ =	shalt  }
0x83: {  	_ =	shalt  }
0x84: {  	_ =	shalt  }
0x85: {  	_ =	shalt  }
0x86: {  	_ =	shalt  }
0x87: {  	_ =	shalt  }
.Lfunc_end0:
.L_simem_size_0:
called_computation.3_lowered:
.L_overlay_start_0:
0x88: {  	s2 =	sld [smem:$0x3FD9]  }
0x89: {  	s3 =	sld [smem:$0x3FFE];
	_ =	sdelay $0x1  }
0x8a: {  	s1 =	srdreg.scid  }
0x8b: {  	s0 =	sand.u32 $0x1, s1  }
0x8c: {  	s16 =	sshll.u32 s0, $0xA;
	s2 =	sadd.s32 s3, s2  }
0x8d: {  	s2 =	sadd.s32 s2, s16  }
0x8e: {  	[smem:$0x3FB8] =	sst s2  }
0x8f: {  	_ = 	snop  }
0x90: {  	(tm) =	ssettm $0x1  }
0x91: {  	s17 =	sld [smem:$0x3FFB];
	_ =	sdelay $0x3  }
0x92: {  	_ =	strace s17  }
0x93: {  	s2 =	sld [smem:$0x3FFC];
	_ =	sdelay $0x3  }
0x94: {  	_ =	strace s2  }
0x95: {  	s2 =	sld [smem:$0x3FFD];
	_ =	sdelay $0x3  }
0x96: {  	_ =	strace s2  }
0x97: {  	_ =	strace $0x8FFFFFFF  }
0x98: {  	s18 =	sld [smem:$0x3FDB];
	_ =	sdelay $0x1  }
0x99: {  	s19 =	simm.s32 $_scs_section_size  }
0x9a: {  	s4 =	simm.s32 $_size__tile_overlayer_lowered;
	s5 =	simm.s32 $_tile_overlayer_lowered  }
0x9b: {  	s22 =	simm.s32 $0x1BFF;
	s21 =	sshll.u32 s5, $0x1;
	s2 =	sadd.s32 s19, s18  }
0x9c: {  	s6 =	simm.s32 $0x0;
	s20 =	sshll.u32 s4, $0x1;
	s4 =	sadd.s32 s21, s2  }
0x9d: {  	[timem:s6], [sflag:s22] =	dma.local [hbm:s4], s20  }
0x9e: {  	_ =	swait.ge [sflag:s22], s20  }
0x9f: {  	s3 =	ssub.s32 $0x0, s20;
	[sflag:s22] =	ssyncset.done $0x0  }
0xa0: {  	[sflag:s22] =	ssyncadd.s32 s3;
	_ =	sdelay $0x1  }
0xa1: {  	s23 =	simm.s32 $0x1B8B  }
0xa2: {  	_ =	swait.ge [sflag:s23], $0x1  }
0xa3: {  	[sflag:s23] =	ssyncset.done $0x0  }
0xa4: {  	s25 =	simm.s32 $0x1B8E;
	s24 =	sld [smem:$0x3FFE];
	[sflag:s23] =	ssyncadd.s32 $0xFFFFFFFF  }
0xa5: {  	s26 =	simm.s32 $execute0_lowered;
	[smem:$0x3FD2] =	sst s25  }
0xa6: {  	s4 =	sshll.u32 s26, $0x1;
	_ =	strace $0x8000004F;
	[dreg:$0x1] =	wrdreg $0xFFFFFFFF  }
0xa7: {  	s28 =	simm.s32 $_size_execute0_lowered;
	s2 =	sadd.s32 s2, s4;
	[dreg:$0x0] =	wrdreg $0x0  }
0xa8: {  	s4 =	sshll.u32 s28, $0x1;
	[dreg:$0x2] =	wrdreg s2  }
0xa9: {  	[dreg:$0x3] =	wrdreg s4  }
0xaa: {  	[dreg:$0x4] =	wrdreg $0xC0  }
0xab: {  	_ =	task [dreg:s6], $0x5FFFF  }
0xac: {  	[dreg:$0x1] =	wrdreg $0xFFFFFFFF  }
0xad: {  	[dreg:$0x0] =	wrdreg $0x60  }
0xae: {  	[dreg:$0x2] =	wrdreg s24  }
0xaf: {  	[dreg:$0x3] =	wrdreg $0xBC000  }
0xb0: {  	[dreg:$0x4] =	wrdreg $0x9  }
0xb1: {  	_ =	task.clear_ibuf [dreg:s6], $0x5FFFF;
	_ =	strace $0x9000004F  }
0xb2: {  	s29 =	simm.s32 $0x9;
	_ =	strace $0x80000051  }
0xb3: {  	_ =	swait.ge [sflag:s29], $0x1  }
0xb4: {  	[sflag:s29] =	ssyncadd.s32 $0xFFFFFFFF  }
0xb5: {  	_ =	strace $0x90000051  }
0xb6: {  	_ =	sfence  }
0xb7: {  	s30 =	sld [smem:$0x0];
	_ =	sdelay $0x2  }
0xb8: {  	s31 =	sshll.u32 s1, $0xD;
	s1 =	sshrl.u32 s1, $0x2  }
0xb9: {  	s3 =	sand.u32 $0x4000, s31;
	s1 =	sadd.s32 s1, s30  }
0xba: {  	s0 =	sor.u32 s3, s0;
	s1 =	sshll.u32 s1, $0x11  }
0xbb: {  	s0 =	sor.u32 s1, s0  }
0xbc: {  	s0 =	sadd.s32 $0x8F2B, s0  }
0xbd: {  	[sflag:s0] =	ssyncadd.remote.s32 $0x1  }
0xbe: {  	_ =	sfence.sel $0xFFFF  }
0xbf: {  	[dreg:$0x0] =	wrdreg $0xFFFFFFFF;
	(pc) =	sbr.abs _section_cstart, $3  }
0xc0: {  	[dreg:$0x1] =	wrdreg $0xFFFFFFFF  }
0xc1: {  	_ =	task.clear_ibuf [dreg:s6], $0x2FFFF;
	_ =	strace $0x9FFFFFFF  }
0xc2: {  	(tm) =	ssettm $0x7FFFFFFF  }
0xc3: {  	_ =	shalt  }
tec
execute0_lowered:
.L_overlay_start_1:
0x0: {  	(tag) =	ssettag $0x1  }
0x1: {  	s0 =	rddreg [dreg:$0x0];
	s1 =	srdreg.scid  }
0x2: {  	s2 =	rddreg [dreg:$0x1];
	s12 =	stileid.u32  }
0x3: {  	s3 =	simm.s32 $0x0;
	s13 =	simm.s32 $0x78;
	s14 =	simm.s32 $0x800  }
0x4: {  	s15 =	simm.s32 $0x80;
	s16 =	simm.s32 $0x4400;
	s17 =	simm.s32 $0x1  }
0x5: {  	s18 =	simm.s32 $0x100;
	s19 =	simm.s32 $0x8000;
	s5 =	smul.u32 $0x5400, s12  }
0x6: {  	s28 =	simm.s32 $0x280;
	s29 =	simm.s32 $0x580;
	s6 =	smul.u32 $0x278, s12  }
0x7: {  	s30 =	simm.s32 $0x300;
	s1 =	sand.u32 $0x1, s1;
	s8 =	smul.u32 $0xA80, s12  }
0x8: {  	s31 =	simm.s32 $0x600;
	[smem:$0x7FF] =	sst s3;
	s4 =	smul.u32 $0x54000, s1  }
0x9: {  	s25 =	sshll.u32 s12, $0x6;
	s12 =	simm.s32 $0x400;
	s20 =	smul.u32 $0x2710, s1  }
0xa: {  	_ =	strace $0x80000050;
	s10 =	smul.u32 $0x2718, s1;
	s1 =	ssub.s32 $0x2, s1  }
0xb: {  	s9 =	smin.u32 s6, $0x2498;
	s8 =	sadd.s32 s8, s0;
	s21 =	smin.u32 s6, $0x24A0  }
0xc: {  	s22 =	sshrl.u32 s1, $0x1;
	s4 =	sadd.s32 s4, s5;
	s5 =	sadd.s32 s20, s9  }
0xd: {  	s11 =	sshll.u32 s21, $0x7;
	s1 =	ssub.s32 s1, s22;
	s9 =	sshll.u32 s9, $0x7  }
0xe: {  	s20 =	simm.s32 $0x2;
	s22 =	simm.s32 $0x480;
	s7 =	sshrl.u32 s4, $0x3  }
0xf: {  	s4 =	sadd.s32 $0xDC00, s0;
	s5 =	sshll.u32 s5, $0x4;
	s23 =	sadd.s32 s11, s2  }
0x10: {  	s26 =	sadd.s32 s9, s2;
	s24 =	smax.u32 s1, $0x1;
	s9 =	sadd.s32 $0x3400, s8  }
0x11: {  	s11 =	simm.s32 $0x4;
	s1 =	simm.s32 $0x680;
	s8 =	simm.s32 $0x0  }
0x12: {  	s7 =	sadd.s32 s7, s0;
	s0 =	sadd.s32 s5, s0;
	s5 =	sadd.s32 s10, s21  }
0x13: {  	s10 =	sor.u32 $0x1C04, s25;
	[dreg:$0x7] =	wrdreg s24;
	s25 =	sshrl.u32 s23, $0x3  }
0x14: {  	s21 =	simm.s32 $0x180;
	s26 =	sshrl.u32 s26, $0x3;
	[dreg:$0x8] =	wrdreg s25  }
0x15: {  	s23 =	simm.s32 $0x3;
	s24 =	simm.s32 $0x200;
	[dreg:$0x9] =	wrdreg s26  }
0x16: {  	s5 =	sshll.u32 s5, $0x4;
	s0 =	sadd.s32 $0x5C000, s0;
	[dreg:$0x5] =	wrdreg s10  }
0x17: {  	s7 =	sadd.s32 $0xAA200, s7;
	s26 =	simm.s32 $0x500;
	[dreg:$0x6] =	wrdreg s0  }
0x18: {  	s5 =	sadd.s32 s4, s5;
	[dreg:$0x3] =	wrdreg s7;
	s0 =	simm.s32 $0x380  }
0x19: {  	s7 =	simm.s32 $0x780;
	[dreg:$0x4] =	wrdreg s5;
	s5 =	simm.s32 $0x700  }
.LBB2_1:
0x1a: {  	[dreg:$0xa] =	wrdreg s8  }
0x1b: {  	s6 =	rddreg [dreg:$0x4]  }
0x1c: {  	s25 =	rddreg [dreg:$0x8]  }
0x1d: {  	[spmem:s25], [sflag:s10] =	dma.local [hbm:s6], $0x2780  }
0x1e: {  	_ =	swait.ge [sflag:s11], $0x2780  }
0x1f: {  	[sflag:s11] =	ssyncset.done $0x0  }
0x20: {  	[sflag:s11] =	ssyncadd.s32 $0xFFFFD880  }
0x21: {  	[bflag:$0x0] =	sbarrier.arrive $0xFFFF  }
0x22: {  	s10 =	rddreg [dreg:$0x3]  }
0x23: {  	s6 =	sadd.s32 $0x0, s10  }
0x24: {  	[tilespmem:s3], [sflag:$0x4] =	stream.linear.gather [hbm4b:s6+s3], $0x400, $0x38;
	[tilespmem:$0x1F4C0] =	vst v63  }
0x25: {  	_ =	swait.ge [sflag:s11], $0x400  }
0x26: {  	[sflag:s11] =	ssyncset.done $0x0  }
0x27: {  	s25 =	sadd.s32 $0x0, s9;
	[sflag:s11] =	ssyncadd.s32 $0xFFFFFC00  }
0x28: {  	[tilespmem:s12], [sflag:$0x4] =	stream.linear.gather [hbm4b:s25+s3], $0x400, $0x38;
	[tilespmem:$0x1F4C0] =	vst v63  }
0x29: {  	_ =	swait.ge [sflag:s11], $0x400  }
0x2a: {  	[sflag:s11] =	ssyncset.done $0x0  }
0x2b: {  	[sflag:s11] =	ssyncadd.s32 $0xFFFFFC00  }
0x2c: {  	[tilespmem:s14], [sflag:$0x1] =	stream.indirect.gather [hbm4b:s4+s13], $0x80, s3, s13, $0xb8;
	[tilespmem:$0x1F4C0] =	vst v63  }
0x2d: {  	_ = 	snop  }
0x2e: {  	[tilespmem:s16], [sflag:$0x2] =	stream.indirect.gather [hbm4b:s4+s13], $0x80, s15, s13, $0xb8;
	[tilespmem:$0x1F4C0] =	vst v63  }
0x2f: {  	_ =	swait.ge [sflag:s17], $0x3C00  }
0x30: {  	[sflag:s17] =	ssyncset.done $0x0  }
0x31: {  	[sflag:s17] =	ssyncadd.s32 $0xFFFFC400  }
0x32: {  	[tilespmem:s19], [sflag:$0x3] =	stream.indirect.gather [hbm4b:s4+s13], $0x80, s18, s13, $0xb8;
	[tilespmem:$0x1F4C0] =	vst v63  }
0x33: {  	_ = 	snop  }
0x34: {  	[spmem:s2] =	stream.indirect.scatter.add.f32 [tilespmem:s14], [sflag:$0x4], $0x80, s12, s13, $0xb8;
	[tilespmem:$0x1F4C0] =	vst v63  }
0x35: {  	_ =	swait.ge [sflag:s11], $0x3C00  }
0x36: {  	[sflag:s11] =	ssyncset.done $0x0  }
0x37: {  	[sflag:s11] =	ssyncadd.s32 $0xFFFFC400  }
0x38: {  	_ =	swait.ge [sflag:s20], $0x3C00  }
0x39: {  	[sflag:s20] =	ssyncset.done $0x0  }
0x3a: {  	[sflag:s20] =	ssyncadd.s32 $0xFFFFC400  }
0x3b: {  	[tilespmem:s14], [sflag:$0x1] =	stream.indirect.gather [hbm4b:s4+s13], $0x80, s21, s13, $0xb8;
	[tilespmem:$0x1F4C0] =	vst v63  }
0x3c: {  	_ = 	snop  }
0x3d: {  	[spmem:s2] =	stream.indirect.scatter.add.f32 [tilespmem:s16], [sflag:$0x4], $0x80, s22, s13, $0xb8;
	[tilespmem:$0x1F4C0] =	vst v63  }
0x3e: {  	_ =	swait.ge [sflag:s11], $0x3C00  }
0x3f: {  	[sflag:s11] =	ssyncset.done $0x0  }
0x40: {  	[sflag:s11] =	ssyncadd.s32 $0xFFFFC400  }
0x41: {  	_ =	swait.ge [sflag:s23], $0x3C00  }
0x42: {  	[sflag:s23] =	ssyncset.done $0x0  }
0x43: {  	[sflag:s23] =	ssyncadd.s32 $0xFFFFC400  }
0x44: {  	[tilespmem:s16], [sflag:$0x2] =	stream.indirect.gather [hbm4b:s4+s13], $0x80, s24, s13, $0xb8;
	[tilespmem:$0x1F4C0] =	vst v63  }
0x45: {  	_ = 	snop  }
0x46: {  	[spmem:s2] =	stream.indirect.scatter.add.f32 [tilespmem:s19], [sflag:$0x4], $0x80, s26, s13, $0xb8;
	[tilespmem:$0x1F4C0] =	vst v63  }
0x47: {  	_ =	swait.ge [sflag:s11], $0x3C00  }
0x48: {  	[sflag:s11] =	ssyncset.done $0x0  }
0x49: {  	[sflag:s11] =	ssyncadd.s32 $0xFFFFC400  }
0x4a: {  	_ =	swait.ge [sflag:s17], $0x3C00  }
0x4b: {  	[sflag:s17] =	ssyncset.done $0x0  }
0x4c: {  	[sflag:s17] =	ssyncadd.s32 $0xFFFFC400  }
0x4d: {  	[tilespmem:s19], [sflag:$0x3] =	stream.indirect.gather [hbm4b:s4+s13], $0x80, s28, s13, $0xb8;
	[tilespmem:$0x1F4C0] =	vst v63  }
0x4e: {  	_ = 	snop  }
0x4f: {  	[spmem:s2] =	stream.indirect.scatter.add.f32 [tilespmem:s14], [sflag:$0x4], $0x80, s29, s13, $0xb8;
	[tilespmem:$0x1F4C0] =	vst v63  }
0x50: {  	_ =	swait.ge [sflag:s11], $0x3C00  }
0x51: {  	[sflag:s11] =	ssyncset.done $0x0  }
0x52: {  	[sflag:s11] =	ssyncadd.s32 $0xFFFFC400  }
0x53: {  	_ =	swait.ge [sflag:s20], $0x3C00  }
0x54: {  	[sflag:s20] =	ssyncset.done $0x0  }
0x55: {  	[sflag:s20] =	ssyncadd.s32 $0xFFFFC400  }
0x56: {  	[tilespmem:s14], [sflag:$0x1] =	stream.indirect.gather [hbm4b:s4+s13], $0x80, s30, s13, $0xb8;
	[tilespmem:$0x1F4C0] =	vst v63  }
0x57: {  	_ = 	snop  }
0x58: {  	[spmem:s2] =	stream.indirect.scatter.add.f32 [tilespmem:s16], [sflag:$0x4], $0x80, s31, s13, $0xb8;
	[tilespmem:$0x1F4C0] =	vst v63  }
0x59: {  	_ =	swait.ge [sflag:s11], $0x3C00  }
0x5a: {  	[sflag:s11] =	ssyncset.done $0x0  }
0x5b: {  	[sflag:s11] =	ssyncadd.s32 $0xFFFFC400  }
0x5c: {  	_ =	swait.ge [sflag:s23], $0x3C00  }
0x5d: {  	[sflag:s23] =	ssyncset.done $0x0  }
0x5e: {  	[sflag:s23] =	ssyncadd.s32 $0xFFFFC400  }
0x5f: {  	[tilespmem:s16], [sflag:$0x2] =	stream.indirect.gather [hbm4b:s4+s13], $0x80, s0, s13, $0xb8;
	[tilespmem:$0x1F4C0] =	vst v63  }
0x60: {  	_ = 	snop  }
0x61: {  	[spmem:s2] =	stream.indirect.scatter.add.f32 [tilespmem:s19], [sflag:$0x4], $0x80, s1, s13, $0xb8;
	[tilespmem:$0x1F4C0] =	vst v63  }
0x62: {  	_ =	swait.ge [sflag:s11], $0x3C00  }
0x63: {  	[sflag:s11] =	ssyncset.done $0x0  }
0x64: {  	[sflag:s11] =	ssyncadd.s32 $0xFFFFC400  }
0x65: {  	_ =	swait.ge [sflag:s17], $0x3C00  }
0x66: {  	[sflag:s17] =	ssyncset.done $0x0  }
0x67: {  	[sflag:s17] =	ssyncadd.s32 $0xFFFFC400  }
0x68: {  	[spmem:s2] =	stream.indirect.scatter.add.f32 [tilespmem:s14], [sflag:$0x4], $0x80, s5, s13, $0xb8;
	[tilespmem:$0x1F4C0] =	vst v63  }
0x69: {  	_ =	swait.ge [sflag:s11], $0x3C00  }
0x6a: {  	[sflag:s11] =	ssyncset.done $0x0  }
0x6b: {  	[sflag:s11] =	ssyncadd.s32 $0xFFFFC400  }
0x6c: {  	_ =	swait.ge [sflag:s20], $0x3C00  }
0x6d: {  	[sflag:s20] =	ssyncset.done $0x0  }
0x6e: {  	[sflag:s20] =	ssyncadd.s32 $0xFFFFC400  }
0x6f: {  	[spmem:s2] =	stream.indirect.scatter.add.f32 [tilespmem:s16], [sflag:$0x4], $0x80, s7, s13, $0xb8;
	[tilespmem:$0x1F4C0] =	vst v63  }
0x70: {  	s10 =	simm.s32 $0x80;
	_ =	swait.ge [sflag:s11], $0x3C00  }
0x71: {  	s25 =	simm.s32 $0x100;
	s6 =	rddreg [dreg:$0x3];
	[sflag:s11] =	ssyncset.done $0x0  }
.LBB2_2:
0x72: {  	[sflag:s11] =	ssyncadd.s32 $0xFFFFC400;
	s6 =	sadd.s32 s10, s6  }
0x73: {  	[tilespmem:s3], [sflag:$0x4] =	stream.linear.gather [hbm4b:s6+s3], $0x400, $0x38;
	[tilespmem:$0x1F4C0] =	vst v63  }
0x74: {  	_ =	swait.ge [sflag:s11], $0x400  }
0x75: {  	[sflag:s11] =	ssyncset.done $0x0  }
0x76: {  	s6 =	sadd.s32 s10, s9;
	[sflag:s11] =	ssyncadd.s32 $0xFFFFFC00  }
0x77: {  	[tilespmem:s12], [sflag:$0x4] =	stream.linear.gather [hbm4b:s6+s3], $0x400, $0x38;
	[tilespmem:$0x1F4C0] =	vst v63  }
0x78: {  	_ =	swait.ge [sflag:s11], $0x400  }
0x79: {  	[sflag:s11] =	ssyncset.done $0x0  }
0x7a: {  	[sflag:s11] =	ssyncadd.s32 $0xFFFFFC00  }
0x7b: {  	[tilespmem:s14], [sflag:$0x1] =	stream.indirect.gather [hbm4b:s4+s13], $0x80, s3, s13, $0xb8;
	[tilespmem:$0x1F4C0] =	vst v63  }
0x7c: {  	_ = 	snop  }
0x7d: {  	[tilespmem:s16], [sflag:$0x2] =	stream.indirect.gather [hbm4b:s4+s13], $0x80, s15, s13, $0xb8;
	[tilespmem:$0x1F4C0] =	vst v63  }
0x7e: {  	_ =	swait.ge [sflag:s17], $0x3C00  }
0x7f: {  	[sflag:s17] =	ssyncset.done $0x0  }
0x80: {  	[sflag:s17] =	ssyncadd.s32 $0xFFFFC400  }
0x81: {  	[tilespmem:s19], [sflag:$0x3] =	stream.indirect.gather [hbm4b:s4+s13], $0x80, s18, s13, $0xb8;
	[tilespmem:$0x1F4C0] =	vst v63  }
0x82: {  	_ = 	snop  }
0x83: {  	[spmem:s2] =	stream.indirect.scatter.add.f32 [tilespmem:s14], [sflag:$0x4], $0x80, s12, s13, $0xb8;
	[tilespmem:$0x1F4C0] =	vst v63  }
0x84: {  	_ =	swait.ge [sflag:s11], $0x3C00  }
0x85: {  	[sflag:s11] =	ssyncset.done $0x0  }
0x86: {  	[sflag:s11] =	ssyncadd.s32 $0xFFFFC400  }
0x87: {  	_ =	swait.ge [sflag:s20], $0x3C00  }
0x88: {  	[sflag:s20] =	ssyncset.done $0x0  }
0x89: {  	[sflag:s20] =	ssyncadd.s32 $0xFFFFC400  }
0x8a: {  	[tilespmem:s14], [sflag:$0x1] =	stream.indirect.gather [hbm4b:s4+s13], $0x80, s21, s13, $0xb8;
	[tilespmem:$0x1F4C0] =	vst v63  }
0x8b: {  	_ = 	snop  }
0x8c: {  	[spmem:s2] =	stream.indirect.scatter.add.f32 [tilespmem:s16], [sflag:$0x4], $0x80, s22, s13, $0xb8;
	[tilespmem:$0x1F4C0] =	vst v63  }
0x8d: {  	_ =	swait.ge [sflag:s11], $0x3C00  }
0x8e: {  	[sflag:s11] =	ssyncset.done $0x0  }
0x8f: {  	[sflag:s11] =	ssyncadd.s32 $0xFFFFC400  }
0x90: {  	_ =	swait.ge [sflag:s23], $0x3C00  }
0x91: {  	[sflag:s23] =	ssyncset.done $0x0  }
0x92: {  	[sflag:s23] =	ssyncadd.s32 $0xFFFFC400  }
0x93: {  	[tilespmem:s16], [sflag:$0x2] =	stream.indirect.gather [hbm4b:s4+s13], $0x80, s24, s13, $0xb8;
	[tilespmem:$0x1F4C0] =	vst v63  }
0x94: {  	_ = 	snop  }
0x95: {  	[spmem:s2] =	stream.indirect.scatter.add.f32 [tilespmem:s19], [sflag:$0x4], $0x80, s26, s13, $0xb8;
	[tilespmem:$0x1F4C0] =	vst v63  }
0x96: {  	_ =	swait.ge [sflag:s11], $0x3C00  }
0x97: {  	[sflag:s11] =	ssyncset.done $0x0  }
0x98: {  	[sflag:s11] =	ssyncadd.s32 $0xFFFFC400  }
0x99: {  	_ =	swait.ge [sflag:s17], $0x3C00  }
0x9a: {  	[sflag:s17] =	ssyncset.done $0x0  }
0x9b: {  	[sflag:s17] =	ssyncadd.s32 $0xFFFFC400  }
0x9c: {  	[tilespmem:s19], [sflag:$0x3] =	stream.indirect.gather [hbm4b:s4+s13], $0x80, s28, s13, $0xb8;
	[tilespmem:$0x1F4C0] =	vst v63  }
0x9d: {  	_ = 	snop  }
0x9e: {  	[spmem:s2] =	stream.indirect.scatter.add.f32 [tilespmem:s14], [sflag:$0x4], $0x80, s29, s13, $0xb8;
	[tilespmem:$0x1F4C0] =	vst v63  }
0x9f: {  	_ =	swait.ge [sflag:s11], $0x3C00  }
0xa0: {  	[sflag:s11] =	ssyncset.done $0x0  }
0xa1: {  	[sflag:s11] =	ssyncadd.s32 $0xFFFFC400  }
0xa2: {  	_ =	swait.ge [sflag:s20], $0x3C00  }
0xa3: {  	[sflag:s20] =	ssyncset.done $0x0  }
0xa4: {  	[sflag:s20] =	ssyncadd.s32 $0xFFFFC400  }
0xa5: {  	[tilespmem:s14], [sflag:$0x1] =	stream.indirect.gather [hbm4b:s4+s13], $0x80, s30, s13, $0xb8;
	[tilespmem:$0x1F4C0] =	vst v63  }
0xa6: {  	_ = 	snop  }
0xa7: {  	[spmem:s2] =	stream.indirect.scatter.add.f32 [tilespmem:s16], [sflag:$0x4], $0x80, s31, s13, $0xb8;
	[tilespmem:$0x1F4C0] =	vst v63  }
0xa8: {  	_ =	swait.ge [sflag:s11], $0x3C00  }
0xa9: {  	[sflag:s11] =	ssyncset.done $0x0  }
0xaa: {  	[sflag:s11] =	ssyncadd.s32 $0xFFFFC400  }
0xab: {  	_ =	swait.ge [sflag:s23], $0x3C00  }
0xac: {  	[sflag:s23] =	ssyncset.done $0x0  }
0xad: {  	[sflag:s23] =	ssyncadd.s32 $0xFFFFC400  }
0xae: {  	[tilespmem:s16], [sflag:$0x2] =	stream.indirect.gather [hbm4b:s4+s13], $0x80, s0, s13, $0xb8;
	[tilespmem:$0x1F4C0] =	vst v63  }
0xaf: {  	_ = 	snop  }
0xb0: {  	[spmem:s2] =	stream.indirect.scatter.add.f32 [tilespmem:s19], [sflag:$0x4], $0x80, s1, s13, $0xb8;
	[tilespmem:$0x1F4C0] =	vst v63  }
0xb1: {  	_ =	swait.ge [sflag:s11], $0x3C00  }
0xb2: {  	[sflag:s11] =	ssyncset.done $0x0  }
0xb3: {  	[sflag:s11] =	ssyncadd.s32 $0xFFFFC400  }
0xb4: {  	_ =	swait.ge [sflag:s17], $0x3C00  }
0xb5: {  	[sflag:s17] =	ssyncset.done $0x0  }
0xb6: {  	[sflag:s17] =	ssyncadd.s32 $0xFFFFC400  }
0xb7: {  	[spmem:s2] =	stream.indirect.scatter.add.f32 [tilespmem:s14], [sflag:$0x4], $0x80, s5, s13, $0xb8;
	[tilespmem:$0x1F4C0] =	vst v63  }
0xb8: {  	_ =	swait.ge [sflag:s11], $0x3C00  }
0xb9: {  	[sflag:s11] =	ssyncset.done $0x0  }
0xba: {  	[sflag:s11] =	ssyncadd.s32 $0xFFFFC400  }
0xbb: {  	p0 =	sne.s32 s25, $0xA00;
	_ =	swait.ge [sflag:s20], $0x3C00  }
.Ltmp0:
0xbc: {  	[sflag:s20] =	ssyncset.done $0x0;
	(pc) =	sbr.rel @p0 .LBB2_2-.Ltmp0, $4  }
0xbd: {  	[sflag:s20] =	ssyncadd.s32 $0xFFFFC400  }
0xbe: {  	[spmem:s2] =	stream.indirect.scatter.add.f32 [tilespmem:s16], [sflag:$0x4], $0x80, s7, s13, $0xb8;
	[tilespmem:$0x1F4C0] =	vst v63  }
0xbf: {  	s8 =	smov.u32 s25;
	s25 =	sadd.s32 $0x80, s25;
	_ =	swait.ge [sflag:s11], $0x3C00  }
0xc0: {  	s10 =	smov.u32 s8;
	s6 =	rddreg [dreg:$0x3];
	[sflag:s11] =	ssyncset.done $0x0  }
0xc1: {  	[sflag:s11] =	ssyncadd.s32 $0xFFFFC400;
	s6 =	sadd.s32 s10, s6  }
0xc2: {  	[tilespmem:s3], [sflag:$0x4] =	stream.linear.gather [hbm4b:s6+s3], $0x400, $0x38;
	[tilespmem:$0x1F4C0] =	vst v63  }
0xc3: {  	_ =	swait.ge [sflag:s11], $0x400  }
0xc4: {  	[sflag:s11] =	ssyncset.done $0x0  }
0xc5: {  	s10 =	sadd.s32 s10, s9;
	[sflag:s11] =	ssyncadd.s32 $0xFFFFFC00  }
0xc6: {  	[tilespmem:s12], [sflag:$0x4] =	stream.linear.gather [hbm4b:s10+s3], $0x400, $0x38;
	[tilespmem:$0x1F4C0] =	vst v63  }
0xc7: {  	_ =	swait.ge [sflag:s11], $0x400  }
0xc8: {  	[sflag:s11] =	ssyncset.done $0x0  }
0xc9: {  	[sflag:s11] =	ssyncadd.s32 $0xFFFFFC00  }
0xca: {  	[tilespmem:s14], [sflag:$0x1] =	stream.indirect.gather [hbm4b:s4+s13], $0x80, s3, s13, $0xb8;
	[tilespmem:$0x1F4C0] =	vst v63  }
0xcb: {  	_ = 	snop  }
0xcc: {  	[tilespmem:s16], [sflag:$0x2] =	stream.indirect.gather [hbm4b:s4+s13], $0x80, s15, s13, $0xb8;
	[tilespmem:$0x1F4C0] =	vst v63  }
0xcd: {  	_ =	swait.ge [sflag:s17], $0x3C00  }
0xce: {  	[sflag:s17] =	ssyncset.done $0x0  }
0xcf: {  	[sflag:s17] =	ssyncadd.s32 $0xFFFFC400  }
0xd0: {  	[tilespmem:s19], [sflag:$0x3] =	stream.indirect.gather [hbm4b:s4+s13], $0x80, s18, s13, $0xb8;
	[tilespmem:$0x1F4C0] =	vst v63  }
0xd1: {  	_ = 	snop  }
0xd2: {  	[spmem:s2] =	stream.indirect.scatter.add.f32 [tilespmem:s14], [sflag:$0x4], $0x80, s12, s13, $0xb8;
	[tilespmem:$0x1F4C0] =	vst v63  }
0xd3: {  	_ =	swait.ge [sflag:s11], $0x3C00  }
0xd4: {  	[sflag:s11] =	ssyncset.done $0x0  }
0xd5: {  	[sflag:s11] =	ssyncadd.s32 $0xFFFFC400  }
0xd6: {  	_ =	swait.ge [sflag:s20], $0x3C00  }
0xd7: {  	[sflag:s20] =	ssyncset.done $0x0  }
0xd8: {  	[sflag:s20] =	ssyncadd.s32 $0xFFFFC400  }
0xd9: {  	[tilespmem:s14], [sflag:$0x1] =	stream.indirect.gather [hbm4b:s4+s13], $0x80, s21, s13, $0xb8;
	[tilespmem:$0x1F4C0] =	vst v63  }
0xda: {  	_ = 	snop  }
0xdb: {  	[spmem:s2] =	stream.indirect.scatter.add.f32 [tilespmem:s16], [sflag:$0x4], $0x80, s22, s13, $0xb8;
	[tilespmem:$0x1F4C0] =	vst v63  }
0xdc: {  	_ =	swait.ge [sflag:s11], $0x3C00  }
0xdd: {  	[sflag:s11] =	ssyncset.done $0x0  }
0xde: {  	[sflag:s11] =	ssyncadd.s32 $0xFFFFC400  }
0xdf: {  	_ =	swait.ge [sflag:s23], $0x3C00  }
0xe0: {  	[sflag:s23] =	ssyncset.done $0x0  }
0xe1: {  	[sflag:s23] =	ssyncadd.s32 $0xFFFFC400  }
0xe2: {  	[tilespmem:s16], [sflag:$0x2] =	stream.indirect.gather [hbm4b:s4+s13], $0x80, s24, s13, $0xb8;
	[tilespmem:$0x1F4C0] =	vst v63  }
0xe3: {  	_ = 	snop  }
0xe4: {  	[spmem:s2] =	stream.indirect.scatter.add.f32 [tilespmem:s19], [sflag:$0x4], $0x80, s26, s13, $0xb8;
	[tilespmem:$0x1F4C0] =	vst v63  }
0xe5: {  	_ =	swait.ge [sflag:s11], $0x3C00  }
0xe6: {  	[sflag:s11] =	ssyncset.done $0x0  }
0xe7: {  	[sflag:s11] =	ssyncadd.s32 $0xFFFFC400  }
0xe8: {  	_ =	swait.ge [sflag:s17], $0x3C00  }
0xe9: {  	[sflag:s17] =	ssyncset.done $0x0  }
0xea: {  	[sflag:s17] =	ssyncadd.s32 $0xFFFFC400  }
0xeb: {  	[tilespmem:s19], [sflag:$0x3] =	stream.indirect.gather [hbm4b:s4+s13], $0x80, s28, s13, $0xb8;
	[tilespmem:$0x1F4C0] =	vst v63  }
0xec: {  	_ = 	snop  }
0xed: {  	[spmem:s2] =	stream.indirect.scatter.add.f32 [tilespmem:s14], [sflag:$0x4], $0x80, s29, s13, $0xb8;
	[tilespmem:$0x1F4C0] =	vst v63  }
0xee: {  	_ =	swait.ge [sflag:s11], $0x3C00  }
0xef: {  	[sflag:s11] =	ssyncset.done $0x0  }
0xf0: {  	[sflag:s11] =	ssyncadd.s32 $0xFFFFC400  }
0xf1: {  	_ =	swait.ge [sflag:s20], $0x3C00  }
0xf2: {  	[sflag:s20] =	ssyncset.done $0x0  }
0xf3: {  	[sflag:s20] =	ssyncadd.s32 $0xFFFFC400  }
0xf4: {  	[tilespmem:s14], [sflag:$0x1] =	stream.indirect.gather [hbm4b:s4+s13], $0x80, s30, s13, $0xb8;
	[tilespmem:$0x1F4C0] =	vst v63  }
0xf5: {  	_ = 	snop  }
0xf6: {  	[spmem:s2] =	stream.indirect.scatter.add.f32 [tilespmem:s16], [sflag:$0x4], $0x80, s31, s13, $0xb8;
	[tilespmem:$0x1F4C0] =	vst v63  }
0xf7: {  	_ =	swait.ge [sflag:s11], $0x3C00  }
0xf8: {  	[sflag:s11] =	ssyncset.done $0x0  }
0xf9: {  	[sflag:s11] =	ssyncadd.s32 $0xFFFFC400  }
0xfa: {  	_ =	swait.ge [sflag:s23], $0x3C00  }
0xfb: {  	[sflag:s23] =	ssyncset.done $0x0  }
0xfc: {  	[sflag:s23] =	ssyncadd.s32 $0xFFFFC400  }
0xfd: {  	[tilespmem:s16], [sflag:$0x2] =	stream.indirect.gather [hbm4b:s4+s13], $0x80, s0, s13, $0xb8;
	[tilespmem:$0x1F4C0] =	vst v63  }
0xfe: {  	_ = 	snop  }
0xff: {  	[spmem:s2] =	stream.indirect.scatter.add.f32 [tilespmem:s19], [sflag:$0x4], $0x80, s1, s13, $0xb8;
	[tilespmem:$0x1F4C0] =	vst v63  }
0x100: {  	_ =	swait.ge [sflag:s11], $0x3C00  }
0x101: {  	[sflag:s11] =	ssyncset.done $0x0  }
0x102: {  	[sflag:s11] =	ssyncadd.s32 $0xFFFFC400  }
0x103: {  	_ =	swait.ge [sflag:s17], $0x3C00  }
0x104: {  	[sflag:s17] =	ssyncset.done $0x0  }
0x105: {  	[sflag:s17] =	ssyncadd.s32 $0xFFFFC400  }
0x106: {  	[spmem:s2] =	stream.indirect.scatter.add.f32 [tilespmem:s14], [sflag:$0x4], $0x80, s5, s13, $0xb8;
	[tilespmem:$0x1F4C0] =	vst v63  }
0x107: {  	_ =	swait.ge [sflag:s11], $0x3C00  }
0x108: {  	[sflag:s11] =	ssyncset.done $0x0  }
0x109: {  	[sflag:s11] =	ssyncadd.s32 $0xFFFFC400  }
0x10a: {  	_ =	swait.ge [sflag:s20], $0x3C00  }
0x10b: {  	[sflag:s20] =	ssyncset.done $0x0  }
0x10c: {  	[sflag:s20] =	ssyncadd.s32 $0xFFFFC400  }
0x10d: {  	[spmem:s2] =	stream.indirect.scatter.add.f32 [tilespmem:s16], [sflag:$0x4], $0x80, s7, s13, $0xb8;
	[tilespmem:$0x1F4C0] =	vst v63  }
0x10e: {  	_ =	swait.ge [sflag:s11], $0x3C00  }
0x10f: {  	[sflag:s11] =	ssyncset.done $0x0  }
0x110: {  	[sflag:s11] =	ssyncadd.s32 $0xFFFFC400  }
0x111: {  	[bflag:$0x0] =	sbarrier.arrive $0xFFFF  }
0x112: {  	s10 =	rddreg [dreg:$0x5]  }
0x113: {  	s25 =	rddreg [dreg:$0x6]  }
0x114: {  	s8 =	rddreg [dreg:$0x9]  }
0x115: {  	[hbm:s25], [sflag:s10] =	dma.local [spmem:s8], $0x2780  }
0x116: {  	_ =	swait.ge [sflag:s11], $0x2780  }
0x117: {  	s6 =	rddreg [dreg:$0xa]  }
0x118: {  	s25 =	rddreg [dreg:$0x7];
	s8 =	sadd.s32 $0x1, s6  }
0x119: {  	p0 =	sne.s32 s8, s25  }
.Ltmp1:
0x11a: {  	_ = 	snop;
	(pc) =	sbr.rel @p0 .LBB2_1-.Ltmp1, $3  }
0x11b: {  	_ =	sdelay $0x1  }
0x11c: {  	[sflag:s11] =	ssyncset.done $0x0  }
0x11d: {  	[sflag:s11] =	ssyncadd.s32 $0xFFFFD880  }
0x11e: {  	_ =	sfence.sel $0x180000  }
0x11f: {  	[bflag:$0x0] =	sbarrier.arrive $0xFFFF  }
0x120: {  	_ =	strace $0x90000050  }
0x121: {  	s0 =	stileid.u32;
	[bflag:$0x2] =	sbarrier.arrive $0xFFFF  }
0x122: {  	p0 =	sne.s32 s0, $0x0;
	s0 =	rddreg [dreg:$0x2]  }
0x123: {  	s0 =	sadd.s32 @!p0 $0x100000, s0  }
0x124: {  	[sflag:s0] =	ssyncadd.tile.s32 @!p0 $0x1;
	_ =	shalt  }
.Lfunc_end2:
_tile_overlayer_lowered:
.L_overlay_start_2:
0x125: {  	(tag) =	ssettag $0x2  }
0x126: {  	s0 =	rddreg [dreg:$0x0];
	s2 =	stileid.u32  }
0x127: {  	s1 =	rddreg [dreg:$0x1];
	p0 =	sne.s32 s2, $0x0  }
0x128: {  	s3 =	rddreg [dreg:$0x2];
	[bflag:$0x3] =	sbarrier.arrive $0xFFFF;
	s2 =	simm.s32 @!p0 $0x1C04  }
0x129: {  	[timem:s3], [sflag:s2] =	dma.local @!p0 [hbm:s0], s1  }
0x12a: {  	s0 =	simm.s32 @!p0 $0x4  }
0x12b: {  	_ =	swait.ge @!p0 [sflag:s0], s1  }
0x12c: {  	s1 =	ssub.s32 @!p0 $0x0, s1;
	[sflag:s0] =	ssyncset.done @!p0 $0x0  }
0x12d: {  	[sflag:s0] =	ssyncadd.s32 @!p0 s1  }
0x12e: {  	[bflag:$0x3] =	sbarrier.arrive $0xFFFF  }
0x12f: {  	_ =	shalt  }

</sc_bundles>
